<compile_context>
chip_gen: v7x
topology: tpu7x:2x2x1
jax: 0.10.2.dev20260603
libtpu: 0.0.44.dev20260713+nightly
codegen_flags: <defaults>
</compile_context>

<pallas_src>
import jax
import jax.numpy as jnp
from jax import lax
from jax.experimental import pallas as pl
from jax.experimental.pallas import tpu as pltpu
from jax.experimental.pallas import tpu_sc as plsc

NUM_EMBEDDINGS = 1000000
EMBEDDING_DIM = 32
BATCH = 4096
SEQ_LEN = 200
NUM_IDX = BATCH * SEQ_LEN

WINDOW = 1024


NSPLIT = 2
SEQ_SLICE = SEQ_LEN // NSPLIT
IDX_SLICE = SEQ_SLICE * BATCH


def _gather_fn(table, idx_flat):
    vector_mesh = plsc.VectorSubcoreMesh(
        core_axis_name="core", subcore_axis_name="subcore"
    )

    @pl.kernel(
        out_type=jax.ShapeDtypeStruct((SEQ_SLICE, BATCH, EMBEDDING_DIM),
                                      table.dtype),
        mesh=vector_mesh,
        compiler_params=pltpu.CompilerParams(use_tc_tiling_on_sc=False),
    )
    def kernel_body(x_hbm, i_hbm, o_hbm):
        def body(i_vmem, o_vmem):
            pltpu.sync_copy(x_hbm.at[i_vmem.at[0]], o_vmem.at[0])

        pltpu.emit_pipeline(
            body,
            grid=(IDX_SLICE // WINDOW,),
            in_specs=[pl.BlockSpec((1, WINDOW), index_map=lambda i: (0, i))],
            out_specs=[
                pl.BlockSpec(
                    (1, WINDOW, EMBEDDING_DIM),
                    index_map=lambda i: (i // (BATCH // WINDOW),
                                         i % (BATCH // WINDOW), 0),
                )
            ],
            core_axis_name=("core", "subcore"),
            dimension_semantics=(pltpu.PARALLEL,),
        )(i_hbm, o_hbm)

    return kernel_body(table, idx_flat)


def kernel(np_batch, table):
    idx_t = jnp.swapaxes(np_batch, 0, 1).astype(jnp.int32).reshape(1, NUM_IDX)
    parts = []
    for k in range(NSPLIT):
        idx_k = lax.slice(idx_t, (0, k * IDX_SLICE), (1, (k + 1) * IDX_SLICE))
        out_k = _gather_fn(table, idx_k)
        parts.append(jnp.transpose(out_k, (1, 0, 2)))
    return jnp.concatenate(parts, axis=1)

# --- scband reference (transcript-rebuilt; emitter-appended) ---
"""Pipeline reference for scband-word-embedding-layer-22634477650296 (READ-ONLY COPY).

The authoritative reference and input builder live on the scoring server;
editing this copy changes nothing except your own understanding.
"""

import jax, jax.numpy as jnp
import numpy as np

NUM_EMBEDDINGS = 1000000
EMBEDDING_DIM = 32
BATCH = 4096
SEQ_LEN = 200


def setup_inputs(seed: int = 0) -> dict:
    key = jax.random.key(seed)
    k_idx, k_tab = jax.random.split(key)
    np_batch = jax.random.randint(k_idx, (BATCH, SEQ_LEN), 0, NUM_EMBEDDINGS, dtype=jnp.int64 if jax.config.jax_enable_x64 else jnp.int32)
    table = jax.random.normal(k_tab, (NUM_EMBEDDINGS, EMBEDDING_DIM), dtype=jnp.float32)
    return {"np_batch": np_batch, "table": table}


def reference(np_batch, table):
    # WordEmbeddingLayer.forward: emb_batch = self.embeddings(batch)
    emb_batch = jnp.take(table, np_batch, axis=0)
    return emb_batch

if __name__ == "__main__":
    import jax
    _d = setup_inputs()
    print(jax.jit(kernel)(*tuple(_d.values())))

</pallas_src>

<mosaic_0001>
#map = affine_map<(d0, d1) -> (0, 0)>
#map1 = affine_map<(d0, d1) -> (0, 0, 0)>
module attributes {stable_mosaic.version = 14 : i64} {
  func.func @kernel_body(%arg0: i32, %arg1: i32, %arg2: memref<1000000x32xf32, #tpu.memory_space<hbm>>, %arg3: memref<1x409600xi32, #tpu.memory_space<hbm>>, %arg4: memref<100x4096x32xf32, #tpu.memory_space<hbm>>) attributes {dimension_semantics = [#tpu.dimension_semantics<core_parallel>, #tpu.dimension_semantics<subcore_parallel>], iteration_bounds = array<i64: 2, 16>, scalar_prefetch = 0 : i64, scratch_operands = 0 : i64, tpu.core_type = #tpu.core_type<sc_vector_subcore>, window_params = [{transform_indices = #map}, {transform_indices = #map}, {transform_indices = #map1}]} {
    %mul3A = arith.constant 1 : i32
    %mul3A_0 = arith.muli %arg1, %mul3A : i32
    %add3A = arith.constant 0 : i32
    %add3A_1 = arith.addi %add3A, %mul3A_0 : i32
    %mul3A_2 = arith.constant 16 : i32
    %mul3A_3 = arith.muli %arg0, %mul3A_2 : i32
    %add3A_4 = arith.addi %add3A_1, %mul3A_3 : i32
    %lt3A = arith.constant 16 : i32
    %lt3A_5 = arith.cmpi slt, %add3A_4, %lt3A : i32
    %jit3A = arith.constant 13 : i32
    %jit3A_6 = arith.constant 12 : i32
    %select_n3A = arith.select %lt3A_5, %jit3A, %jit3A_6 : i32
    %lt3A_7 = arith.constant 16 : i32
    %lt3A_8 = arith.cmpi slt, %add3A_4, %lt3A_7 : i32
    %mul3A_9 = arith.muli %add3A_4, %select_n3A : i32
    %mul3A_10 = arith.constant 12 : i32
    %mul3A_11 = arith.muli %add3A_4, %mul3A_10 : i32
    %add3A_12 = arith.constant 16 : i32
    %add3A_13 = arith.addi %mul3A_11, %add3A_12 : i32
    %select_n3A_14 = arith.select %lt3A_8, %mul3A_9, %add3A_13 : i32
    %mul3A_15 = arith.constant 1 : i32
    %mul3A_16 = arith.muli %mul3A_15, %select_n3A : i32
    "tpu.region"() ({
      %run_scoped3A = memref.alloca() : memref<2x1x1024xi32, #tpu.memory_space<vmem>>
      %run_scoped3A_17 = tpu.sem_alloc : memref<2x!tpu.dma_semaphore, #tpu.memory_space<semaphore_mem>>
      %run_scoped3A_18 = memref.alloca() : memref<2x1x1024x32xf32, #tpu.memory_space<vmem>>
      %run_scoped3A_19 = tpu.sem_alloc : memref<2x!tpu.dma_semaphore, #tpu.memory_space<semaphore_mem>>
      %gt3A = arith.constant 0 : i32
      %gt3A_20 = arith.cmpi sgt, %mul3A_16, %gt3A : i32
      %convert_element_type3A = arith.extui %gt3A_20 : i1 to i32
      %cond3A = arith.constant 0 : i32
      %cond3A_21 = arith.cmpi ne, %convert_element_type3A, %cond3A : i32
      scf.if %cond3A_21 {
        %mul3A_22 = arith.constant 1 : i32
        %mul3A_23 = arith.muli %mul3A_22, %select_n3A : i32
        %sub3A = arith.constant 1 : i32
        %sub3A_24 = arith.subi %mul3A_23, %sub3A : i32
        %eq3A = arith.constant 0 : i32
        %eq3A_25 = arith.cmpi eq, %sub3A_24, %eq3A : i32
        %add3A_26 = arith.constant 0 : i32
        %add3A_27 = arith.addi %add3A_26, %select_n3A_14 : i32
        %select_n3A_28 = arith.constant true
        %select_n3A_29 = arith.constant 0 : i32
        %select_n3A_30 = arith.constant -1 : i32
        %select_n3A_31 = arith.select %select_n3A_28, %select_n3A_30, %select_n3A_29 : i32
        %eq3A_32 = arith.constant -1 : i32
        %eq3A_33 = arith.cmpi eq, %select_n3A_31, %eq3A_32 : i32
        %sub3A_34 = arith.constant 1 : i32
        %sub3A_35 = arith.subi %select_n3A, %sub3A_34 : i32
        %select_n3A_36 = arith.select %eq3A_33, %sub3A_35, %select_n3A_31 : i32
        %add3A_37 = arith.addi %select_n3A_36, %select_n3A_14 : i32
        %select_n3A_38 = arith.constant true
        %select_n3A_39 = arith.constant 0 : i32
        %select_n3A_40 = arith.constant 1 : i32
        %select_n3A_41 = arith.select %select_n3A_38, %select_n3A_40, %select_n3A_39 : i32
        %eq3A_42 = arith.cmpi eq, %select_n3A_41, %select_n3A : i32
        %select_n3A_43 = arith.constant 0 : i32
        %select_n3A_44 = arith.select %eq3A_42, %select_n3A_43, %select_n3A_41 : i32
        %add3A_45 = arith.addi %select_n3A_44, %select_n3A_14 : i32
        %add3A_46 = arith.constant 1 : i32
        %add3A_47 = arith.addi %select_n3A_44, %add3A_46 : i32
        %select_n3A_48 = arith.constant true
        %select_n3A_49 = arith.select %select_n3A_48, %add3A_47, %select_n3A_44 : i32
        %eq3A_50 = arith.cmpi eq, %select_n3A_49, %select_n3A : i32
        %select_n3A_51 = arith.constant 0 : i32
        %select_n3A_52 = arith.select %eq3A_50, %select_n3A_51, %select_n3A_49 : i32
        %add3A_53 = arith.addi %select_n3A_52, %select_n3A_14 : i32
        "tpu.trace_start"() <{level = 10 : i32, message = "ep_initialize_0"}> : () -> ()
        %rem3A = arith.constant 0 : i32
        %rem3A_54 = arith.constant 2 : i32
        %rem3A_55 = arith.remui %rem3A, %rem3A_54 : i32
        %mul3A_56 = arith.constant 1024 : i32
        %mul3A_57 = arith.muli %mul3A_56, %add3A_27 : i32
        %dma_start3A = arith.constant 0 : i32
        %dma_start3A_58 = arith.constant 0 : i32
        %dma_start3A_59 = tpu.memref_slice %run_scoped3A[%rem3A_55, %dma_start3A, %dma_start3A_58] : memref<2x1x1024xi32, #tpu.memory_space<vmem>> -> memref<1x1x1024xi32, #tpu.memory_space<vmem>>
        %dma_start3A_60 = tpu.memref_squeeze %dma_start3A_59 : memref<1x1x1024xi32, #tpu.memory_space<vmem>> -> memref<1x1024xi32, #tpu.memory_space<vmem>>
        %dma_start3A_61 = arith.constant 0 : i32
        %dma_start3A_62 = tpu.memref_slice %arg3[%dma_start3A_61, %mul3A_57] : memref<1x409600xi32, #tpu.memory_space<hbm>> -> memref<1x1024xi32, #tpu.memory_space<hbm>>
        %dma_start3A_63 = tpu.memref_slice %run_scoped3A_17[%rem3A_55] : memref<2x!tpu.dma_semaphore, #tpu.memory_space<semaphore_mem>> -> memref<1x!tpu.dma_semaphore, #tpu.memory_space<semaphore_mem>>
        %dma_start3A_64 = tpu.memref_squeeze %dma_start3A_63 : memref<1x!tpu.dma_semaphore, #tpu.memory_space<semaphore_mem>> -> memref<!tpu.dma_semaphore, #tpu.memory_space<semaphore_mem>>
        %dma_start3A_65 = arith.constant 0 : i32
        %dma_start3A_66 = arith.constant 0 : i32
        %dma_start3A_67 = tpu.memref_slice %run_scoped3A[%rem3A_55, %dma_start3A_65, %dma_start3A_66] : memref<2x1x1024xi32, #tpu.memory_space<vmem>> -> memref<1x1x1024xi32, #tpu.memory_space<vmem>>
        %dma_start3A_68 = tpu.memref_squeeze %dma_start3A_67 : memref<1x1x1024xi32, #tpu.memory_space<vmem>> -> memref<1x1024xi32, #tpu.memory_space<vmem>>
        %dma_start3A_69 = arith.constant 0 : i32
        %dma_start3A_70 = tpu.memref_slice %arg3[%dma_start3A_69, %mul3A_57] : memref<1x409600xi32, #tpu.memory_space<hbm>> -> memref<1x1024xi32, #tpu.memory_space<hbm>>
        tpu.enqueue_dma source(%dma_start3A_70 : memref<1x1024xi32, #tpu.memory_space<hbm>>) target(%dma_start3A_68 : memref<1x1024xi32, #tpu.memory_space<vmem>>) target_semaphore(%dma_start3A_64 : memref<!tpu.dma_semaphore, #tpu.memory_space<semaphore_mem>>)
        %add3A_71 = arith.constant 0 : i32
        %add3A_72 = arith.constant 1 : i32
        %add3A_73 = arith.addi %add3A_71, %add3A_72 : i32
        %select_n3A_74 = arith.constant true
        %select_n3A_75 = arith.constant 0 : i32
        %select_n3A_76 = arith.select %select_n3A_74, %add3A_73, %select_n3A_75 : i32
        %while3A = arith.constant 0 : i32
        %while3A_77 = arith.constant 0 : i32
        %while3A_78 = arith.constant 0 : i32
        %while3A_79 = arith.constant 0 : i32
        %while3A_80 = arith.constant 0 : i32
        "tpu.trace_stop"() : () -> ()
        %while3A_81 = arith.subi %mul3A_16, %while3A : i32
        %while3A_82 = arith.addi %while3A, %while3A_81 : i32
        %while3A_83 = arith.constant 1 : i32
        %while3A_84 = arith.divsi %while3A_81, %while3A_83 : i32
        %while3A_85 = arith.muli %while3A_84, %while3A_83 : i32
        %while3A_86 = arith.addi %while3A, %while3A_85 : i32
        %while3A_87 = arith.constant 1 : i32
        %while3A_88:5 = scf.for %while3A_142 = %while3A to %while3A_86 step %while3A_87 iter_args(%while3A_143 = %select_n3A_76, %while3A_144 = %while3A_77, %while3A_145 = %while3A_78, %while3A_146 = %while3A_79, %while3A_147 = %while3A_80) -> (i32, i32, i32, i32, i32)  : i32 {
          %mul3A_148 = arith.constant 1 : i32
          %mul3A_149 = arith.muli %mul3A_148, %select_n3A : i32
          %eq3A_150 = arith.constant 0 : i32
          %eq3A_151 = arith.cmpi eq, %while3A_142, %eq3A_150 : i32
          %sub3A_152 = arith.constant 1 : i32
          %sub3A_153 = arith.subi %mul3A_149, %sub3A_152 : i32
          %eq3A_154 = arith.cmpi eq, %while3A_142, %sub3A_153 : i32
          %add3A_155 = arith.addi %while3A_147, %select_n3A_14 : i32
          %sub3A_156 = arith.constant 1 : i32
          %sub3A_157 = arith.subi %while3A_147, %sub3A_156 : i32
          %select_n3A_158 = arith.constant true
          %select_n3A_159 = arith.select %select_n3A_158, %sub3A_157, %while3A_147 : i32
          %eq3A_160 = arith.constant -1 : i32
          %eq3A_161 = arith.cmpi eq, %select_n3A_159, %eq3A_160 : i32
          %sub3A_162 = arith.constant 1 : i32
          %sub3A_163 = arith.subi %select_n3A, %sub3A_162 : i32
          %select_n3A_164 = arith.select %eq3A_161, %sub3A_163, %select_n3A_159 : i32
          %add3A_165 = arith.addi %select_n3A_164, %select_n3A_14 : i32
          %add3A_166 = arith.constant 1 : i32
          %add3A_167 = arith.addi %while3A_147, %add3A_166 : i32
          %select_n3A_168 = arith.constant true
          %select_n3A_169 = arith.select %select_n3A_168, %add3A_167, %while3A_147 : i32
          %eq3A_170 = arith.cmpi eq, %select_n3A_169, %select_n3A : i32
          %select_n3A_171 = arith.constant 0 : i32
          %select_n3A_172 = arith.select %eq3A_170, %select_n3A_171, %select_n3A_169 : i32
          %add3A_173 = arith.addi %select_n3A_172, %select_n3A_14 : i32
          %add3A_174 = arith.constant 1 : i32
          %add3A_175 = arith.addi %select_n3A_172, %add3A_174 : i32
          %select_n3A_176 = arith.constant true
          %select_n3A_177 = arith.select %select_n3A_176, %add3A_175, %select_n3A_172 : i32
          %eq3A_178 = arith.cmpi eq, %select_n3A_177, %select_n3A : i32
          %select_n3A_179 = arith.constant 0 : i32
          %select_n3A_180 = arith.select %eq3A_178, %select_n3A_179, %select_n3A_177 : i32
          %add3A_181 = arith.addi %select_n3A_180, %select_n3A_14 : i32
          %ne3A = arith.cmpi ne, %add3A_155, %add3A_173 : i32
          %or3A = arith.constant false
          %or3A_182 = arith.ori %or3A, %ne3A : i1
          %sub3A_183 = arith.constant 2 : i32
          %sub3A_184 = arith.subi %mul3A_149, %sub3A_183 : i32
          %add3A_185 = arith.constant 1 : i32
          %add3A_186 = arith.addi %sub3A_184, %add3A_185 : i32
          %ge3A = arith.cmpi sge, %while3A_142, %add3A_186 : i32
          %not3A = arith.constant true
          %not3A_187 = arith.xori %ge3A, %not3A : i1
          %and3A = arith.andi %or3A_182, %not3A_187 : i1
          %convert_element_type3A_188 = arith.extui %and3A : i1 to i32
          %cond3A_189 = arith.constant 0 : i32
          %cond3A_190 = arith.cmpi ne, %convert_element_type3A_188, %cond3A_189 : i32
          scf.if %cond3A_190 {
            "tpu.trace_start"() <{level = 10 : i32, message = "ep_copy_in"}> : () -> ()
            %rem3A_621 = arith.constant 2 : i32
            %rem3A_622 = arith.remui %while3A_143, %rem3A_621 : i32
            %mul3A_623 = arith.constant 1024 : i32
            %mul3A_624 = arith.muli %mul3A_623, %add3A_173 : i32
            %dma_start3A_625 = arith.constant 0 : i32
            %dma_start3A_626 = arith.constant 0 : i32
            %dma_start3A_627 = tpu.memref_slice %run_scoped3A[%rem3A_622, %dma_start3A_625, %dma_start3A_626] : memref<2x1x1024xi32, #tpu.memory_space<vmem>> -> memref<1x1x1024xi32, #tpu.memory_space<vmem>>
            %dma_start3A_628 = tpu.memref_squeeze %dma_start3A_627 : memref<1x1x1024xi32, #tpu.memory_space<vmem>> -> memref<1x1024xi32, #tpu.memory_space<vmem>>
            %dma_start3A_629 = arith.constant 0 : i32
            %dma_start3A_630 = tpu.memref_slice %arg3[%dma_start3A_629, %mul3A_624] : memref<1x409600xi32, #tpu.memory_space<hbm>> -> memref<1x1024xi32, #tpu.memory_space<hbm>>
            %dma_start3A_631 = tpu.memref_slice %run_scoped3A_17[%rem3A_622] : memref<2x!tpu.dma_semaphore, #tpu.memory_space<semaphore_mem>> -> memref<1x!tpu.dma_semaphore, #tpu.memory_space<semaphore_mem>>
            %dma_start3A_632 = tpu.memref_squeeze %dma_start3A_631 : memref<1x!tpu.dma_semaphore, #tpu.memory_space<semaphore_mem>> -> memref<!tpu.dma_semaphore, #tpu.memory_space<semaphore_mem>>
            %dma_start3A_633 = arith.constant 0 : i32
            %dma_start3A_634 = arith.constant 0 : i32
            %dma_start3A_635 = tpu.memref_slice %run_scoped3A[%rem3A_622, %dma_start3A_633, %dma_start3A_634] : memref<2x1x1024xi32, #tpu.memory_space<vmem>> -> memref<1x1x1024xi32, #tpu.memory_space<vmem>>
            %dma_start3A_636 = tpu.memref_squeeze %dma_start3A_635 : memref<1x1x1024xi32, #tpu.memory_space<vmem>> -> memref<1x1024xi32, #tpu.memory_space<vmem>>
            %dma_start3A_637 = arith.constant 0 : i32
            %dma_start3A_638 = tpu.memref_slice %arg3[%dma_start3A_637, %mul3A_624] : memref<1x409600xi32, #tpu.memory_space<hbm>> -> memref<1x1024xi32, #tpu.memory_space<hbm>>
            tpu.enqueue_dma source(%dma_start3A_638 : memref<1x1024xi32, #tpu.memory_space<hbm>>) target(%dma_start3A_636 : memref<1x1024xi32, #tpu.memory_space<vmem>>) target_semaphore(%dma_start3A_632 : memref<!tpu.dma_semaphore, #tpu.memory_space<semaphore_mem>>)
            "tpu.trace_stop"() : () -> ()
          } else {
          }
          %and3A_191 = arith.constant true
          %and3A_192 = arith.andi %and3A, %and3A_191 : i1
          %add3A_193 = arith.constant 1 : i32
          %add3A_194 = arith.addi %while3A_143, %add3A_193 : i32
          %select_n3A_195 = arith.select %and3A_192, %add3A_194, %while3A_143 : i32
          %jit3A_196 = arith.constant 4 : i32
          %div3A = arith.divsi %add3A_155, %jit3A_196 : i32
          %sign3A = arith.constant 0 : i32
          %sign3A_197 = arith.cmpi sgt, %add3A_155, %sign3A : i32
          %sign3A_198 = arith.extui %sign3A_197 : i1 to i32
          %sign3A_199 = arith.constant 0 : i32
          %sign3A_200 = arith.cmpi slt, %add3A_155, %sign3A_199 : i32
          %sign3A_201 = arith.extui %sign3A_200 : i1 to i32
          %sign3A_202 = arith.subi %sign3A_198, %sign3A_201 : i32
          %sign3A_203 = arith.constant 0 : i32
          %sign3A_204 = arith.cmpi sgt, %jit3A_196, %sign3A_203 : i32
          %sign3A_205 = arith.extui %sign3A_204 : i1 to i32
          %sign3A_206 = arith.constant 0 : i32
          %sign3A_207 = arith.cmpi slt, %jit3A_196, %sign3A_206 : i32
          %sign3A_208 = arith.extui %sign3A_207 : i1 to i32
          %sign3A_209 = arith.subi %sign3A_205, %sign3A_208 : i32
          %ne3A_210 = arith.cmpi ne, %sign3A_202, %sign3A_209 : i32
          %rem3A_211 = arith.remsi %add3A_155, %jit3A_196 : i32
          %ne3A_212 = arith.constant 0 : i32
          %ne3A_213 = arith.cmpi ne, %rem3A_211, %ne3A_212 : i32
          %and3A_214 = arith.andi %ne3A_210, %ne3A_213 : i1
          %sub3A_215 = arith.constant 1 : i32
          %sub3A_216 = arith.subi %div3A, %sub3A_215 : i32
          %select_n3A_217 = arith.select %and3A_214, %sub3A_216, %div3A : i32
          %jit3A_218 = arith.constant 4 : i32
          %eq3A_219 = arith.constant 0 : i32
          %eq3A_220 = arith.cmpi eq, %jit3A_218, %eq3A_219 : i32
          %jit3A_221 = arith.constant 1 : i32
          %select_n3A_222 = arith.select %eq3A_220, %jit3A_221, %jit3A_218 : i32
          %rem3A_223 = arith.remsi %add3A_155, %select_n3A_222 : i32
          %ne3A_224 = arith.constant 0 : i32
          %ne3A_225 = arith.cmpi ne, %rem3A_223, %ne3A_224 : i32
          %lt3A_226 = arith.constant 0 : i32
          %lt3A_227 = arith.cmpi slt, %rem3A_223, %lt3A_226 : i32
          %lt3A_228 = arith.constant 0 : i32
          %lt3A_229 = arith.cmpi slt, %select_n3A_222, %lt3A_228 : i32
          %ne3A_230 = arith.xori %lt3A_227, %lt3A_229 : i1
          %and3A_231 = arith.andi %ne3A_230, %ne3A_225 : i1
          %add3A_232 = arith.addi %rem3A_223, %select_n3A_222 : i32
          %select_n3A_233 = arith.select %and3A_231, %add3A_232, %rem3A_223 : i32
          %jit3A_234 = arith.constant 4 : i32
          %div3A_235 = arith.divsi %add3A_173, %jit3A_234 : i32
          %sign3A_236 = arith.constant 0 : i32
          %sign3A_237 = arith.cmpi sgt, %add3A_173, %sign3A_236 : i32
          %sign3A_238 = arith.extui %sign3A_237 : i1 to i32
          %sign3A_239 = arith.constant 0 : i32
          %sign3A_240 = arith.cmpi slt, %add3A_173, %sign3A_239 : i32
          %sign3A_241 = arith.extui %sign3A_240 : i1 to i32
          %sign3A_242 = arith.subi %sign3A_238, %sign3A_241 : i32
          %sign3A_243 = arith.constant 0 : i32
          %sign3A_244 = arith.cmpi sgt, %jit3A_234, %sign3A_243 : i32
          %sign3A_245 = arith.extui %sign3A_244 : i1 to i32
          %sign3A_246 = arith.constant 0 : i32
          %sign3A_247 = arith.cmpi slt, %jit3A_234, %sign3A_246 : i32
          %sign3A_248 = arith.extui %sign3A_247 : i1 to i32
          %sign3A_249 = arith.subi %sign3A_245, %sign3A_248 : i32
          %ne3A_250 = arith.cmpi ne, %sign3A_242, %sign3A_249 : i32
          %rem3A_251 = arith.remsi %add3A_173, %jit3A_234 : i32
          %ne3A_252 = arith.constant 0 : i32
          %ne3A_253 = arith.cmpi ne, %rem3A_251, %ne3A_252 : i32
          %and3A_254 = arith.andi %ne3A_250, %ne3A_253 : i1
          %sub3A_255 = arith.constant 1 : i32
          %sub3A_256 = arith.subi %div3A_235, %sub3A_255 : i32
          %select_n3A_257 = arith.select %and3A_254, %sub3A_256, %div3A_235 : i32
          %jit3A_258 = arith.constant 4 : i32
          %eq3A_259 = arith.constant 0 : i32
          %eq3A_260 = arith.cmpi eq, %jit3A_258, %eq3A_259 : i32
          %jit3A_261 = arith.constant 1 : i32
          %select_n3A_262 = arith.select %eq3A_260, %jit3A_261, %jit3A_258 : i32
          %rem3A_263 = arith.remsi %add3A_173, %select_n3A_262 : i32
          %ne3A_264 = arith.constant 0 : i32
          %ne3A_265 = arith.cmpi ne, %rem3A_263, %ne3A_264 : i32
          %lt3A_266 = arith.constant 0 : i32
          %lt3A_267 = arith.cmpi slt, %rem3A_263, %lt3A_266 : i32
          %lt3A_268 = arith.constant 0 : i32
          %lt3A_269 = arith.cmpi slt, %select_n3A_262, %lt3A_268 : i32
          %ne3A_270 = arith.xori %lt3A_267, %lt3A_269 : i1
          %and3A_271 = arith.andi %ne3A_270, %ne3A_265 : i1
          %add3A_272 = arith.addi %rem3A_263, %select_n3A_262 : i32
          %select_n3A_273 = arith.select %and3A_271, %add3A_272, %rem3A_263 : i32
          %ne3A_274 = arith.cmpi ne, %select_n3A_217, %select_n3A_257 : i32
          %ne3A_275 = arith.cmpi ne, %select_n3A_233, %select_n3A_273 : i32
          %or3A_276 = arith.constant false
          %or3A_277 = arith.ori %or3A_276, %ne3A_274 : i1
          %or3A_278 = arith.ori %or3A_277, %ne3A_275 : i1
          %or3A_279 = arith.constant false
          %or3A_280 = arith.ori %or3A_278, %or3A_279 : i1
          %sub3A_281 = arith.constant 2 : i32
          %sub3A_282 = arith.subi %mul3A_149, %sub3A_281 : i32
          %add3A_283 = arith.constant 1 : i32
          %add3A_284 = arith.addi %sub3A_282, %add3A_283 : i32
          %ge3A_285 = arith.cmpi sge, %while3A_142, %add3A_284 : i32
          %not3A_286 = arith.constant true
          %not3A_287 = arith.xori %ge3A_285, %not3A_286 : i1
          %and3A_288 = arith.andi %or3A_280, %not3A_287 : i1
          %ne3A_289 = arith.cmpi ne, %add3A_155, %add3A_165 : i32
          %or3A_290 = arith.constant false
          %or3A_291 = arith.ori %or3A_290, %ne3A_289 : i1
          %or3A_292 = arith.ori %or3A_291, %eq3A_151 : i1
          %convert_element_type3A_293 = arith.extui %or3A_292 : i1 to i32
          %cond3A_294 = arith.constant 0 : i32
          %cond3A_295 = arith.cmpi ne, %convert_element_type3A_293, %cond3A_294 : i32
          scf.if %cond3A_295 {
            "tpu.trace_start"() <{level = 10 : i32, message = "ep_wait_in"}> : () -> ()
            %mul3A_621 = arith.constant 1024 : i32
            %mul3A_622 = arith.muli %mul3A_621, %add3A_155 : i32
            %rem3A_623 = arith.constant 2 : i32
            %rem3A_624 = arith.remui %while3A_144, %rem3A_623 : i32
            %dma_wait3A = arith.constant 0 : i32
            %dma_wait3A_625 = arith.constant 0 : i32
            %dma_wait3A_626 = tpu.memref_slice %run_scoped3A[%rem3A_624, %dma_wait3A, %dma_wait3A_625] : memref<2x1x1024xi32, #tpu.memory_space<vmem>> -> memref<1x1x1024xi32, #tpu.memory_space<vmem>>
            %dma_wait3A_627 = tpu.memref_squeeze %dma_wait3A_626 : memref<1x1x1024xi32, #tpu.memory_space<vmem>> -> memref<1x1024xi32, #tpu.memory_space<vmem>>
            %dma_wait3A_628 = arith.constant 0 : i32
            %dma_wait3A_629 = tpu.memref_slice %arg3[%dma_wait3A_628, %mul3A_622] : memref<1x409600xi32, #tpu.memory_space<hbm>> -> memref<1x1024xi32, #tpu.memory_space<hbm>>
            %dma_wait3A_630 = tpu.memref_slice %run_scoped3A_17[%rem3A_624] : memref<2x!tpu.dma_semaphore, #tpu.memory_space<semaphore_mem>> -> memref<1x!tpu.dma_semaphore, #tpu.memory_space<semaphore_mem>>
            %dma_wait3A_631 = tpu.memref_squeeze %dma_wait3A_630 : memref<1x!tpu.dma_semaphore, #tpu.memory_space<semaphore_mem>> -> memref<!tpu.dma_semaphore, #tpu.memory_space<semaphore_mem>>
            %dma_wait3A_632 = arith.constant 0 : i32
            %dma_wait3A_633 = arith.constant 0 : i32
            %dma_wait3A_634 = tpu.memref_slice %run_scoped3A[%rem3A_624, %dma_wait3A_632, %dma_wait3A_633] : memref<2x1x1024xi32, #tpu.memory_space<vmem>> -> memref<1x1x1024xi32, #tpu.memory_space<vmem>>
            %dma_wait3A_635 = tpu.memref_squeeze %dma_wait3A_634 : memref<1x1x1024xi32, #tpu.memory_space<vmem>> -> memref<1x1024xi32, #tpu.memory_space<vmem>>
            %dma_wait3A_636 = arith.constant 0 : i32
            %dma_wait3A_637 = tpu.memref_slice %arg3[%dma_wait3A_636, %mul3A_622] : memref<1x409600xi32, #tpu.memory_space<hbm>> -> memref<1x1024xi32, #tpu.memory_space<hbm>>
            tpu.wait_dma2 semaphore(%dma_wait3A_631 : memref<!tpu.dma_semaphore, #tpu.memory_space<semaphore_mem>>) src(%dma_wait3A_637 : memref<1x1024xi32, #tpu.memory_space<hbm>>) dst(%dma_wait3A_635 : memref<1x1024xi32, #tpu.memory_space<vmem>>)
            "tpu.trace_stop"() : () -> ()
          } else {
          }
          %jit3A_296 = arith.constant 4 : i32
          %div3A_297 = arith.divsi %add3A_155, %jit3A_296 : i32
          %sign3A_298 = arith.constant 0 : i32
          %sign3A_299 = arith.cmpi sgt, %add3A_155, %sign3A_298 : i32
          %sign3A_300 = arith.extui %sign3A_299 : i1 to i32
          %sign3A_301 = arith.constant 0 : i32
          %sign3A_302 = arith.cmpi slt, %add3A_155, %sign3A_301 : i32
          %sign3A_303 = arith.extui %sign3A_302 : i1 to i32
          %sign3A_304 = arith.subi %sign3A_300, %sign3A_303 : i32
          %sign3A_305 = arith.constant 0 : i32
          %sign3A_306 = arith.cmpi sgt, %jit3A_296, %sign3A_305 : i32
          %sign3A_307 = arith.extui %sign3A_306 : i1 to i32
          %sign3A_308 = arith.constant 0 : i32
          %sign3A_309 = arith.cmpi slt, %jit3A_296, %sign3A_308 : i32
          %sign3A_310 = arith.extui %sign3A_309 : i1 to i32
          %sign3A_311 = arith.subi %sign3A_307, %sign3A_310 : i32
          %ne3A_312 = arith.cmpi ne, %sign3A_304, %sign3A_311 : i32
          %rem3A_313 = arith.remsi %add3A_155, %jit3A_296 : i32
          %ne3A_314 = arith.constant 0 : i32
          %ne3A_315 = arith.cmpi ne, %rem3A_313, %ne3A_314 : i32
          %and3A_316 = arith.andi %ne3A_312, %ne3A_315 : i1
          %sub3A_317 = arith.constant 1 : i32
          %sub3A_318 = arith.subi %div3A_297, %sub3A_317 : i32
          %select_n3A_319 = arith.select %and3A_316, %sub3A_318, %div3A_297 : i32
          %jit3A_320 = arith.constant 4 : i32
          %eq3A_321 = arith.constant 0 : i32
          %eq3A_322 = arith.cmpi eq, %jit3A_320, %eq3A_321 : i32
          %jit3A_323 = arith.constant 1 : i32
          %select_n3A_324 = arith.select %eq3A_322, %jit3A_323, %jit3A_320 : i32
          %rem3A_325 = arith.remsi %add3A_155, %select_n3A_324 : i32
          %ne3A_326 = arith.constant 0 : i32
          %ne3A_327 = arith.cmpi ne, %rem3A_325, %ne3A_326 : i32
          %lt3A_328 = arith.constant 0 : i32
          %lt3A_329 = arith.cmpi slt, %rem3A_325, %lt3A_328 : i32
          %lt3A_330 = arith.constant 0 : i32
          %lt3A_331 = arith.cmpi slt, %select_n3A_324, %lt3A_330 : i32
          %ne3A_332 = arith.xori %lt3A_329, %lt3A_331 : i1
          %and3A_333 = arith.andi %ne3A_332, %ne3A_327 : i1
          %add3A_334 = arith.addi %rem3A_325, %select_n3A_324 : i32
          %select_n3A_335 = arith.select %and3A_333, %add3A_334, %rem3A_325 : i32
          %jit3A_336 = arith.constant 4 : i32
          %div3A_337 = arith.divsi %add3A_165, %jit3A_336 : i32
          %sign3A_338 = arith.constant 0 : i32
          %sign3A_339 = arith.cmpi sgt, %add3A_165, %sign3A_338 : i32
          %sign3A_340 = arith.extui %sign3A_339 : i1 to i32
          %sign3A_341 = arith.constant 0 : i32
          %sign3A_342 = arith.cmpi slt, %add3A_165, %sign3A_341 : i32
          %sign3A_343 = arith.extui %sign3A_342 : i1 to i32
          %sign3A_344 = arith.subi %sign3A_340, %sign3A_343 : i32
          %sign3A_345 = arith.constant 0 : i32
          %sign3A_346 = arith.cmpi sgt, %jit3A_336, %sign3A_345 : i32
          %sign3A_347 = arith.extui %sign3A_346 : i1 to i32
          %sign3A_348 = arith.constant 0 : i32
          %sign3A_349 = arith.cmpi slt, %jit3A_336, %sign3A_348 : i32
          %sign3A_350 = arith.extui %sign3A_349 : i1 to i32
          %sign3A_351 = arith.subi %sign3A_347, %sign3A_350 : i32
          %ne3A_352 = arith.cmpi ne, %sign3A_344, %sign3A_351 : i32
          %rem3A_353 = arith.remsi %add3A_165, %jit3A_336 : i32
          %ne3A_354 = arith.constant 0 : i32
          %ne3A_355 = arith.cmpi ne, %rem3A_353, %ne3A_354 : i32
          %and3A_356 = arith.andi %ne3A_352, %ne3A_355 : i1
          %sub3A_357 = arith.constant 1 : i32
          %sub3A_358 = arith.subi %div3A_337, %sub3A_357 : i32
          %select_n3A_359 = arith.select %and3A_356, %sub3A_358, %div3A_337 : i32
          %jit3A_360 = arith.constant 4 : i32
          %eq3A_361 = arith.constant 0 : i32
          %eq3A_362 = arith.cmpi eq, %jit3A_360, %eq3A_361 : i32
          %jit3A_363 = arith.constant 1 : i32
          %select_n3A_364 = arith.select %eq3A_362, %jit3A_363, %jit3A_360 : i32
          %rem3A_365 = arith.remsi %add3A_165, %select_n3A_364 : i32
          %ne3A_366 = arith.constant 0 : i32
          %ne3A_367 = arith.cmpi ne, %rem3A_365, %ne3A_366 : i32
          %lt3A_368 = arith.constant 0 : i32
          %lt3A_369 = arith.cmpi slt, %rem3A_365, %lt3A_368 : i32
          %lt3A_370 = arith.constant 0 : i32
          %lt3A_371 = arith.cmpi slt, %select_n3A_364, %lt3A_370 : i32
          %ne3A_372 = arith.xori %lt3A_369, %lt3A_371 : i1
          %and3A_373 = arith.andi %ne3A_372, %ne3A_367 : i1
          %add3A_374 = arith.addi %rem3A_365, %select_n3A_364 : i32
          %select_n3A_375 = arith.select %and3A_373, %add3A_374, %rem3A_365 : i32
          %ne3A_376 = arith.cmpi ne, %select_n3A_319, %select_n3A_359 : i32
          %ne3A_377 = arith.cmpi ne, %select_n3A_335, %select_n3A_375 : i32
          %or3A_378 = arith.constant false
          %or3A_379 = arith.ori %or3A_378, %ne3A_376 : i1
          %or3A_380 = arith.ori %or3A_379, %ne3A_377 : i1
          %or3A_381 = arith.constant false
          %or3A_382 = arith.ori %or3A_380, %or3A_381 : i1
          %or3A_383 = arith.ori %or3A_382, %eq3A_151 : i1
          %convert_element_type3A_384 = arith.extui %or3A_383 : i1 to i32
          %cond3A_385 = arith.constant 0 : i32
          %cond3A_386 = arith.cmpi ne, %convert_element_type3A_384, %cond3A_385 : i32
          scf.if %cond3A_386 {
          } else {
          }
          %rem3A_387 = arith.constant 2 : i32
          %rem3A_388 = arith.remui %while3A_144, %rem3A_387 : i32
          %rem3A_389 = arith.constant 2 : i32
          %rem3A_390 = arith.remui %while3A_145, %rem3A_389 : i32
          %run_scoped3A_391 = arith.constant 0 : i32
          %run_scoped3A_392 = arith.constant 0 : i32
          "tpu.trace_start"() <{level = 10 : i32, message = "ep_run_kernel"}> : () -> ()
          "tpu.region"() ({
            %run_scoped3A_621 = tpu.sem_alloc : memref<!tpu.dma_semaphore, #tpu.memory_space<semaphore_mem>>
            %dma_start3A_622 = arith.constant 0 : i32
            %dma_start3A_623 = arith.constant 0 : i32
            %dma_start3A_624 = arith.constant 0 : i32
            %dma_start3A_625 = tpu.memref_slice %run_scoped3A_18[%rem3A_390, %dma_start3A_622, %dma_start3A_623, %dma_start3A_624] : memref<2x1x1024x32xf32, #tpu.memory_space<vmem>> -> memref<1x1x1024x32xf32, #tpu.memory_space<vmem>>
            %dma_start3A_626 = tpu.memref_squeeze %dma_start3A_625 : memref<1x1x1024x32xf32, #tpu.memory_space<vmem>> -> memref<1x1024x32xf32, #tpu.memory_space<vmem>>
            %dma_start3A_627 = arith.constant 0 : i32
            %dma_start3A_628 = arith.constant 0 : i32
            %dma_start3A_629 = tpu.memref_slice %dma_start3A_626[%run_scoped3A_392, %dma_start3A_627, %dma_start3A_628] : memref<1x1024x32xf32, #tpu.memory_space<vmem>> -> memref<1x1024x32xf32, #tpu.memory_space<vmem>>
            %dma_start3A_630 = tpu.memref_squeeze %dma_start3A_629 : memref<1x1024x32xf32, #tpu.memory_space<vmem>> -> memref<1024x32xf32, #tpu.memory_space<vmem>>
            %dma_start3A_631 = arith.constant 0 : i32
            %dma_start3A_632 = arith.constant 0 : i32
            %dma_start3A_633 = tpu.memref_slice %run_scoped3A[%rem3A_388, %dma_start3A_631, %dma_start3A_632] : memref<2x1x1024xi32, #tpu.memory_space<vmem>> -> memref<1x1x1024xi32, #tpu.memory_space<vmem>>
            %dma_start3A_634 = tpu.memref_squeeze %dma_start3A_633 : memref<1x1x1024xi32, #tpu.memory_space<vmem>> -> memref<1x1024xi32, #tpu.memory_space<vmem>>
            %dma_start3A_635 = arith.constant 0 : i32
            %dma_start3A_636 = tpu.memref_slice %dma_start3A_634[%run_scoped3A_391, %dma_start3A_635] : memref<1x1024xi32, #tpu.memory_space<vmem>> -> memref<1x1024xi32, #tpu.memory_space<vmem>>
            %dma_start3A_637 = tpu.memref_squeeze %dma_start3A_636 : memref<1x1024xi32, #tpu.memory_space<vmem>> -> memref<1024xi32, #tpu.memory_space<vmem>>
            %dma_start3A_638 = arith.constant 0 : i32
            %dma_start3A_639 = arith.constant 0 : i32
            %dma_start3A_640 = tpu.memref_slice %arg2[%dma_start3A_638, %dma_start3A_639] : memref<1000000x32xf32, #tpu.memory_space<hbm>> -> memref<1000000x32xf32, #tpu.memory_space<hbm>>
            tpu.enqueue_indirect_dma source(%dma_start3A_640 : memref<1000000x32xf32, #tpu.memory_space<hbm>>) target(%dma_start3A_630 : memref<1024x32xf32, #tpu.memory_space<vmem>>) offsets(%dma_start3A_637 : memref<1024xi32, #tpu.memory_space<vmem>>) semaphore(%run_scoped3A_621 : memref<!tpu.dma_semaphore, #tpu.memory_space<semaphore_mem>>)
            %dma_wait3A = arith.constant 0 : i32
            %dma_wait3A_641 = arith.constant 0 : i32
            %dma_wait3A_642 = arith.constant 0 : i32
            %dma_wait3A_643 = tpu.memref_slice %run_scoped3A_18[%rem3A_390, %dma_wait3A, %dma_wait3A_641, %dma_wait3A_642] : memref<2x1x1024x32xf32, #tpu.memory_space<vmem>> -> memref<1x1x1024x32xf32, #tpu.memory_space<vmem>>
            %dma_wait3A_644 = tpu.memref_squeeze %dma_wait3A_643 : memref<1x1x1024x32xf32, #tpu.memory_space<vmem>> -> memref<1x1024x32xf32, #tpu.memory_space<vmem>>
            %dma_wait3A_645 = arith.constant 0 : i32
            %dma_wait3A_646 = arith.constant 0 : i32
            %dma_wait3A_647 = tpu.memref_slice %dma_wait3A_644[%run_scoped3A_392, %dma_wait3A_645, %dma_wait3A_646] : memref<1x1024x32xf32, #tpu.memory_space<vmem>> -> memref<1x1024x32xf32, #tpu.memory_space<vmem>>
            %dma_wait3A_648 = tpu.memref_squeeze %dma_wait3A_647 : memref<1x1024x32xf32, #tpu.memory_space<vmem>> -> memref<1024x32xf32, #tpu.memory_space<vmem>>
            %dma_wait3A_649 = arith.constant 0 : i32
            %dma_wait3A_650 = arith.constant 0 : i32
            %dma_wait3A_651 = tpu.memref_slice %run_scoped3A[%rem3A_388, %dma_wait3A_649, %dma_wait3A_650] : memref<2x1x1024xi32, #tpu.memory_space<vmem>> -> memref<1x1x1024xi32, #tpu.memory_space<vmem>>
            %dma_wait3A_652 = tpu.memref_squeeze %dma_wait3A_651 : memref<1x1x1024xi32, #tpu.memory_space<vmem>> -> memref<1x1024xi32, #tpu.memory_space<vmem>>
            %dma_wait3A_653 = arith.constant 0 : i32
            %dma_wait3A_654 = tpu.memref_slice %dma_wait3A_652[%run_scoped3A_391, %dma_wait3A_653] : memref<1x1024xi32, #tpu.memory_space<vmem>> -> memref<1x1024xi32, #tpu.memory_space<vmem>>
            %dma_wait3A_655 = tpu.memref_squeeze %dma_wait3A_654 : memref<1x1024xi32, #tpu.memory_space<vmem>> -> memref<1024xi32, #tpu.memory_space<vmem>>
            %dma_wait3A_656 = arith.constant 0 : i32
            %dma_wait3A_657 = arith.constant 0 : i32
            %dma_wait3A_658 = tpu.memref_slice %arg2[%dma_wait3A_656, %dma_wait3A_657] : memref<1000000x32xf32, #tpu.memory_space<hbm>> -> memref<1000000x32xf32, #tpu.memory_space<hbm>>
            tpu.wait_indirect_dma semaphore(%run_scoped3A_621 : memref<!tpu.dma_semaphore, #tpu.memory_space<semaphore_mem>>) src(%dma_wait3A_658 : memref<1000000x32xf32, #tpu.memory_space<hbm>>) dst(%dma_wait3A_648 : memref<1024x32xf32, #tpu.memory_space<vmem>>)
            tpu.yield
          }) : () -> ()
          "tpu.trace_stop"() : () -> ()
          %ne3A_393 = arith.cmpi ne, %add3A_155, %add3A_173 : i32
          %or3A_394 = arith.constant false
          %or3A_395 = arith.ori %or3A_394, %ne3A_393 : i1
          %or3A_396 = arith.ori %or3A_395, %eq3A_154 : i1
          %convert_element_type3A_397 = arith.extui %or3A_396 : i1 to i32
          %cond3A_398 = arith.constant 0 : i32
          %cond3A_399 = arith.cmpi ne, %convert_element_type3A_397, %cond3A_398 : i32
          scf.if %cond3A_399 {
          } else {
          }
          %and3A_400 = arith.constant false
          %and3A_401 = arith.andi %or3A_396, %and3A_400 : i1
          %jit3A_402 = arith.constant 4 : i32
          %div3A_403 = arith.divsi %add3A_155, %jit3A_402 : i32
          %sign3A_404 = arith.constant 0 : i32
          %sign3A_405 = arith.cmpi sgt, %add3A_155, %sign3A_404 : i32
          %sign3A_406 = arith.extui %sign3A_405 : i1 to i32
          %sign3A_407 = arith.constant 0 : i32
          %sign3A_408 = arith.cmpi slt, %add3A_155, %sign3A_407 : i32
          %sign3A_409 = arith.extui %sign3A_408 : i1 to i32
          %sign3A_410 = arith.subi %sign3A_406, %sign3A_409 : i32
          %sign3A_411 = arith.constant 0 : i32
          %sign3A_412 = arith.cmpi sgt, %jit3A_402, %sign3A_411 : i32
          %sign3A_413 = arith.extui %sign3A_412 : i1 to i32
          %sign3A_414 = arith.constant 0 : i32
          %sign3A_415 = arith.cmpi slt, %jit3A_402, %sign3A_414 : i32
          %sign3A_416 = arith.extui %sign3A_415 : i1 to i32
          %sign3A_417 = arith.subi %sign3A_413, %sign3A_416 : i32
          %ne3A_418 = arith.cmpi ne, %sign3A_410, %sign3A_417 : i32
          %rem3A_419 = arith.remsi %add3A_155, %jit3A_402 : i32
          %ne3A_420 = arith.constant 0 : i32
          %ne3A_421 = arith.cmpi ne, %rem3A_419, %ne3A_420 : i32
          %and3A_422 = arith.andi %ne3A_418, %ne3A_421 : i1
          %sub3A_423 = arith.constant 1 : i32
          %sub3A_424 = arith.subi %div3A_403, %sub3A_423 : i32
          %select_n3A_425 = arith.select %and3A_422, %sub3A_424, %div3A_403 : i32
          %jit3A_426 = arith.constant 4 : i32
          %eq3A_427 = arith.constant 0 : i32
          %eq3A_428 = arith.cmpi eq, %jit3A_426, %eq3A_427 : i32
          %jit3A_429 = arith.constant 1 : i32
          %select_n3A_430 = arith.select %eq3A_428, %jit3A_429, %jit3A_426 : i32
          %rem3A_431 = arith.remsi %add3A_155, %select_n3A_430 : i32
          %ne3A_432 = arith.constant 0 : i32
          %ne3A_433 = arith.cmpi ne, %rem3A_431, %ne3A_432 : i32
          %lt3A_434 = arith.constant 0 : i32
          %lt3A_435 = arith.cmpi slt, %rem3A_431, %lt3A_434 : i32
          %lt3A_436 = arith.constant 0 : i32
          %lt3A_437 = arith.cmpi slt, %select_n3A_430, %lt3A_436 : i32
          %ne3A_438 = arith.xori %lt3A_435, %lt3A_437 : i1
          %and3A_439 = arith.andi %ne3A_438, %ne3A_433 : i1
          %add3A_440 = arith.addi %rem3A_431, %select_n3A_430 : i32
          %select_n3A_441 = arith.select %and3A_439, %add3A_440, %rem3A_431 : i32
          %jit3A_442 = arith.constant 4 : i32
          %div3A_443 = arith.divsi %add3A_173, %jit3A_442 : i32
          %sign3A_444 = arith.constant 0 : i32
          %sign3A_445 = arith.cmpi sgt, %add3A_173, %sign3A_444 : i32
          %sign3A_446 = arith.extui %sign3A_445 : i1 to i32
          %sign3A_447 = arith.constant 0 : i32
          %sign3A_448 = arith.cmpi slt, %add3A_173, %sign3A_447 : i32
          %sign3A_449 = arith.extui %sign3A_448 : i1 to i32
          %sign3A_450 = arith.subi %sign3A_446, %sign3A_449 : i32
          %sign3A_451 = arith.constant 0 : i32
          %sign3A_452 = arith.cmpi sgt, %jit3A_442, %sign3A_451 : i32
          %sign3A_453 = arith.extui %sign3A_452 : i1 to i32
          %sign3A_454 = arith.constant 0 : i32
          %sign3A_455 = arith.cmpi slt, %jit3A_442, %sign3A_454 : i32
          %sign3A_456 = arith.extui %sign3A_455 : i1 to i32
          %sign3A_457 = arith.subi %sign3A_453, %sign3A_456 : i32
          %ne3A_458 = arith.cmpi ne, %sign3A_450, %sign3A_457 : i32
          %rem3A_459 = arith.remsi %add3A_173, %jit3A_442 : i32
          %ne3A_460 = arith.constant 0 : i32
          %ne3A_461 = arith.cmpi ne, %rem3A_459, %ne3A_460 : i32
          %and3A_462 = arith.andi %ne3A_458, %ne3A_461 : i1
          %sub3A_463 = arith.constant 1 : i32
          %sub3A_464 = arith.subi %div3A_443, %sub3A_463 : i32
          %select_n3A_465 = arith.select %and3A_462, %sub3A_464, %div3A_443 : i32
          %jit3A_466 = arith.constant 4 : i32
          %eq3A_467 = arith.constant 0 : i32
          %eq3A_468 = arith.cmpi eq, %jit3A_466, %eq3A_467 : i32
          %jit3A_469 = arith.constant 1 : i32
          %select_n3A_470 = arith.select %eq3A_468, %jit3A_469, %jit3A_466 : i32
          %rem3A_471 = arith.remsi %add3A_173, %select_n3A_470 : i32
          %ne3A_472 = arith.constant 0 : i32
          %ne3A_473 = arith.cmpi ne, %rem3A_471, %ne3A_472 : i32
          %lt3A_474 = arith.constant 0 : i32
          %lt3A_475 = arith.cmpi slt, %rem3A_471, %lt3A_474 : i32
          %lt3A_476 = arith.constant 0 : i32
          %lt3A_477 = arith.cmpi slt, %select_n3A_470, %lt3A_476 : i32
          %ne3A_478 = arith.xori %lt3A_475, %lt3A_477 : i1
          %and3A_479 = arith.andi %ne3A_478, %ne3A_473 : i1
          %add3A_480 = arith.addi %rem3A_471, %select_n3A_470 : i32
          %select_n3A_481 = arith.select %and3A_479, %add3A_480, %rem3A_471 : i32
          %ne3A_482 = arith.cmpi ne, %select_n3A_425, %select_n3A_465 : i32
          %ne3A_483 = arith.cmpi ne, %select_n3A_441, %select_n3A_481 : i32
          %or3A_484 = arith.constant false
          %or3A_485 = arith.ori %or3A_484, %ne3A_482 : i1
          %or3A_486 = arith.ori %or3A_485, %ne3A_483 : i1
          %or3A_487 = arith.constant false
          %or3A_488 = arith.ori %or3A_486, %or3A_487 : i1
          %or3A_489 = arith.ori %or3A_488, %eq3A_154 : i1
          %convert_element_type3A_490 = arith.extui %or3A_489 : i1 to i32
          %cond3A_491 = arith.constant 0 : i32
          %cond3A_492 = arith.cmpi ne, %convert_element_type3A_490, %cond3A_491 : i32
          scf.if %cond3A_492 {
            "tpu.trace_start"() <{level = 10 : i32, message = "ep_copy_out"}> : () -> ()
            %rem3A_621 = arith.constant 2 : i32
            %rem3A_622 = arith.remui %while3A_145, %rem3A_621 : i32
            %jit3A_623 = arith.constant 4 : i32
            %div3A_624 = arith.divsi %add3A_155, %jit3A_623 : i32
            %sign3A_625 = arith.constant 0 : i32
            %sign3A_626 = arith.cmpi sgt, %add3A_155, %sign3A_625 : i32
            %sign3A_627 = arith.extui %sign3A_626 : i1 to i32
            %sign3A_628 = arith.constant 0 : i32
            %sign3A_629 = arith.cmpi slt, %add3A_155, %sign3A_628 : i32
            %sign3A_630 = arith.extui %sign3A_629 : i1 to i32
            %sign3A_631 = arith.subi %sign3A_627, %sign3A_630 : i32
            %sign3A_632 = arith.constant 0 : i32
            %sign3A_633 = arith.cmpi sgt, %jit3A_623, %sign3A_632 : i32
            %sign3A_634 = arith.extui %sign3A_633 : i1 to i32
            %sign3A_635 = arith.constant 0 : i32
            %sign3A_636 = arith.cmpi slt, %jit3A_623, %sign3A_635 : i32
            %sign3A_637 = arith.extui %sign3A_636 : i1 to i32
            %sign3A_638 = arith.subi %sign3A_634, %sign3A_637 : i32
            %ne3A_639 = arith.cmpi ne, %sign3A_631, %sign3A_638 : i32
            %rem3A_640 = arith.remsi %add3A_155, %jit3A_623 : i32
            %ne3A_641 = arith.constant 0 : i32
            %ne3A_642 = arith.cmpi ne, %rem3A_640, %ne3A_641 : i32
            %and3A_643 = arith.andi %ne3A_639, %ne3A_642 : i1
            %sub3A_644 = arith.constant 1 : i32
            %sub3A_645 = arith.subi %div3A_624, %sub3A_644 : i32
            %select_n3A_646 = arith.select %and3A_643, %sub3A_645, %div3A_624 : i32
            %jit3A_647 = arith.constant 4 : i32
            %eq3A_648 = arith.constant 0 : i32
            %eq3A_649 = arith.cmpi eq, %jit3A_647, %eq3A_648 : i32
            %jit3A_650 = arith.constant 1 : i32
            %select_n3A_651 = arith.select %eq3A_649, %jit3A_650, %jit3A_647 : i32
            %rem3A_652 = arith.remsi %add3A_155, %select_n3A_651 : i32
            %ne3A_653 = arith.constant 0 : i32
            %ne3A_654 = arith.cmpi ne, %rem3A_652, %ne3A_653 : i32
            %lt3A_655 = arith.constant 0 : i32
            %lt3A_656 = arith.cmpi slt, %rem3A_652, %lt3A_655 : i32
            %lt3A_657 = arith.constant 0 : i32
            %lt3A_658 = arith.cmpi slt, %select_n3A_651, %lt3A_657 : i32
            %ne3A_659 = arith.xori %lt3A_656, %lt3A_658 : i1
            %and3A_660 = arith.andi %ne3A_659, %ne3A_654 : i1
            %add3A_661 = arith.addi %rem3A_652, %select_n3A_651 : i32
            %select_n3A_662 = arith.select %and3A_660, %add3A_661, %rem3A_652 : i32
            %mul3A_663 = arith.constant 1 : i32
            %mul3A_664 = arith.muli %mul3A_663, %select_n3A_646 : i32
            %mul3A_665 = arith.constant 1024 : i32
            %mul3A_666 = arith.muli %mul3A_665, %select_n3A_662 : i32
            %dma_start3A_667 = arith.constant 0 : i32
            %dma_start3A_668 = arith.constant 0 : i32
            %dma_start3A_669 = arith.constant 0 : i32
            %dma_start3A_670 = tpu.memref_slice %run_scoped3A_18[%rem3A_622, %dma_start3A_667, %dma_start3A_668, %dma_start3A_669] : memref<2x1x1024x32xf32, #tpu.memory_space<vmem>> -> memref<1x1x1024x32xf32, #tpu.memory_space<vmem>>
            %dma_start3A_671 = tpu.memref_squeeze %dma_start3A_670 : memref<1x1x1024x32xf32, #tpu.memory_space<vmem>> -> memref<1x1024x32xf32, #tpu.memory_space<vmem>>
            %dma_start3A_672 = arith.constant 0 : i32
            %dma_start3A_673 = tpu.memref_slice %arg4[%mul3A_664, %mul3A_666, %dma_start3A_672] : memref<100x4096x32xf32, #tpu.memory_space<hbm>> -> memref<1x1024x32xf32, #tpu.memory_space<hbm>>
            %dma_start3A_674 = tpu.memref_slice %run_scoped3A_19[%rem3A_622] : memref<2x!tpu.dma_semaphore, #tpu.memory_space<semaphore_mem>> -> memref<1x!tpu.dma_semaphore, #tpu.memory_space<semaphore_mem>>
            %dma_start3A_675 = tpu.memref_squeeze %dma_start3A_674 : memref<1x!tpu.dma_semaphore, #tpu.memory_space<semaphore_mem>> -> memref<!tpu.dma_semaphore, #tpu.memory_space<semaphore_mem>>
            %dma_start3A_676 = arith.constant 0 : i32
            %dma_start3A_677 = tpu.memref_slice %arg4[%mul3A_664, %mul3A_666, %dma_start3A_676] : memref<100x4096x32xf32, #tpu.memory_space<hbm>> -> memref<1x1024x32xf32, #tpu.memory_space<hbm>>
            %dma_start3A_678 = arith.constant 0 : i32
            %dma_start3A_679 = arith.constant 0 : i32
            %dma_start3A_680 = arith.constant 0 : i32
            %dma_start3A_681 = tpu.memref_slice %run_scoped3A_18[%rem3A_622, %dma_start3A_678, %dma_start3A_679, %dma_start3A_680] : memref<2x1x1024x32xf32, #tpu.memory_space<vmem>> -> memref<1x1x1024x32xf32, #tpu.memory_space<vmem>>
            %dma_start3A_682 = tpu.memref_squeeze %dma_start3A_681 : memref<1x1x1024x32xf32, #tpu.memory_space<vmem>> -> memref<1x1024x32xf32, #tpu.memory_space<vmem>>
            tpu.enqueue_dma source(%dma_start3A_682 : memref<1x1024x32xf32, #tpu.memory_space<vmem>>) target(%dma_start3A_677 : memref<1x1024x32xf32, #tpu.memory_space<hbm>>) target_semaphore(%dma_start3A_675 : memref<!tpu.dma_semaphore, #tpu.memory_space<semaphore_mem>>)
            "tpu.trace_stop"() : () -> ()
          } else {
          }
          %and3A_493 = arith.constant true
          %and3A_494 = arith.andi %or3A_489, %and3A_493 : i1
          %add3A_495 = arith.constant 1 : i32
          %add3A_496 = arith.addi %while3A_145, %add3A_495 : i32
          %select_n3A_497 = arith.select %and3A_494, %add3A_496, %while3A_145 : i32
          %ne3A_498 = arith.cmpi ne, %add3A_155, %add3A_165 : i32
          %or3A_499 = arith.constant false
          %or3A_500 = arith.ori %or3A_499, %ne3A_498 : i1
          %not3A_501 = arith.constant true
          %not3A_502 = arith.xori %eq3A_151, %not3A_501 : i1
          %and3A_503 = arith.andi %or3A_500, %not3A_502 : i1
          %convert_element_type3A_504 = arith.extui %and3A_503 : i1 to i32
          %cond3A_505 = arith.constant 0 : i32
          %cond3A_506 = arith.cmpi ne, %convert_element_type3A_504, %cond3A_505 : i32
          scf.if %cond3A_506 {
          } else {
          }
          %and3A_507 = arith.constant false
          %and3A_508 = arith.andi %and3A_503, %and3A_507 : i1
          %jit3A_509 = arith.constant 4 : i32
          %div3A_510 = arith.divsi %add3A_155, %jit3A_509 : i32
          %sign3A_511 = arith.constant 0 : i32
          %sign3A_512 = arith.cmpi sgt, %add3A_155, %sign3A_511 : i32
          %sign3A_513 = arith.extui %sign3A_512 : i1 to i32
          %sign3A_514 = arith.constant 0 : i32
          %sign3A_515 = arith.cmpi slt, %add3A_155, %sign3A_514 : i32
          %sign3A_516 = arith.extui %sign3A_515 : i1 to i32
          %sign3A_517 = arith.subi %sign3A_513, %sign3A_516 : i32
          %sign3A_518 = arith.constant 0 : i32
          %sign3A_519 = arith.cmpi sgt, %jit3A_509, %sign3A_518 : i32
          %sign3A_520 = arith.extui %sign3A_519 : i1 to i32
          %sign3A_521 = arith.constant 0 : i32
          %sign3A_522 = arith.cmpi slt, %jit3A_509, %sign3A_521 : i32
          %sign3A_523 = arith.extui %sign3A_522 : i1 to i32
          %sign3A_524 = arith.subi %sign3A_520, %sign3A_523 : i32
          %ne3A_525 = arith.cmpi ne, %sign3A_517, %sign3A_524 : i32
          %rem3A_526 = arith.remsi %add3A_155, %jit3A_509 : i32
          %ne3A_527 = arith.constant 0 : i32
          %ne3A_528 = arith.cmpi ne, %rem3A_526, %ne3A_527 : i32
          %and3A_529 = arith.andi %ne3A_525, %ne3A_528 : i1
          %sub3A_530 = arith.constant 1 : i32
          %sub3A_531 = arith.subi %div3A_510, %sub3A_530 : i32
          %select_n3A_532 = arith.select %and3A_529, %sub3A_531, %div3A_510 : i32
          %jit3A_533 = arith.constant 4 : i32
          %eq3A_534 = arith.constant 0 : i32
          %eq3A_535 = arith.cmpi eq, %jit3A_533, %eq3A_534 : i32
          %jit3A_536 = arith.constant 1 : i32
          %select_n3A_537 = arith.select %eq3A_535, %jit3A_536, %jit3A_533 : i32
          %rem3A_538 = arith.remsi %add3A_155, %select_n3A_537 : i32
          %ne3A_539 = arith.constant 0 : i32
          %ne3A_540 = arith.cmpi ne, %rem3A_538, %ne3A_539 : i32
          %lt3A_541 = arith.constant 0 : i32
          %lt3A_542 = arith.cmpi slt, %rem3A_538, %lt3A_541 : i32
          %lt3A_543 = arith.constant 0 : i32
          %lt3A_544 = arith.cmpi slt, %select_n3A_537, %lt3A_543 : i32
          %ne3A_545 = arith.xori %lt3A_542, %lt3A_544 : i1
          %and3A_546 = arith.andi %ne3A_545, %ne3A_540 : i1
          %add3A_547 = arith.addi %rem3A_538, %select_n3A_537 : i32
          %select_n3A_548 = arith.select %and3A_546, %add3A_547, %rem3A_538 : i32
          %jit3A_549 = arith.constant 4 : i32
          %div3A_550 = arith.divsi %add3A_165, %jit3A_549 : i32
          %sign3A_551 = arith.constant 0 : i32
          %sign3A_552 = arith.cmpi sgt, %add3A_165, %sign3A_551 : i32
          %sign3A_553 = arith.extui %sign3A_552 : i1 to i32
          %sign3A_554 = arith.constant 0 : i32
          %sign3A_555 = arith.cmpi slt, %add3A_165, %sign3A_554 : i32
          %sign3A_556 = arith.extui %sign3A_555 : i1 to i32
          %sign3A_557 = arith.subi %sign3A_553, %sign3A_556 : i32
          %sign3A_558 = arith.constant 0 : i32
          %sign3A_559 = arith.cmpi sgt, %jit3A_549, %sign3A_558 : i32
          %sign3A_560 = arith.extui %sign3A_559 : i1 to i32
          %sign3A_561 = arith.constant 0 : i32
          %sign3A_562 = arith.cmpi slt, %jit3A_549, %sign3A_561 : i32
          %sign3A_563 = arith.extui %sign3A_562 : i1 to i32
          %sign3A_564 = arith.subi %sign3A_560, %sign3A_563 : i32
          %ne3A_565 = arith.cmpi ne, %sign3A_557, %sign3A_564 : i32
          %rem3A_566 = arith.remsi %add3A_165, %jit3A_549 : i32
          %ne3A_567 = arith.constant 0 : i32
          %ne3A_568 = arith.cmpi ne, %rem3A_566, %ne3A_567 : i32
          %and3A_569 = arith.andi %ne3A_565, %ne3A_568 : i1
          %sub3A_570 = arith.constant 1 : i32
          %sub3A_571 = arith.subi %div3A_550, %sub3A_570 : i32
          %select_n3A_572 = arith.select %and3A_569, %sub3A_571, %div3A_550 : i32
          %jit3A_573 = arith.constant 4 : i32
          %eq3A_574 = arith.constant 0 : i32
          %eq3A_575 = arith.cmpi eq, %jit3A_573, %eq3A_574 : i32
          %jit3A_576 = arith.constant 1 : i32
          %select_n3A_577 = arith.select %eq3A_575, %jit3A_576, %jit3A_573 : i32
          %rem3A_578 = arith.remsi %add3A_165, %select_n3A_577 : i32
          %ne3A_579 = arith.constant 0 : i32
          %ne3A_580 = arith.cmpi ne, %rem3A_578, %ne3A_579 : i32
          %lt3A_581 = arith.constant 0 : i32
          %lt3A_582 = arith.cmpi slt, %rem3A_578, %lt3A_581 : i32
          %lt3A_583 = arith.constant 0 : i32
          %lt3A_584 = arith.cmpi slt, %select_n3A_577, %lt3A_583 : i32
          %ne3A_585 = arith.xori %lt3A_582, %lt3A_584 : i1
          %and3A_586 = arith.andi %ne3A_585, %ne3A_580 : i1
          %add3A_587 = arith.addi %rem3A_578, %select_n3A_577 : i32
          %select_n3A_588 = arith.select %and3A_586, %add3A_587, %rem3A_578 : i32
          %ne3A_589 = arith.cmpi ne, %select_n3A_532, %select_n3A_572 : i32
          %ne3A_590 = arith.cmpi ne, %select_n3A_548, %select_n3A_588 : i32
          %or3A_591 = arith.constant false
          %or3A_592 = arith.ori %or3A_591, %ne3A_589 : i1
          %or3A_593 = arith.ori %or3A_592, %ne3A_590 : i1
          %or3A_594 = arith.constant false
          %or3A_595 = arith.ori %or3A_593, %or3A_594 : i1
          %not3A_596 = arith.constant true
          %not3A_597 = arith.xori %eq3A_151, %not3A_596 : i1
          %and3A_598 = arith.andi %or3A_595, %not3A_597 : i1
          %convert_element_type3A_599 = arith.extui %and3A_598 : i1 to i32
          %cond3A_600 = arith.constant 0 : i32
          %cond3A_601 = arith.cmpi ne, %convert_element_type3A_599, %cond3A_600 : i32
          scf.if %cond3A_601 {
            "tpu.trace_start"() <{level = 10 : i32, message = "ep_wait_out"}> : () -> ()
            %rem3A_621 = arith.constant 2 : i32
            %rem3A_622 = arith.remui %while3A_146, %rem3A_621 : i32
            %jit3A_623 = arith.constant 4 : i32
            %div3A_624 = arith.divsi %add3A_165, %jit3A_623 : i32
            %sign3A_625 = arith.constant 0 : i32
            %sign3A_626 = arith.cmpi sgt, %add3A_165, %sign3A_625 : i32
            %sign3A_627 = arith.extui %sign3A_626 : i1 to i32
            %sign3A_628 = arith.constant 0 : i32
            %sign3A_629 = arith.cmpi slt, %add3A_165, %sign3A_628 : i32
            %sign3A_630 = arith.extui %sign3A_629 : i1 to i32
            %sign3A_631 = arith.subi %sign3A_627, %sign3A_630 : i32
            %sign3A_632 = arith.constant 0 : i32
            %sign3A_633 = arith.cmpi sgt, %jit3A_623, %sign3A_632 : i32
            %sign3A_634 = arith.extui %sign3A_633 : i1 to i32
            %sign3A_635 = arith.constant 0 : i32
            %sign3A_636 = arith.cmpi slt, %jit3A_623, %sign3A_635 : i32
            %sign3A_637 = arith.extui %sign3A_636 : i1 to i32
            %sign3A_638 = arith.subi %sign3A_634, %sign3A_637 : i32
            %ne3A_639 = arith.cmpi ne, %sign3A_631, %sign3A_638 : i32
            %rem3A_640 = arith.remsi %add3A_165, %jit3A_623 : i32
            %ne3A_641 = arith.constant 0 : i32
            %ne3A_642 = arith.cmpi ne, %rem3A_640, %ne3A_641 : i32
            %and3A_643 = arith.andi %ne3A_639, %ne3A_642 : i1
            %sub3A_644 = arith.constant 1 : i32
            %sub3A_645 = arith.subi %div3A_624, %sub3A_644 : i32
            %select_n3A_646 = arith.select %and3A_643, %sub3A_645, %div3A_624 : i32
            %jit3A_647 = arith.constant 4 : i32
            %eq3A_648 = arith.constant 0 : i32
            %eq3A_649 = arith.cmpi eq, %jit3A_647, %eq3A_648 : i32
            %jit3A_650 = arith.constant 1 : i32
            %select_n3A_651 = arith.select %eq3A_649, %jit3A_650, %jit3A_647 : i32
            %rem3A_652 = arith.remsi %add3A_165, %select_n3A_651 : i32
            %ne3A_653 = arith.constant 0 : i32
            %ne3A_654 = arith.cmpi ne, %rem3A_652, %ne3A_653 : i32
            %lt3A_655 = arith.constant 0 : i32
            %lt3A_656 = arith.cmpi slt, %rem3A_652, %lt3A_655 : i32
            %lt3A_657 = arith.constant 0 : i32
            %lt3A_658 = arith.cmpi slt, %select_n3A_651, %lt3A_657 : i32
            %ne3A_659 = arith.xori %lt3A_656, %lt3A_658 : i1
            %and3A_660 = arith.andi %ne3A_659, %ne3A_654 : i1
            %add3A_661 = arith.addi %rem3A_652, %select_n3A_651 : i32
            %select_n3A_662 = arith.select %and3A_660, %add3A_661, %rem3A_652 : i32
            %mul3A_663 = arith.constant 1 : i32
            %mul3A_664 = arith.muli %mul3A_663, %select_n3A_646 : i32
            %mul3A_665 = arith.constant 1024 : i32
            %mul3A_666 = arith.muli %mul3A_665, %select_n3A_662 : i32
            %dma_wait3A = arith.constant 0 : i32
            %dma_wait3A_667 = arith.constant 0 : i32
            %dma_wait3A_668 = arith.constant 0 : i32
            %dma_wait3A_669 = tpu.memref_slice %run_scoped3A_18[%rem3A_622, %dma_wait3A, %dma_wait3A_667, %dma_wait3A_668] : memref<2x1x1024x32xf32, #tpu.memory_space<vmem>> -> memref<1x1x1024x32xf32, #tpu.memory_space<vmem>>
            %dma_wait3A_670 = tpu.memref_squeeze %dma_wait3A_669 : memref<1x1x1024x32xf32, #tpu.memory_space<vmem>> -> memref<1x1024x32xf32, #tpu.memory_space<vmem>>
            %dma_wait3A_671 = arith.constant 0 : i32
            %dma_wait3A_672 = tpu.memref_slice %arg4[%mul3A_664, %mul3A_666, %dma_wait3A_671] : memref<100x4096x32xf32, #tpu.memory_space<hbm>> -> memref<1x1024x32xf32, #tpu.memory_space<hbm>>
            %dma_wait3A_673 = tpu.memref_slice %run_scoped3A_19[%rem3A_622] : memref<2x!tpu.dma_semaphore, #tpu.memory_space<semaphore_mem>> -> memref<1x!tpu.dma_semaphore, #tpu.memory_space<semaphore_mem>>
            %dma_wait3A_674 = tpu.memref_squeeze %dma_wait3A_673 : memref<1x!tpu.dma_semaphore, #tpu.memory_space<semaphore_mem>> -> memref<!tpu.dma_semaphore, #tpu.memory_space<semaphore_mem>>
            %dma_wait3A_675 = arith.constant 0 : i32
            %dma_wait3A_676 = tpu.memref_slice %arg4[%mul3A_664, %mul3A_666, %dma_wait3A_675] : memref<100x4096x32xf32, #tpu.memory_space<hbm>> -> memref<1x1024x32xf32, #tpu.memory_space<hbm>>
            %dma_wait3A_677 = arith.constant 0 : i32
            %dma_wait3A_678 = arith.constant 0 : i32
            %dma_wait3A_679 = arith.constant 0 : i32
            %dma_wait3A_680 = tpu.memref_slice %run_scoped3A_18[%rem3A_622, %dma_wait3A_677, %dma_wait3A_678, %dma_wait3A_679] : memref<2x1x1024x32xf32, #tpu.memory_space<vmem>> -> memref<1x1x1024x32xf32, #tpu.memory_space<vmem>>
            %dma_wait3A_681 = tpu.memref_squeeze %dma_wait3A_680 : memref<1x1x1024x32xf32, #tpu.memory_space<vmem>> -> memref<1x1024x32xf32, #tpu.memory_space<vmem>>
            tpu.wait_dma2 semaphore(%dma_wait3A_674 : memref<!tpu.dma_semaphore, #tpu.memory_space<semaphore_mem>>) src(%dma_wait3A_681 : memref<1x1024x32xf32, #tpu.memory_space<vmem>>) dst(%dma_wait3A_676 : memref<1x1024x32xf32, #tpu.memory_space<hbm>>)
            "tpu.trace_stop"() : () -> ()
          } else {
          }
          %and3A_602 = arith.constant true
          %and3A_603 = arith.andi %and3A_598, %and3A_602 : i1
          %add3A_604 = arith.constant 1 : i32
          %add3A_605 = arith.addi %while3A_146, %add3A_604 : i32
          %select_n3A_606 = arith.select %and3A_603, %add3A_605, %while3A_146 : i32
          %ne3A_607 = arith.cmpi ne, %add3A_155, %add3A_173 : i32
          %or3A_608 = arith.constant false
          %or3A_609 = arith.ori %or3A_608, %ne3A_607 : i1
          %or3A_610 = arith.ori %or3A_609, %eq3A_154 : i1
          %add3A_611 = arith.constant 1 : i32
          %add3A_612 = arith.addi %while3A_144, %add3A_611 : i32
          %select_n3A_613 = arith.select %or3A_610, %add3A_612, %while3A_144 : i32
          %add3A_614 = arith.constant 1 : i32
          %add3A_615 = arith.addi %while3A_147, %add3A_614 : i32
          %select_n3A_616 = arith.constant true
          %select_n3A_617 = arith.select %select_n3A_616, %add3A_615, %while3A_147 : i32
          %eq3A_618 = arith.cmpi eq, %select_n3A_617, %select_n3A : i32
          %select_n3A_619 = arith.constant 0 : i32
          %select_n3A_620 = arith.select %eq3A_618, %select_n3A_619, %select_n3A_617 : i32
          scf.yield %select_n3A_195, %select_n3A_613, %select_n3A_497, %select_n3A_606, %select_n3A_620 : i32, i32, i32, i32, i32
        }
        %while3A_89 = arith.constant 1 : i32
        %while3A_90:5 = scf.for %while3A_142 = %while3A_86 to %while3A_82 step %while3A_89 iter_args(%while3A_143 = %while3A_88#0, %while3A_144 = %while3A_88#1, %while3A_145 = %while3A_88#2, %while3A_146 = %while3A_88#3, %while3A_147 = %while3A_88#4) -> (i32, i32, i32, i32, i32)  : i32 {
          %mul3A_148 = arith.constant 1 : i32
          %mul3A_149 = arith.muli %mul3A_148, %select_n3A : i32
          %eq3A_150 = arith.constant 0 : i32
          %eq3A_151 = arith.cmpi eq, %while3A_142, %eq3A_150 : i32
          %sub3A_152 = arith.constant 1 : i32
          %sub3A_153 = arith.subi %mul3A_149, %sub3A_152 : i32
          %eq3A_154 = arith.cmpi eq, %while3A_142, %sub3A_153 : i32
          %add3A_155 = arith.addi %while3A_147, %select_n3A_14 : i32
          %sub3A_156 = arith.constant 1 : i32
          %sub3A_157 = arith.subi %while3A_147, %sub3A_156 : i32
          %select_n3A_158 = arith.constant true
          %select_n3A_159 = arith.select %select_n3A_158, %sub3A_157, %while3A_147 : i32
          %eq3A_160 = arith.constant -1 : i32
          %eq3A_161 = arith.cmpi eq, %select_n3A_159, %eq3A_160 : i32
          %sub3A_162 = arith.constant 1 : i32
          %sub3A_163 = arith.subi %select_n3A, %sub3A_162 : i32
          %select_n3A_164 = arith.select %eq3A_161, %sub3A_163, %select_n3A_159 : i32
          %add3A_165 = arith.addi %select_n3A_164, %select_n3A_14 : i32
          %add3A_166 = arith.constant 1 : i32
          %add3A_167 = arith.addi %while3A_147, %add3A_166 : i32
          %select_n3A_168 = arith.constant true
          %select_n3A_169 = arith.select %select_n3A_168, %add3A_167, %while3A_147 : i32
          %eq3A_170 = arith.cmpi eq, %select_n3A_169, %select_n3A : i32
          %select_n3A_171 = arith.constant 0 : i32
          %select_n3A_172 = arith.select %eq3A_170, %select_n3A_171, %select_n3A_169 : i32
          %add3A_173 = arith.addi %select_n3A_172, %select_n3A_14 : i32
          %add3A_174 = arith.constant 1 : i32
          %add3A_175 = arith.addi %select_n3A_172, %add3A_174 : i32
          %select_n3A_176 = arith.constant true
          %select_n3A_177 = arith.select %select_n3A_176, %add3A_175, %select_n3A_172 : i32
          %eq3A_178 = arith.cmpi eq, %select_n3A_177, %select_n3A : i32
          %select_n3A_179 = arith.constant 0 : i32
          %select_n3A_180 = arith.select %eq3A_178, %select_n3A_179, %select_n3A_177 : i32
          %add3A_181 = arith.addi %select_n3A_180, %select_n3A_14 : i32
          %ne3A = arith.cmpi ne, %add3A_155, %add3A_173 : i32
          %or3A = arith.constant false
          %or3A_182 = arith.ori %or3A, %ne3A : i1
          %sub3A_183 = arith.constant 2 : i32
          %sub3A_184 = arith.subi %mul3A_149, %sub3A_183 : i32
          %add3A_185 = arith.constant 1 : i32
          %add3A_186 = arith.addi %sub3A_184, %add3A_185 : i32
          %ge3A = arith.cmpi sge, %while3A_142, %add3A_186 : i32
          %not3A = arith.constant true
          %not3A_187 = arith.xori %ge3A, %not3A : i1
          %and3A = arith.andi %or3A_182, %not3A_187 : i1
          %convert_element_type3A_188 = arith.extui %and3A : i1 to i32
          %cond3A_189 = arith.constant 0 : i32
          %cond3A_190 = arith.cmpi ne, %convert_element_type3A_188, %cond3A_189 : i32
          scf.if %cond3A_190 {
            "tpu.trace_start"() <{level = 10 : i32, message = "ep_copy_in"}> : () -> ()
            %rem3A_621 = arith.constant 2 : i32
            %rem3A_622 = arith.remui %while3A_143, %rem3A_621 : i32
            %mul3A_623 = arith.constant 1024 : i32
            %mul3A_624 = arith.muli %mul3A_623, %add3A_173 : i32
            %dma_start3A_625 = arith.constant 0 : i32
            %dma_start3A_626 = arith.constant 0 : i32
            %dma_start3A_627 = tpu.memref_slice %run_scoped3A[%rem3A_622, %dma_start3A_625, %dma_start3A_626] : memref<2x1x1024xi32, #tpu.memory_space<vmem>> -> memref<1x1x1024xi32, #tpu.memory_space<vmem>>
            %dma_start3A_628 = tpu.memref_squeeze %dma_start3A_627 : memref<1x1x1024xi32, #tpu.memory_space<vmem>> -> memref<1x1024xi32, #tpu.memory_space<vmem>>
            %dma_start3A_629 = arith.constant 0 : i32
            %dma_start3A_630 = tpu.memref_slice %arg3[%dma_start3A_629, %mul3A_624] : memref<1x409600xi32, #tpu.memory_space<hbm>> -> memref<1x1024xi32, #tpu.memory_space<hbm>>
            %dma_start3A_631 = tpu.memref_slice %run_scoped3A_17[%rem3A_622] : memref<2x!tpu.dma_semaphore, #tpu.memory_space<semaphore_mem>> -> memref<1x!tpu.dma_semaphore, #tpu.memory_space<semaphore_mem>>
            %dma_start3A_632 = tpu.memref_squeeze %dma_start3A_631 : memref<1x!tpu.dma_semaphore, #tpu.memory_space<semaphore_mem>> -> memref<!tpu.dma_semaphore, #tpu.memory_space<semaphore_mem>>
            %dma_start3A_633 = arith.constant 0 : i32
            %dma_start3A_634 = arith.constant 0 : i32
            %dma_start3A_635 = tpu.memref_slice %run_scoped3A[%rem3A_622, %dma_start3A_633, %dma_start3A_634] : memref<2x1x1024xi32, #tpu.memory_space<vmem>> -> memref<1x1x1024xi32, #tpu.memory_space<vmem>>
            %dma_start3A_636 = tpu.memref_squeeze %dma_start3A_635 : memref<1x1x1024xi32, #tpu.memory_space<vmem>> -> memref<1x1024xi32, #tpu.memory_space<vmem>>
            %dma_start3A_637 = arith.constant 0 : i32
            %dma_start3A_638 = tpu.memref_slice %arg3[%dma_start3A_637, %mul3A_624] : memref<1x409600xi32, #tpu.memory_space<hbm>> -> memref<1x1024xi32, #tpu.memory_space<hbm>>
            tpu.enqueue_dma source(%dma_start3A_638 : memref<1x1024xi32, #tpu.memory_space<hbm>>) target(%dma_start3A_636 : memref<1x1024xi32, #tpu.memory_space<vmem>>) target_semaphore(%dma_start3A_632 : memref<!tpu.dma_semaphore, #tpu.memory_space<semaphore_mem>>)
            "tpu.trace_stop"() : () -> ()
          } else {
          }
          %and3A_191 = arith.constant true
          %and3A_192 = arith.andi %and3A, %and3A_191 : i1
          %add3A_193 = arith.constant 1 : i32
          %add3A_194 = arith.addi %while3A_143, %add3A_193 : i32
          %select_n3A_195 = arith.select %and3A_192, %add3A_194, %while3A_143 : i32
          %jit3A_196 = arith.constant 4 : i32
          %div3A = arith.divsi %add3A_155, %jit3A_196 : i32
          %sign3A = arith.constant 0 : i32
          %sign3A_197 = arith.cmpi sgt, %add3A_155, %sign3A : i32
          %sign3A_198 = arith.extui %sign3A_197 : i1 to i32
          %sign3A_199 = arith.constant 0 : i32
          %sign3A_200 = arith.cmpi slt, %add3A_155, %sign3A_199 : i32
          %sign3A_201 = arith.extui %sign3A_200 : i1 to i32
          %sign3A_202 = arith.subi %sign3A_198, %sign3A_201 : i32
          %sign3A_203 = arith.constant 0 : i32
          %sign3A_204 = arith.cmpi sgt, %jit3A_196, %sign3A_203 : i32
          %sign3A_205 = arith.extui %sign3A_204 : i1 to i32
          %sign3A_206 = arith.constant 0 : i32
          %sign3A_207 = arith.cmpi slt, %jit3A_196, %sign3A_206 : i32
          %sign3A_208 = arith.extui %sign3A_207 : i1 to i32
          %sign3A_209 = arith.subi %sign3A_205, %sign3A_208 : i32
          %ne3A_210 = arith.cmpi ne, %sign3A_202, %sign3A_209 : i32
          %rem3A_211 = arith.remsi %add3A_155, %jit3A_196 : i32
          %ne3A_212 = arith.constant 0 : i32
          %ne3A_213 = arith.cmpi ne, %rem3A_211, %ne3A_212 : i32
          %and3A_214 = arith.andi %ne3A_210, %ne3A_213 : i1
          %sub3A_215 = arith.constant 1 : i32
          %sub3A_216 = arith.subi %div3A, %sub3A_215 : i32
          %select_n3A_217 = arith.select %and3A_214, %sub3A_216, %div3A : i32
          %jit3A_218 = arith.constant 4 : i32
          %eq3A_219 = arith.constant 0 : i32
          %eq3A_220 = arith.cmpi eq, %jit3A_218, %eq3A_219 : i32
          %jit3A_221 = arith.constant 1 : i32
          %select_n3A_222 = arith.select %eq3A_220, %jit3A_221, %jit3A_218 : i32
          %rem3A_223 = arith.remsi %add3A_155, %select_n3A_222 : i32
          %ne3A_224 = arith.constant 0 : i32
          %ne3A_225 = arith.cmpi ne, %rem3A_223, %ne3A_224 : i32
          %lt3A_226 = arith.constant 0 : i32
          %lt3A_227 = arith.cmpi slt, %rem3A_223, %lt3A_226 : i32
          %lt3A_228 = arith.constant 0 : i32
          %lt3A_229 = arith.cmpi slt, %select_n3A_222, %lt3A_228 : i32
          %ne3A_230 = arith.xori %lt3A_227, %lt3A_229 : i1
          %and3A_231 = arith.andi %ne3A_230, %ne3A_225 : i1
          %add3A_232 = arith.addi %rem3A_223, %select_n3A_222 : i32
          %select_n3A_233 = arith.select %and3A_231, %add3A_232, %rem3A_223 : i32
          %jit3A_234 = arith.constant 4 : i32
          %div3A_235 = arith.divsi %add3A_173, %jit3A_234 : i32
          %sign3A_236 = arith.constant 0 : i32
          %sign3A_237 = arith.cmpi sgt, %add3A_173, %sign3A_236 : i32
          %sign3A_238 = arith.extui %sign3A_237 : i1 to i32
          %sign3A_239 = arith.constant 0 : i32
          %sign3A_240 = arith.cmpi slt, %add3A_173, %sign3A_239 : i32
          %sign3A_241 = arith.extui %sign3A_240 : i1 to i32
          %sign3A_242 = arith.subi %sign3A_238, %sign3A_241 : i32
          %sign3A_243 = arith.constant 0 : i32
          %sign3A_244 = arith.cmpi sgt, %jit3A_234, %sign3A_243 : i32
          %sign3A_245 = arith.extui %sign3A_244 : i1 to i32
          %sign3A_246 = arith.constant 0 : i32
          %sign3A_247 = arith.cmpi slt, %jit3A_234, %sign3A_246 : i32
          %sign3A_248 = arith.extui %sign3A_247 : i1 to i32
          %sign3A_249 = arith.subi %sign3A_245, %sign3A_248 : i32
          %ne3A_250 = arith.cmpi ne, %sign3A_242, %sign3A_249 : i32
          %rem3A_251 = arith.remsi %add3A_173, %jit3A_234 : i32
          %ne3A_252 = arith.constant 0 : i32
          %ne3A_253 = arith.cmpi ne, %rem3A_251, %ne3A_252 : i32
          %and3A_254 = arith.andi %ne3A_250, %ne3A_253 : i1
          %sub3A_255 = arith.constant 1 : i32
          %sub3A_256 = arith.subi %div3A_235, %sub3A_255 : i32
          %select_n3A_257 = arith.select %and3A_254, %sub3A_256, %div3A_235 : i32
          %jit3A_258 = arith.constant 4 : i32
          %eq3A_259 = arith.constant 0 : i32
          %eq3A_260 = arith.cmpi eq, %jit3A_258, %eq3A_259 : i32
          %jit3A_261 = arith.constant 1 : i32
          %select_n3A_262 = arith.select %eq3A_260, %jit3A_261, %jit3A_258 : i32
          %rem3A_263 = arith.remsi %add3A_173, %select_n3A_262 : i32
          %ne3A_264 = arith.constant 0 : i32
          %ne3A_265 = arith.cmpi ne, %rem3A_263, %ne3A_264 : i32
          %lt3A_266 = arith.constant 0 : i32
          %lt3A_267 = arith.cmpi slt, %rem3A_263, %lt3A_266 : i32
          %lt3A_268 = arith.constant 0 : i32
          %lt3A_269 = arith.cmpi slt, %select_n3A_262, %lt3A_268 : i32
          %ne3A_270 = arith.xori %lt3A_267, %lt3A_269 : i1
          %and3A_271 = arith.andi %ne3A_270, %ne3A_265 : i1
          %add3A_272 = arith.addi %rem3A_263, %select_n3A_262 : i32
          %select_n3A_273 = arith.select %and3A_271, %add3A_272, %rem3A_263 : i32
          %ne3A_274 = arith.cmpi ne, %select_n3A_217, %select_n3A_257 : i32
          %ne3A_275 = arith.cmpi ne, %select_n3A_233, %select_n3A_273 : i32
          %or3A_276 = arith.constant false
          %or3A_277 = arith.ori %or3A_276, %ne3A_274 : i1
          %or3A_278 = arith.ori %or3A_277, %ne3A_275 : i1
          %or3A_279 = arith.constant false
          %or3A_280 = arith.ori %or3A_278, %or3A_279 : i1
          %sub3A_281 = arith.constant 2 : i32
          %sub3A_282 = arith.subi %mul3A_149, %sub3A_281 : i32
          %add3A_283 = arith.constant 1 : i32
          %add3A_284 = arith.addi %sub3A_282, %add3A_283 : i32
          %ge3A_285 = arith.cmpi sge, %while3A_142, %add3A_284 : i32
          %not3A_286 = arith.constant true
          %not3A_287 = arith.xori %ge3A_285, %not3A_286 : i1
          %and3A_288 = arith.andi %or3A_280, %not3A_287 : i1
          %ne3A_289 = arith.cmpi ne, %add3A_155, %add3A_165 : i32
          %or3A_290 = arith.constant false
          %or3A_291 = arith.ori %or3A_290, %ne3A_289 : i1
          %or3A_292 = arith.ori %or3A_291, %eq3A_151 : i1
          %convert_element_type3A_293 = arith.extui %or3A_292 : i1 to i32
          %cond3A_294 = arith.constant 0 : i32
          %cond3A_295 = arith.cmpi ne, %convert_element_type3A_293, %cond3A_294 : i32
          scf.if %cond3A_295 {
            "tpu.trace_start"() <{level = 10 : i32, message = "ep_wait_in"}> : () -> ()
            %mul3A_621 = arith.constant 1024 : i32
            %mul3A_622 = arith.muli %mul3A_621, %add3A_155 : i32
            %rem3A_623 = arith.constant 2 : i32
            %rem3A_624 = arith.remui %while3A_144, %rem3A_623 : i32
            %dma_wait3A = arith.constant 0 : i32
            %dma_wait3A_625 = arith.constant 0 : i32
            %dma_wait3A_626 = tpu.memref_slice %run_scoped3A[%rem3A_624, %dma_wait3A, %dma_wait3A_625] : memref<2x1x1024xi32, #tpu.memory_space<vmem>> -> memref<1x1x1024xi32, #tpu.memory_space<vmem>>
            %dma_wait3A_627 = tpu.memref_squeeze %dma_wait3A_626 : memref<1x1x1024xi32, #tpu.memory_space<vmem>> -> memref<1x1024xi32, #tpu.memory_space<vmem>>
            %dma_wait3A_628 = arith.constant 0 : i32
            %dma_wait3A_629 = tpu.memref_slice %arg3[%dma_wait3A_628, %mul3A_622] : memref<1x409600xi32, #tpu.memory_space<hbm>> -> memref<1x1024xi32, #tpu.memory_space<hbm>>
            %dma_wait3A_630 = tpu.memref_slice %run_scoped3A_17[%rem3A_624] : memref<2x!tpu.dma_semaphore, #tpu.memory_space<semaphore_mem>> -> memref<1x!tpu.dma_semaphore, #tpu.memory_space<semaphore_mem>>
            %dma_wait3A_631 = tpu.memref_squeeze %dma_wait3A_630 : memref<1x!tpu.dma_semaphore, #tpu.memory_space<semaphore_mem>> -> memref<!tpu.dma_semaphore, #tpu.memory_space<semaphore_mem>>
            %dma_wait3A_632 = arith.constant 0 : i32
            %dma_wait3A_633 = arith.constant 0 : i32
            %dma_wait3A_634 = tpu.memref_slice %run_scoped3A[%rem3A_624, %dma_wait3A_632, %dma_wait3A_633] : memref<2x1x1024xi32, #tpu.memory_space<vmem>> -> memref<1x1x1024xi32, #tpu.memory_space<vmem>>
            %dma_wait3A_635 = tpu.memref_squeeze %dma_wait3A_634 : memref<1x1x1024xi32, #tpu.memory_space<vmem>> -> memref<1x1024xi32, #tpu.memory_space<vmem>>
            %dma_wait3A_636 = arith.constant 0 : i32
            %dma_wait3A_637 = tpu.memref_slice %arg3[%dma_wait3A_636, %mul3A_622] : memref<1x409600xi32, #tpu.memory_space<hbm>> -> memref<1x1024xi32, #tpu.memory_space<hbm>>
            tpu.wait_dma2 semaphore(%dma_wait3A_631 : memref<!tpu.dma_semaphore, #tpu.memory_space<semaphore_mem>>) src(%dma_wait3A_637 : memref<1x1024xi32, #tpu.memory_space<hbm>>) dst(%dma_wait3A_635 : memref<1x1024xi32, #tpu.memory_space<vmem>>)
            "tpu.trace_stop"() : () -> ()
          } else {
          }
          %jit3A_296 = arith.constant 4 : i32
          %div3A_297 = arith.divsi %add3A_155, %jit3A_296 : i32
          %sign3A_298 = arith.constant 0 : i32
          %sign3A_299 = arith.cmpi sgt, %add3A_155, %sign3A_298 : i32
          %sign3A_300 = arith.extui %sign3A_299 : i1 to i32
          %sign3A_301 = arith.constant 0 : i32
          %sign3A_302 = arith.cmpi slt, %add3A_155, %sign3A_301 : i32
          %sign3A_303 = arith.extui %sign3A_302 : i1 to i32
          %sign3A_304 = arith.subi %sign3A_300, %sign3A_303 : i32
          %sign3A_305 = arith.constant 0 : i32
          %sign3A_306 = arith.cmpi sgt, %jit3A_296, %sign3A_305 : i32
          %sign3A_307 = arith.extui %sign3A_306 : i1 to i32
          %sign3A_308 = arith.constant 0 : i32
          %sign3A_309 = arith.cmpi slt, %jit3A_296, %sign3A_308 : i32
          %sign3A_310 = arith.extui %sign3A_309 : i1 to i32
          %sign3A_311 = arith.subi %sign3A_307, %sign3A_310 : i32
          %ne3A_312 = arith.cmpi ne, %sign3A_304, %sign3A_311 : i32
          %rem3A_313 = arith.remsi %add3A_155, %jit3A_296 : i32
          %ne3A_314 = arith.constant 0 : i32
          %ne3A_315 = arith.cmpi ne, %rem3A_313, %ne3A_314 : i32
          %and3A_316 = arith.andi %ne3A_312, %ne3A_315 : i1
          %sub3A_317 = arith.constant 1 : i32
          %sub3A_318 = arith.subi %div3A_297, %sub3A_317 : i32
          %select_n3A_319 = arith.select %and3A_316, %sub3A_318, %div3A_297 : i32
          %jit3A_320 = arith.constant 4 : i32
          %eq3A_321 = arith.constant 0 : i32
          %eq3A_322 = arith.cmpi eq, %jit3A_320, %eq3A_321 : i32
          %jit3A_323 = arith.constant 1 : i32
          %select_n3A_324 = arith.select %eq3A_322, %jit3A_323, %jit3A_320 : i32
          %rem3A_325 = arith.remsi %add3A_155, %select_n3A_324 : i32
          %ne3A_326 = arith.constant 0 : i32
          %ne3A_327 = arith.cmpi ne, %rem3A_325, %ne3A_326 : i32
          %lt3A_328 = arith.constant 0 : i32
          %lt3A_329 = arith.cmpi slt, %rem3A_325, %lt3A_328 : i32
          %lt3A_330 = arith.constant 0 : i32
          %lt3A_331 = arith.cmpi slt, %select_n3A_324, %lt3A_330 : i32
          %ne3A_332 = arith.xori %lt3A_329, %lt3A_331 : i1
          %and3A_333 = arith.andi %ne3A_332, %ne3A_327 : i1
          %add3A_334 = arith.addi %rem3A_325, %select_n3A_324 : i32
          %select_n3A_335 = arith.select %and3A_333, %add3A_334, %rem3A_325 : i32
          %jit3A_336 = arith.constant 4 : i32
          %div3A_337 = arith.divsi %add3A_165, %jit3A_336 : i32
          %sign3A_338 = arith.constant 0 : i32
          %sign3A_339 = arith.cmpi sgt, %add3A_165, %sign3A_338 : i32
          %sign3A_340 = arith.extui %sign3A_339 : i1 to i32
          %sign3A_341 = arith.constant 0 : i32
          %sign3A_342 = arith.cmpi slt, %add3A_165, %sign3A_341 : i32
          %sign3A_343 = arith.extui %sign3A_342 : i1 to i32
          %sign3A_344 = arith.subi %sign3A_340, %sign3A_343 : i32
          %sign3A_345 = arith.constant 0 : i32
          %sign3A_346 = arith.cmpi sgt, %jit3A_336, %sign3A_345 : i32
          %sign3A_347 = arith.extui %sign3A_346 : i1 to i32
          %sign3A_348 = arith.constant 0 : i32
          %sign3A_349 = arith.cmpi slt, %jit3A_336, %sign3A_348 : i32
          %sign3A_350 = arith.extui %sign3A_349 : i1 to i32
          %sign3A_351 = arith.subi %sign3A_347, %sign3A_350 : i32
          %ne3A_352 = arith.cmpi ne, %sign3A_344, %sign3A_351 : i32
          %rem3A_353 = arith.remsi %add3A_165, %jit3A_336 : i32
          %ne3A_354 = arith.constant 0 : i32
          %ne3A_355 = arith.cmpi ne, %rem3A_353, %ne3A_354 : i32
          %and3A_356 = arith.andi %ne3A_352, %ne3A_355 : i1
          %sub3A_357 = arith.constant 1 : i32
          %sub3A_358 = arith.subi %div3A_337, %sub3A_357 : i32
          %select_n3A_359 = arith.select %and3A_356, %sub3A_358, %div3A_337 : i32
          %jit3A_360 = arith.constant 4 : i32
          %eq3A_361 = arith.constant 0 : i32
          %eq3A_362 = arith.cmpi eq, %jit3A_360, %eq3A_361 : i32
          %jit3A_363 = arith.constant 1 : i32
          %select_n3A_364 = arith.select %eq3A_362, %jit3A_363, %jit3A_360 : i32
          %rem3A_365 = arith.remsi %add3A_165, %select_n3A_364 : i32
          %ne3A_366 = arith.constant 0 : i32
          %ne3A_367 = arith.cmpi ne, %rem3A_365, %ne3A_366 : i32
          %lt3A_368 = arith.constant 0 : i32
          %lt3A_369 = arith.cmpi slt, %rem3A_365, %lt3A_368 : i32
          %lt3A_370 = arith.constant 0 : i32
          %lt3A_371 = arith.cmpi slt, %select_n3A_364, %lt3A_370 : i32
          %ne3A_372 = arith.xori %lt3A_369, %lt3A_371 : i1
          %and3A_373 = arith.andi %ne3A_372, %ne3A_367 : i1
          %add3A_374 = arith.addi %rem3A_365, %select_n3A_364 : i32
          %select_n3A_375 = arith.select %and3A_373, %add3A_374, %rem3A_365 : i32
          %ne3A_376 = arith.cmpi ne, %select_n3A_319, %select_n3A_359 : i32
          %ne3A_377 = arith.cmpi ne, %select_n3A_335, %select_n3A_375 : i32
          %or3A_378 = arith.constant false
          %or3A_379 = arith.ori %or3A_378, %ne3A_376 : i1
          %or3A_380 = arith.ori %or3A_379, %ne3A_377 : i1
          %or3A_381 = arith.constant false
          %or3A_382 = arith.ori %or3A_380, %or3A_381 : i1
          %or3A_383 = arith.ori %or3A_382, %eq3A_151 : i1
          %convert_element_type3A_384 = arith.extui %or3A_383 : i1 to i32
          %cond3A_385 = arith.constant 0 : i32
          %cond3A_386 = arith.cmpi ne, %convert_element_type3A_384, %cond3A_385 : i32
          scf.if %cond3A_386 {
          } else {
          }
          %rem3A_387 = arith.constant 2 : i32
          %rem3A_388 = arith.remui %while3A_144, %rem3A_387 : i32
          %rem3A_389 = arith.constant 2 : i32
          %rem3A_390 = arith.remui %while3A_145, %rem3A_389 : i32
          %run_scoped3A_391 = arith.constant 0 : i32
          %run_scoped3A_392 = arith.constant 0 : i32
          "tpu.trace_start"() <{level = 10 : i32, message = "ep_run_kernel"}> : () -> ()
          "tpu.region"() ({
            %run_scoped3A_621 = tpu.sem_alloc : memref<!tpu.dma_semaphore, #tpu.memory_space<semaphore_mem>>
            %dma_start3A_622 = arith.constant 0 : i32
            %dma_start3A_623 = arith.constant 0 : i32
            %dma_start3A_624 = arith.constant 0 : i32
            %dma_start3A_625 = tpu.memref_slice %run_scoped3A_18[%rem3A_390, %dma_start3A_622, %dma_start3A_623, %dma_start3A_624] : memref<2x1x1024x32xf32, #tpu.memory_space<vmem>> -> memref<1x1x1024x32xf32, #tpu.memory_space<vmem>>
            %dma_start3A_626 = tpu.memref_squeeze %dma_start3A_625 : memref<1x1x1024x32xf32, #tpu.memory_space<vmem>> -> memref<1x1024x32xf32, #tpu.memory_space<vmem>>
            %dma_start3A_627 = arith.constant 0 : i32
            %dma_start3A_628 = arith.constant 0 : i32
            %dma_start3A_629 = tpu.memref_slice %dma_start3A_626[%run_scoped3A_392, %dma_start3A_627, %dma_start3A_628] : memref<1x1024x32xf32, #tpu.memory_space<vmem>> -> memref<1x1024x32xf32, #tpu.memory_space<vmem>>
            %dma_start3A_630 = tpu.memref_squeeze %dma_start3A_629 : memref<1x1024x32xf32, #tpu.memory_space<vmem>> -> memref<1024x32xf32, #tpu.memory_space<vmem>>
            %dma_start3A_631 = arith.constant 0 : i32
            %dma_start3A_632 = arith.constant 0 : i32
            %dma_start3A_633 = tpu.memref_slice %run_scoped3A[%rem3A_388, %dma_start3A_631, %dma_start3A_632] : memref<2x1x1024xi32, #tpu.memory_space<vmem>> -> memref<1x1x1024xi32, #tpu.memory_space<vmem>>
            %dma_start3A_634 = tpu.memref_squeeze %dma_start3A_633 : memref<1x1x1024xi32, #tpu.memory_space<vmem>> -> memref<1x1024xi32, #tpu.memory_space<vmem>>
            %dma_start3A_635 = arith.constant 0 : i32
            %dma_start3A_636 = tpu.memref_slice %dma_start3A_634[%run_scoped3A_391, %dma_start3A_635] : memref<1x1024xi32, #tpu.memory_space<vmem>> -> memref<1x1024xi32, #tpu.memory_space<vmem>>
            %dma_start3A_637 = tpu.memref_squeeze %dma_start3A_636 : memref<1x1024xi32, #tpu.memory_space<vmem>> -> memref<1024xi32, #tpu.memory_space<vmem>>
            %dma_start3A_638 = arith.constant 0 : i32
            %dma_start3A_639 = arith.constant 0 : i32
            %dma_start3A_640 = tpu.memref_slice %arg2[%dma_start3A_638, %dma_start3A_639] : memref<1000000x32xf32, #tpu.memory_space<hbm>> -> memref<1000000x32xf32, #tpu.memory_space<hbm>>
            tpu.enqueue_indirect_dma source(%dma_start3A_640 : memref<1000000x32xf32, #tpu.memory_space<hbm>>) target(%dma_start3A_630 : memref<1024x32xf32, #tpu.memory_space<vmem>>) offsets(%dma_start3A_637 : memref<1024xi32, #tpu.memory_space<vmem>>) semaphore(%run_scoped3A_621 : memref<!tpu.dma_semaphore, #tpu.memory_space<semaphore_mem>>)
            %dma_wait3A = arith.constant 0 : i32
            %dma_wait3A_641 = arith.constant 0 : i32
            %dma_wait3A_642 = arith.constant 0 : i32
            %dma_wait3A_643 = tpu.memref_slice %run_scoped3A_18[%rem3A_390, %dma_wait3A, %dma_wait3A_641, %dma_wait3A_642] : memref<2x1x1024x32xf32, #tpu.memory_space<vmem>> -> memref<1x1x1024x32xf32, #tpu.memory_space<vmem>>
            %dma_wait3A_644 = tpu.memref_squeeze %dma_wait3A_643 : memref<1x1x1024x32xf32, #tpu.memory_space<vmem>> -> memref<1x1024x32xf32, #tpu.memory_space<vmem>>
            %dma_wait3A_645 = arith.constant 0 : i32
            %dma_wait3A_646 = arith.constant 0 : i32
            %dma_wait3A_647 = tpu.memref_slice %dma_wait3A_644[%run_scoped3A_392, %dma_wait3A_645, %dma_wait3A_646] : memref<1x1024x32xf32, #tpu.memory_space<vmem>> -> memref<1x1024x32xf32, #tpu.memory_space<vmem>>
            %dma_wait3A_648 = tpu.memref_squeeze %dma_wait3A_647 : memref<1x1024x32xf32, #tpu.memory_space<vmem>> -> memref<1024x32xf32, #tpu.memory_space<vmem>>
            %dma_wait3A_649 = arith.constant 0 : i32
            %dma_wait3A_650 = arith.constant 0 : i32
            %dma_wait3A_651 = tpu.memref_slice %run_scoped3A[%rem3A_388, %dma_wait3A_649, %dma_wait3A_650] : memref<2x1x1024xi32, #tpu.memory_space<vmem>> -> memref<1x1x1024xi32, #tpu.memory_space<vmem>>
            %dma_wait3A_652 = tpu.memref_squeeze %dma_wait3A_651 : memref<1x1x1024xi32, #tpu.memory_space<vmem>> -> memref<1x1024xi32, #tpu.memory_space<vmem>>
            %dma_wait3A_653 = arith.constant 0 : i32
            %dma_wait3A_654 = tpu.memref_slice %dma_wait3A_652[%run_scoped3A_391, %dma_wait3A_653] : memref<1x1024xi32, #tpu.memory_space<vmem>> -> memref<1x1024xi32, #tpu.memory_space<vmem>>
            %dma_wait3A_655 = tpu.memref_squeeze %dma_wait3A_654 : memref<1x1024xi32, #tpu.memory_space<vmem>> -> memref<1024xi32, #tpu.memory_space<vmem>>
            %dma_wait3A_656 = arith.constant 0 : i32
            %dma_wait3A_657 = arith.constant 0 : i32
            %dma_wait3A_658 = tpu.memref_slice %arg2[%dma_wait3A_656, %dma_wait3A_657] : memref<1000000x32xf32, #tpu.memory_space<hbm>> -> memref<1000000x32xf32, #tpu.memory_space<hbm>>
            tpu.wait_indirect_dma semaphore(%run_scoped3A_621 : memref<!tpu.dma_semaphore, #tpu.memory_space<semaphore_mem>>) src(%dma_wait3A_658 : memref<1000000x32xf32, #tpu.memory_space<hbm>>) dst(%dma_wait3A_648 : memref<1024x32xf32, #tpu.memory_space<vmem>>)
            tpu.yield
          }) : () -> ()
          "tpu.trace_stop"() : () -> ()
          %ne3A_393 = arith.cmpi ne, %add3A_155, %add3A_173 : i32
          %or3A_394 = arith.constant false
          %or3A_395 = arith.ori %or3A_394, %ne3A_393 : i1
          %or3A_396 = arith.ori %or3A_395, %eq3A_154 : i1
          %convert_element_type3A_397 = arith.extui %or3A_396 : i1 to i32
          %cond3A_398 = arith.constant 0 : i32
          %cond3A_399 = arith.cmpi ne, %convert_element_type3A_397, %cond3A_398 : i32
          scf.if %cond3A_399 {
          } else {
          }
          %and3A_400 = arith.constant false
          %and3A_401 = arith.andi %or3A_396, %and3A_400 : i1
          %jit3A_402 = arith.constant 4 : i32
          %div3A_403 = arith.divsi %add3A_155, %jit3A_402 : i32
          %sign3A_404 = arith.constant 0 : i32
          %sign3A_405 = arith.cmpi sgt, %add3A_155, %sign3A_404 : i32
          %sign3A_406 = arith.extui %sign3A_405 : i1 to i32
          %sign3A_407 = arith.constant 0 : i32
          %sign3A_408 = arith.cmpi slt, %add3A_155, %sign3A_407 : i32
          %sign3A_409 = arith.extui %sign3A_408 : i1 to i32
          %sign3A_410 = arith.subi %sign3A_406, %sign3A_409 : i32
          %sign3A_411 = arith.constant 0 : i32
          %sign3A_412 = arith.cmpi sgt, %jit3A_402, %sign3A_411 : i32
          %sign3A_413 = arith.extui %sign3A_412 : i1 to i32
          %sign3A_414 = arith.constant 0 : i32
          %sign3A_415 = arith.cmpi slt, %jit3A_402, %sign3A_414 : i32
          %sign3A_416 = arith.extui %sign3A_415 : i1 to i32
          %sign3A_417 = arith.subi %sign3A_413, %sign3A_416 : i32
          %ne3A_418 = arith.cmpi ne, %sign3A_410, %sign3A_417 : i32
          %rem3A_419 = arith.remsi %add3A_155, %jit3A_402 : i32
          %ne3A_420 = arith.constant 0 : i32
          %ne3A_421 = arith.cmpi ne, %rem3A_419, %ne3A_420 : i32
          %and3A_422 = arith.andi %ne3A_418, %ne3A_421 : i1
          %sub3A_423 = arith.constant 1 : i32
          %sub3A_424 = arith.subi %div3A_403, %sub3A_423 : i32
          %select_n3A_425 = arith.select %and3A_422, %sub3A_424, %div3A_403 : i32
          %jit3A_426 = arith.constant 4 : i32
          %eq3A_427 = arith.constant 0 : i32
          %eq3A_428 = arith.cmpi eq, %jit3A_426, %eq3A_427 : i32
          %jit3A_429 = arith.constant 1 : i32
          %select_n3A_430 = arith.select %eq3A_428, %jit3A_429, %jit3A_426 : i32
          %rem3A_431 = arith.remsi %add3A_155, %select_n3A_430 : i32
          %ne3A_432 = arith.constant 0 : i32
          %ne3A_433 = arith.cmpi ne, %rem3A_431, %ne3A_432 : i32
          %lt3A_434 = arith.constant 0 : i32
          %lt3A_435 = arith.cmpi slt, %rem3A_431, %lt3A_434 : i32
          %lt3A_436 = arith.constant 0 : i32
          %lt3A_437 = arith.cmpi slt, %select_n3A_430, %lt3A_436 : i32
          %ne3A_438 = arith.xori %lt3A_435, %lt3A_437 : i1
          %and3A_439 = arith.andi %ne3A_438, %ne3A_433 : i1
          %add3A_440 = arith.addi %rem3A_431, %select_n3A_430 : i32
          %select_n3A_441 = arith.select %and3A_439, %add3A_440, %rem3A_431 : i32
          %jit3A_442 = arith.constant 4 : i32
          %div3A_443 = arith.divsi %add3A_173, %jit3A_442 : i32
          %sign3A_444 = arith.constant 0 : i32
          %sign3A_445 = arith.cmpi sgt, %add3A_173, %sign3A_444 : i32
          %sign3A_446 = arith.extui %sign3A_445 : i1 to i32
          %sign3A_447 = arith.constant 0 : i32
          %sign3A_448 = arith.cmpi slt, %add3A_173, %sign3A_447 : i32
          %sign3A_449 = arith.extui %sign3A_448 : i1 to i32
          %sign3A_450 = arith.subi %sign3A_446, %sign3A_449 : i32
          %sign3A_451 = arith.constant 0 : i32
          %sign3A_452 = arith.cmpi sgt, %jit3A_442, %sign3A_451 : i32
          %sign3A_453 = arith.extui %sign3A_452 : i1 to i32
          %sign3A_454 = arith.constant 0 : i32
          %sign3A_455 = arith.cmpi slt, %jit3A_442, %sign3A_454 : i32
          %sign3A_456 = arith.extui %sign3A_455 : i1 to i32
          %sign3A_457 = arith.subi %sign3A_453, %sign3A_456 : i32
          %ne3A_458 = arith.cmpi ne, %sign3A_450, %sign3A_457 : i32
          %rem3A_459 = arith.remsi %add3A_173, %jit3A_442 : i32
          %ne3A_460 = arith.constant 0 : i32
          %ne3A_461 = arith.cmpi ne, %rem3A_459, %ne3A_460 : i32
          %and3A_462 = arith.andi %ne3A_458, %ne3A_461 : i1
          %sub3A_463 = arith.constant 1 : i32
          %sub3A_464 = arith.subi %div3A_443, %sub3A_463 : i32
          %select_n3A_465 = arith.select %and3A_462, %sub3A_464, %div3A_443 : i32
          %jit3A_466 = arith.constant 4 : i32
          %eq3A_467 = arith.constant 0 : i32
          %eq3A_468 = arith.cmpi eq, %jit3A_466, %eq3A_467 : i32
          %jit3A_469 = arith.constant 1 : i32
          %select_n3A_470 = arith.select %eq3A_468, %jit3A_469, %jit3A_466 : i32
          %rem3A_471 = arith.remsi %add3A_173, %select_n3A_470 : i32
          %ne3A_472 = arith.constant 0 : i32
          %ne3A_473 = arith.cmpi ne, %rem3A_471, %ne3A_472 : i32
          %lt3A_474 = arith.constant 0 : i32
          %lt3A_475 = arith.cmpi slt, %rem3A_471, %lt3A_474 : i32
          %lt3A_476 = arith.constant 0 : i32
          %lt3A_477 = arith.cmpi slt, %select_n3A_470, %lt3A_476 : i32
          %ne3A_478 = arith.xori %lt3A_475, %lt3A_477 : i1
          %and3A_479 = arith.andi %ne3A_478, %ne3A_473 : i1
          %add3A_480 = arith.addi %rem3A_471, %select_n3A_470 : i32
          %select_n3A_481 = arith.select %and3A_479, %add3A_480, %rem3A_471 : i32
          %ne3A_482 = arith.cmpi ne, %select_n3A_425, %select_n3A_465 : i32
          %ne3A_483 = arith.cmpi ne, %select_n3A_441, %select_n3A_481 : i32
          %or3A_484 = arith.constant false
          %or3A_485 = arith.ori %or3A_484, %ne3A_482 : i1
          %or3A_486 = arith.ori %or3A_485, %ne3A_483 : i1
          %or3A_487 = arith.constant false
          %or3A_488 = arith.ori %or3A_486, %or3A_487 : i1
          %or3A_489 = arith.ori %or3A_488, %eq3A_154 : i1
          %convert_element_type3A_490 = arith.extui %or3A_489 : i1 to i32
          %cond3A_491 = arith.constant 0 : i32
          %cond3A_492 = arith.cmpi ne, %convert_element_type3A_490, %cond3A_491 : i32
          scf.if %cond3A_492 {
            "tpu.trace_start"() <{level = 10 : i32, message = "ep_copy_out"}> : () -> ()
            %rem3A_621 = arith.constant 2 : i32
            %rem3A_622 = arith.remui %while3A_145, %rem3A_621 : i32
            %jit3A_623 = arith.constant 4 : i32
            %div3A_624 = arith.divsi %add3A_155, %jit3A_623 : i32
            %sign3A_625 = arith.constant 0 : i32
            %sign3A_626 = arith.cmpi sgt, %add3A_155, %sign3A_625 : i32
            %sign3A_627 = arith.extui %sign3A_626 : i1 to i32
            %sign3A_628 = arith.constant 0 : i32
            %sign3A_629 = arith.cmpi slt, %add3A_155, %sign3A_628 : i32
            %sign3A_630 = arith.extui %sign3A_629 : i1 to i32
            %sign3A_631 = arith.subi %sign3A_627, %sign3A_630 : i32
            %sign3A_632 = arith.constant 0 : i32
            %sign3A_633 = arith.cmpi sgt, %jit3A_623, %sign3A_632 : i32
            %sign3A_634 = arith.extui %sign3A_633 : i1 to i32
            %sign3A_635 = arith.constant 0 : i32
            %sign3A_636 = arith.cmpi slt, %jit3A_623, %sign3A_635 : i32
            %sign3A_637 = arith.extui %sign3A_636 : i1 to i32
            %sign3A_638 = arith.subi %sign3A_634, %sign3A_637 : i32
            %ne3A_639 = arith.cmpi ne, %sign3A_631, %sign3A_638 : i32
            %rem3A_640 = arith.remsi %add3A_155, %jit3A_623 : i32
            %ne3A_641 = arith.constant 0 : i32
            %ne3A_642 = arith.cmpi ne, %rem3A_640, %ne3A_641 : i32
            %and3A_643 = arith.andi %ne3A_639, %ne3A_642 : i1
            %sub3A_644 = arith.constant 1 : i32
            %sub3A_645 = arith.subi %div3A_624, %sub3A_644 : i32
            %select_n3A_646 = arith.select %and3A_643, %sub3A_645, %div3A_624 : i32
            %jit3A_647 = arith.constant 4 : i32
            %eq3A_648 = arith.constant 0 : i32
            %eq3A_649 = arith.cmpi eq, %jit3A_647, %eq3A_648 : i32
            %jit3A_650 = arith.constant 1 : i32
            %select_n3A_651 = arith.select %eq3A_649, %jit3A_650, %jit3A_647 : i32
            %rem3A_652 = arith.remsi %add3A_155, %select_n3A_651 : i32
            %ne3A_653 = arith.constant 0 : i32
            %ne3A_654 = arith.cmpi ne, %rem3A_652, %ne3A_653 : i32
            %lt3A_655 = arith.constant 0 : i32
            %lt3A_656 = arith.cmpi slt, %rem3A_652, %lt3A_655 : i32
            %lt3A_657 = arith.constant 0 : i32
            %lt3A_658 = arith.cmpi slt, %select_n3A_651, %lt3A_657 : i32
            %ne3A_659 = arith.xori %lt3A_656, %lt3A_658 : i1
            %and3A_660 = arith.andi %ne3A_659, %ne3A_654 : i1
            %add3A_661 = arith.addi %rem3A_652, %select_n3A_651 : i32
            %select_n3A_662 = arith.select %and3A_660, %add3A_661, %rem3A_652 : i32
            %mul3A_663 = arith.constant 1 : i32
            %mul3A_664 = arith.muli %mul3A_663, %select_n3A_646 : i32
            %mul3A_665 = arith.constant 1024 : i32
            %mul3A_666 = arith.muli %mul3A_665, %select_n3A_662 : i32
            %dma_start3A_667 = arith.constant 0 : i32
            %dma_start3A_668 = arith.constant 0 : i32
            %dma_start3A_669 = arith.constant 0 : i32
            %dma_start3A_670 = tpu.memref_slice %run_scoped3A_18[%rem3A_622, %dma_start3A_667, %dma_start3A_668, %dma_start3A_669] : memref<2x1x1024x32xf32, #tpu.memory_space<vmem>> -> memref<1x1x1024x32xf32, #tpu.memory_space<vmem>>
            %dma_start3A_671 = tpu.memref_squeeze %dma_start3A_670 : memref<1x1x1024x32xf32, #tpu.memory_space<vmem>> -> memref<1x1024x32xf32, #tpu.memory_space<vmem>>
            %dma_start3A_672 = arith.constant 0 : i32
            %dma_start3A_673 = tpu.memref_slice %arg4[%mul3A_664, %mul3A_666, %dma_start3A_672] : memref<100x4096x32xf32, #tpu.memory_space<hbm>> -> memref<1x1024x32xf32, #tpu.memory_space<hbm>>
            %dma_start3A_674 = tpu.memref_slice %run_scoped3A_19[%rem3A_622] : memref<2x!tpu.dma_semaphore, #tpu.memory_space<semaphore_mem>> -> memref<1x!tpu.dma_semaphore, #tpu.memory_space<semaphore_mem>>
            %dma_start3A_675 = tpu.memref_squeeze %dma_start3A_674 : memref<1x!tpu.dma_semaphore, #tpu.memory_space<semaphore_mem>> -> memref<!tpu.dma_semaphore, #tpu.memory_space<semaphore_mem>>
            %dma_start3A_676 = arith.constant 0 : i32
            %dma_start3A_677 = tpu.memref_slice %arg4[%mul3A_664, %mul3A_666, %dma_start3A_676] : memref<100x4096x32xf32, #tpu.memory_space<hbm>> -> memref<1x1024x32xf32, #tpu.memory_space<hbm>>
            %dma_start3A_678 = arith.constant 0 : i32
            %dma_start3A_679 = arith.constant 0 : i32
            %dma_start3A_680 = arith.constant 0 : i32
            %dma_start3A_681 = tpu.memref_slice %run_scoped3A_18[%rem3A_622, %dma_start3A_678, %dma_start3A_679, %dma_start3A_680] : memref<2x1x1024x32xf32, #tpu.memory_space<vmem>> -> memref<1x1x1024x32xf32, #tpu.memory_space<vmem>>
            %dma_start3A_682 = tpu.memref_squeeze %dma_start3A_681 : memref<1x1x1024x32xf32, #tpu.memory_space<vmem>> -> memref<1x1024x32xf32, #tpu.memory_space<vmem>>
            tpu.enqueue_dma source(%dma_start3A_682 : memref<1x1024x32xf32, #tpu.memory_space<vmem>>) target(%dma_start3A_677 : memref<1x1024x32xf32, #tpu.memory_space<hbm>>) target_semaphore(%dma_start3A_675 : memref<!tpu.dma_semaphore, #tpu.memory_space<semaphore_mem>>)
            "tpu.trace_stop"() : () -> ()
          } else {
          }
          %and3A_493 = arith.constant true
          %and3A_494 = arith.andi %or3A_489, %and3A_493 : i1
          %add3A_495 = arith.constant 1 : i32
          %add3A_496 = arith.addi %while3A_145, %add3A_495 : i32
          %select_n3A_497 = arith.select %and3A_494, %add3A_496, %while3A_145 : i32
          %ne3A_498 = arith.cmpi ne, %add3A_155, %add3A_165 : i32
          %or3A_499 = arith.constant false
          %or3A_500 = arith.ori %or3A_499, %ne3A_498 : i1
          %not3A_501 = arith.constant true
          %not3A_502 = arith.xori %eq3A_151, %not3A_501 : i1
          %and3A_503 = arith.andi %or3A_500, %not3A_502 : i1
          %convert_element_type3A_504 = arith.extui %and3A_503 : i1 to i32
          %cond3A_505 = arith.constant 0 : i32
          %cond3A_506 = arith.cmpi ne, %convert_element_type3A_504, %cond3A_505 : i32
          scf.if %cond3A_506 {
          } else {
          }
          %and3A_507 = arith.constant false
          %and3A_508 = arith.andi %and3A_503, %and3A_507 : i1
          %jit3A_509 = arith.constant 4 : i32
          %div3A_510 = arith.divsi %add3A_155, %jit3A_509 : i32
          %sign3A_511 = arith.constant 0 : i32
          %sign3A_512 = arith.cmpi sgt, %add3A_155, %sign3A_511 : i32
          %sign3A_513 = arith.extui %sign3A_512 : i1 to i32
          %sign3A_514 = arith.constant 0 : i32
          %sign3A_515 = arith.cmpi slt, %add3A_155, %sign3A_514 : i32
          %sign3A_516 = arith.extui %sign3A_515 : i1 to i32
          %sign3A_517 = arith.subi %sign3A_513, %sign3A_516 : i32
          %sign3A_518 = arith.constant 0 : i32
          %sign3A_519 = arith.cmpi sgt, %jit3A_509, %sign3A_518 : i32
          %sign3A_520 = arith.extui %sign3A_519 : i1 to i32
          %sign3A_521 = arith.constant 0 : i32
          %sign3A_522 = arith.cmpi slt, %jit3A_509, %sign3A_521 : i32
          %sign3A_523 = arith.extui %sign3A_522 : i1 to i32
          %sign3A_524 = arith.subi %sign3A_520, %sign3A_523 : i32
          %ne3A_525 = arith.cmpi ne, %sign3A_517, %sign3A_524 : i32
          %rem3A_526 = arith.remsi %add3A_155, %jit3A_509 : i32
          %ne3A_527 = arith.constant 0 : i32
          %ne3A_528 = arith.cmpi ne, %rem3A_526, %ne3A_527 : i32
          %and3A_529 = arith.andi %ne3A_525, %ne3A_528 : i1
          %sub3A_530 = arith.constant 1 : i32
          %sub3A_531 = arith.subi %div3A_510, %sub3A_530 : i32
          %select_n3A_532 = arith.select %and3A_529, %sub3A_531, %div3A_510 : i32
          %jit3A_533 = arith.constant 4 : i32
          %eq3A_534 = arith.constant 0 : i32
          %eq3A_535 = arith.cmpi eq, %jit3A_533, %eq3A_534 : i32
          %jit3A_536 = arith.constant 1 : i32
          %select_n3A_537 = arith.select %eq3A_535, %jit3A_536, %jit3A_533 : i32
          %rem3A_538 = arith.remsi %add3A_155, %select_n3A_537 : i32
          %ne3A_539 = arith.constant 0 : i32
          %ne3A_540 = arith.cmpi ne, %rem3A_538, %ne3A_539 : i32
          %lt3A_541 = arith.constant 0 : i32
          %lt3A_542 = arith.cmpi slt, %rem3A_538, %lt3A_541 : i32
          %lt3A_543 = arith.constant 0 : i32
          %lt3A_544 = arith.cmpi slt, %select_n3A_537, %lt3A_543 : i32
          %ne3A_545 = arith.xori %lt3A_542, %lt3A_544 : i1
          %and3A_546 = arith.andi %ne3A_545, %ne3A_540 : i1
          %add3A_547 = arith.addi %rem3A_538, %select_n3A_537 : i32
          %select_n3A_548 = arith.select %and3A_546, %add3A_547, %rem3A_538 : i32
          %jit3A_549 = arith.constant 4 : i32
          %div3A_550 = arith.divsi %add3A_165, %jit3A_549 : i32
          %sign3A_551 = arith.constant 0 : i32
          %sign3A_552 = arith.cmpi sgt, %add3A_165, %sign3A_551 : i32
          %sign3A_553 = arith.extui %sign3A_552 : i1 to i32
          %sign3A_554 = arith.constant 0 : i32
          %sign3A_555 = arith.cmpi slt, %add3A_165, %sign3A_554 : i32
          %sign3A_556 = arith.extui %sign3A_555 : i1 to i32
          %sign3A_557 = arith.subi %sign3A_553, %sign3A_556 : i32
          %sign3A_558 = arith.constant 0 : i32
          %sign3A_559 = arith.cmpi sgt, %jit3A_549, %sign3A_558 : i32
          %sign3A_560 = arith.extui %sign3A_559 : i1 to i32
          %sign3A_561 = arith.constant 0 : i32
          %sign3A_562 = arith.cmpi slt, %jit3A_549, %sign3A_561 : i32
          %sign3A_563 = arith.extui %sign3A_562 : i1 to i32
          %sign3A_564 = arith.subi %sign3A_560, %sign3A_563 : i32
          %ne3A_565 = arith.cmpi ne, %sign3A_557, %sign3A_564 : i32
          %rem3A_566 = arith.remsi %add3A_165, %jit3A_549 : i32
          %ne3A_567 = arith.constant 0 : i32
          %ne3A_568 = arith.cmpi ne, %rem3A_566, %ne3A_567 : i32
          %and3A_569 = arith.andi %ne3A_565, %ne3A_568 : i1
          %sub3A_570 = arith.constant 1 : i32
          %sub3A_571 = arith.subi %div3A_550, %sub3A_570 : i32
          %select_n3A_572 = arith.select %and3A_569, %sub3A_571, %div3A_550 : i32
          %jit3A_573 = arith.constant 4 : i32
          %eq3A_574 = arith.constant 0 : i32
          %eq3A_575 = arith.cmpi eq, %jit3A_573, %eq3A_574 : i32
          %jit3A_576 = arith.constant 1 : i32
          %select_n3A_577 = arith.select %eq3A_575, %jit3A_576, %jit3A_573 : i32
          %rem3A_578 = arith.remsi %add3A_165, %select_n3A_577 : i32
          %ne3A_579 = arith.constant 0 : i32
          %ne3A_580 = arith.cmpi ne, %rem3A_578, %ne3A_579 : i32
          %lt3A_581 = arith.constant 0 : i32
          %lt3A_582 = arith.cmpi slt, %rem3A_578, %lt3A_581 : i32
          %lt3A_583 = arith.constant 0 : i32
          %lt3A_584 = arith.cmpi slt, %select_n3A_577, %lt3A_583 : i32
          %ne3A_585 = arith.xori %lt3A_582, %lt3A_584 : i1
          %and3A_586 = arith.andi %ne3A_585, %ne3A_580 : i1
          %add3A_587 = arith.addi %rem3A_578, %select_n3A_577 : i32
          %select_n3A_588 = arith.select %and3A_586, %add3A_587, %rem3A_578 : i32
          %ne3A_589 = arith.cmpi ne, %select_n3A_532, %select_n3A_572 : i32
          %ne3A_590 = arith.cmpi ne, %select_n3A_548, %select_n3A_588 : i32
          %or3A_591 = arith.constant false
          %or3A_592 = arith.ori %or3A_591, %ne3A_589 : i1
          %or3A_593 = arith.ori %or3A_592, %ne3A_590 : i1
          %or3A_594 = arith.constant false
          %or3A_595 = arith.ori %or3A_593, %or3A_594 : i1
          %not3A_596 = arith.constant true
          %not3A_597 = arith.xori %eq3A_151, %not3A_596 : i1
          %and3A_598 = arith.andi %or3A_595, %not3A_597 : i1
          %convert_element_type3A_599 = arith.extui %and3A_598 : i1 to i32
          %cond3A_600 = arith.constant 0 : i32
          %cond3A_601 = arith.cmpi ne, %convert_element_type3A_599, %cond3A_600 : i32
          scf.if %cond3A_601 {
            "tpu.trace_start"() <{level = 10 : i32, message = "ep_wait_out"}> : () -> ()
            %rem3A_621 = arith.constant 2 : i32
            %rem3A_622 = arith.remui %while3A_146, %rem3A_621 : i32
            %jit3A_623 = arith.constant 4 : i32
            %div3A_624 = arith.divsi %add3A_165, %jit3A_623 : i32
            %sign3A_625 = arith.constant 0 : i32
            %sign3A_626 = arith.cmpi sgt, %add3A_165, %sign3A_625 : i32
            %sign3A_627 = arith.extui %sign3A_626 : i1 to i32
            %sign3A_628 = arith.constant 0 : i32
            %sign3A_629 = arith.cmpi slt, %add3A_165, %sign3A_628 : i32
            %sign3A_630 = arith.extui %sign3A_629 : i1 to i32
            %sign3A_631 = arith.subi %sign3A_627, %sign3A_630 : i32
            %sign3A_632 = arith.constant 0 : i32
            %sign3A_633 = arith.cmpi sgt, %jit3A_623, %sign3A_632 : i32
            %sign3A_634 = arith.extui %sign3A_633 : i1 to i32
            %sign3A_635 = arith.constant 0 : i32
            %sign3A_636 = arith.cmpi slt, %jit3A_623, %sign3A_635 : i32
            %sign3A_637 = arith.extui %sign3A_636 : i1 to i32
            %sign3A_638 = arith.subi %sign3A_634, %sign3A_637 : i32
            %ne3A_639 = arith.cmpi ne, %sign3A_631, %sign3A_638 : i32
            %rem3A_640 = arith.remsi %add3A_165, %jit3A_623 : i32
            %ne3A_641 = arith.constant 0 : i32
            %ne3A_642 = arith.cmpi ne, %rem3A_640, %ne3A_641 : i32
            %and3A_643 = arith.andi %ne3A_639, %ne3A_642 : i1
            %sub3A_644 = arith.constant 1 : i32
            %sub3A_645 = arith.subi %div3A_624, %sub3A_644 : i32
            %select_n3A_646 = arith.select %and3A_643, %sub3A_645, %div3A_624 : i32
            %jit3A_647 = arith.constant 4 : i32
            %eq3A_648 = arith.constant 0 : i32
            %eq3A_649 = arith.cmpi eq, %jit3A_647, %eq3A_648 : i32
            %jit3A_650 = arith.constant 1 : i32
            %select_n3A_651 = arith.select %eq3A_649, %jit3A_650, %jit3A_647 : i32
            %rem3A_652 = arith.remsi %add3A_165, %select_n3A_651 : i32
            %ne3A_653 = arith.constant 0 : i32
            %ne3A_654 = arith.cmpi ne, %rem3A_652, %ne3A_653 : i32
            %lt3A_655 = arith.constant 0 : i32
            %lt3A_656 = arith.cmpi slt, %rem3A_652, %lt3A_655 : i32
            %lt3A_657 = arith.constant 0 : i32
            %lt3A_658 = arith.cmpi slt, %select_n3A_651, %lt3A_657 : i32
            %ne3A_659 = arith.xori %lt3A_656, %lt3A_658 : i1
            %and3A_660 = arith.andi %ne3A_659, %ne3A_654 : i1
            %add3A_661 = arith.addi %rem3A_652, %select_n3A_651 : i32
            %select_n3A_662 = arith.select %and3A_660, %add3A_661, %rem3A_652 : i32
            %mul3A_663 = arith.constant 1 : i32
            %mul3A_664 = arith.muli %mul3A_663, %select_n3A_646 : i32
            %mul3A_665 = arith.constant 1024 : i32
            %mul3A_666 = arith.muli %mul3A_665, %select_n3A_662 : i32
            %dma_wait3A = arith.constant 0 : i32
            %dma_wait3A_667 = arith.constant 0 : i32
            %dma_wait3A_668 = arith.constant 0 : i32
            %dma_wait3A_669 = tpu.memref_slice %run_scoped3A_18[%rem3A_622, %dma_wait3A, %dma_wait3A_667, %dma_wait3A_668] : memref<2x1x1024x32xf32, #tpu.memory_space<vmem>> -> memref<1x1x1024x32xf32, #tpu.memory_space<vmem>>
            %dma_wait3A_670 = tpu.memref_squeeze %dma_wait3A_669 : memref<1x1x1024x32xf32, #tpu.memory_space<vmem>> -> memref<1x1024x32xf32, #tpu.memory_space<vmem>>
            %dma_wait3A_671 = arith.constant 0 : i32
            %dma_wait3A_672 = tpu.memref_slice %arg4[%mul3A_664, %mul3A_666, %dma_wait3A_671] : memref<100x4096x32xf32, #tpu.memory_space<hbm>> -> memref<1x1024x32xf32, #tpu.memory_space<hbm>>
            %dma_wait3A_673 = tpu.memref_slice %run_scoped3A_19[%rem3A_622] : memref<2x!tpu.dma_semaphore, #tpu.memory_space<semaphore_mem>> -> memref<1x!tpu.dma_semaphore, #tpu.memory_space<semaphore_mem>>
            %dma_wait3A_674 = tpu.memref_squeeze %dma_wait3A_673 : memref<1x!tpu.dma_semaphore, #tpu.memory_space<semaphore_mem>> -> memref<!tpu.dma_semaphore, #tpu.memory_space<semaphore_mem>>
            %dma_wait3A_675 = arith.constant 0 : i32
            %dma_wait3A_676 = tpu.memref_slice %arg4[%mul3A_664, %mul3A_666, %dma_wait3A_675] : memref<100x4096x32xf32, #tpu.memory_space<hbm>> -> memref<1x1024x32xf32, #tpu.memory_space<hbm>>
            %dma_wait3A_677 = arith.constant 0 : i32
            %dma_wait3A_678 = arith.constant 0 : i32
            %dma_wait3A_679 = arith.constant 0 : i32
            %dma_wait3A_680 = tpu.memref_slice %run_scoped3A_18[%rem3A_622, %dma_wait3A_677, %dma_wait3A_678, %dma_wait3A_679] : memref<2x1x1024x32xf32, #tpu.memory_space<vmem>> -> memref<1x1x1024x32xf32, #tpu.memory_space<vmem>>
            %dma_wait3A_681 = tpu.memref_squeeze %dma_wait3A_680 : memref<1x1x1024x32xf32, #tpu.memory_space<vmem>> -> memref<1x1024x32xf32, #tpu.memory_space<vmem>>
            tpu.wait_dma2 semaphore(%dma_wait3A_674 : memref<!tpu.dma_semaphore, #tpu.memory_space<semaphore_mem>>) src(%dma_wait3A_681 : memref<1x1024x32xf32, #tpu.memory_space<vmem>>) dst(%dma_wait3A_676 : memref<1x1024x32xf32, #tpu.memory_space<hbm>>)
            "tpu.trace_stop"() : () -> ()
          } else {
          }
          %and3A_602 = arith.constant true
          %and3A_603 = arith.andi %and3A_598, %and3A_602 : i1
          %add3A_604 = arith.constant 1 : i32
          %add3A_605 = arith.addi %while3A_146, %add3A_604 : i32
          %select_n3A_606 = arith.select %and3A_603, %add3A_605, %while3A_146 : i32
          %ne3A_607 = arith.cmpi ne, %add3A_155, %add3A_173 : i32
          %or3A_608 = arith.constant false
          %or3A_609 = arith.ori %or3A_608, %ne3A_607 : i1
          %or3A_610 = arith.ori %or3A_609, %eq3A_154 : i1
          %add3A_611 = arith.constant 1 : i32
          %add3A_612 = arith.addi %while3A_144, %add3A_611 : i32
          %select_n3A_613 = arith.select %or3A_610, %add3A_612, %while3A_144 : i32
          %add3A_614 = arith.constant 1 : i32
          %add3A_615 = arith.addi %while3A_147, %add3A_614 : i32
          %select_n3A_616 = arith.constant true
          %select_n3A_617 = arith.select %select_n3A_616, %add3A_615, %while3A_147 : i32
          %eq3A_618 = arith.cmpi eq, %select_n3A_617, %select_n3A : i32
          %select_n3A_619 = arith.constant 0 : i32
          %select_n3A_620 = arith.select %eq3A_618, %select_n3A_619, %select_n3A_617 : i32
          scf.yield %select_n3A_195, %select_n3A_613, %select_n3A_497, %select_n3A_606, %select_n3A_620 : i32, i32, i32, i32, i32
        }
        %sub3A_91 = arith.constant 1 : i32
        %sub3A_92 = arith.subi %while3A_90#4, %sub3A_91 : i32
        %select_n3A_93 = arith.constant true
        %select_n3A_94 = arith.select %select_n3A_93, %sub3A_92, %while3A_90#4 : i32
        %eq3A_95 = arith.constant -1 : i32
        %eq3A_96 = arith.cmpi eq, %select_n3A_94, %eq3A_95 : i32
        %sub3A_97 = arith.constant 1 : i32
        %sub3A_98 = arith.subi %select_n3A, %sub3A_97 : i32
        %select_n3A_99 = arith.select %eq3A_96, %sub3A_98, %select_n3A_94 : i32
        %sub3A_100 = arith.constant 1 : i32
        %sub3A_101 = arith.subi %mul3A_16, %sub3A_100 : i32
        %mul3A_102 = arith.constant 1 : i32
        %mul3A_103 = arith.muli %mul3A_102, %select_n3A : i32
        %eq3A_104 = arith.constant 0 : i32
        %eq3A_105 = arith.cmpi eq, %sub3A_101, %eq3A_104 : i32
        %sub3A_106 = arith.constant 1 : i32
        %sub3A_107 = arith.subi %mul3A_103, %sub3A_106 : i32
        %eq3A_108 = arith.cmpi eq, %sub3A_101, %sub3A_107 : i32
        %add3A_109 = arith.addi %select_n3A_99, %select_n3A_14 : i32
        %sub3A_110 = arith.constant 1 : i32
        %sub3A_111 = arith.subi %select_n3A_99, %sub3A_110 : i32
        %select_n3A_112 = arith.constant true
        %select_n3A_113 = arith.select %select_n3A_112, %sub3A_111, %select_n3A_99 : i32
        %eq3A_114 = arith.constant -1 : i32
        %eq3A_115 = arith.cmpi eq, %select_n3A_113, %eq3A_114 : i32
        %sub3A_116 = arith.constant 1 : i32
        %sub3A_117 = arith.subi %select_n3A, %sub3A_116 : i32
        %select_n3A_118 = arith.select %eq3A_115, %sub3A_117, %select_n3A_113 : i32
        %add3A_119 = arith.addi %select_n3A_118, %select_n3A_14 : i32
        %add3A_120 = arith.constant 1 : i32
        %add3A_121 = arith.addi %select_n3A_99, %add3A_120 : i32
        %select_n3A_122 = arith.constant true
        %select_n3A_123 = arith.select %select_n3A_122, %add3A_121, %select_n3A_99 : i32
        %eq3A_124 = arith.cmpi eq, %select_n3A_123, %select_n3A : i32
        %select_n3A_125 = arith.constant 0 : i32
        %select_n3A_126 = arith.select %eq3A_124, %select_n3A_125, %select_n3A_123 : i32
        %add3A_127 = arith.addi %select_n3A_126, %select_n3A_14 : i32
        %add3A_128 = arith.constant 1 : i32
        %add3A_129 = arith.addi %select_n3A_126, %add3A_128 : i32
        %select_n3A_130 = arith.constant true
        %select_n3A_131 = arith.select %select_n3A_130, %add3A_129, %select_n3A_126 : i32
        %eq3A_132 = arith.cmpi eq, %select_n3A_131, %select_n3A : i32
        %select_n3A_133 = arith.constant 0 : i32
        %select_n3A_134 = arith.select %eq3A_132, %select_n3A_133, %select_n3A_131 : i32
        %add3A_135 = arith.addi %select_n3A_134, %select_n3A_14 : i32
        %convert_element_type3A_136 = arith.extui %eq3A_108 : i1 to i32
        %cond3A_137 = arith.constant 0 : i32
        %cond3A_138 = arith.cmpi ne, %convert_element_type3A_136, %cond3A_137 : i32
        scf.if %cond3A_138 {
        } else {
        }
        %convert_element_type3A_139 = arith.extui %eq3A_108 : i1 to i32
        %cond3A_140 = arith.constant 0 : i32
        %cond3A_141 = arith.cmpi ne, %convert_element_type3A_139, %cond3A_140 : i32
        scf.if %cond3A_141 {
          "tpu.trace_start"() <{level = 10 : i32, message = "ep_finalize"}> : () -> ()
          %rem3A_142 = arith.constant 2 : i32
          %rem3A_143 = arith.remui %while3A_90#3, %rem3A_142 : i32
          %jit3A_144 = arith.constant 4 : i32
          %div3A = arith.divsi %add3A_109, %jit3A_144 : i32
          %sign3A = arith.constant 0 : i32
          %sign3A_145 = arith.cmpi sgt, %add3A_109, %sign3A : i32
          %sign3A_146 = arith.extui %sign3A_145 : i1 to i32
          %sign3A_147 = arith.constant 0 : i32
          %sign3A_148 = arith.cmpi slt, %add3A_109, %sign3A_147 : i32
          %sign3A_149 = arith.extui %sign3A_148 : i1 to i32
          %sign3A_150 = arith.subi %sign3A_146, %sign3A_149 : i32
          %sign3A_151 = arith.constant 0 : i32
          %sign3A_152 = arith.cmpi sgt, %jit3A_144, %sign3A_151 : i32
          %sign3A_153 = arith.extui %sign3A_152 : i1 to i32
          %sign3A_154 = arith.constant 0 : i32
          %sign3A_155 = arith.cmpi slt, %jit3A_144, %sign3A_154 : i32
          %sign3A_156 = arith.extui %sign3A_155 : i1 to i32
          %sign3A_157 = arith.subi %sign3A_153, %sign3A_156 : i32
          %ne3A = arith.cmpi ne, %sign3A_150, %sign3A_157 : i32
          %rem3A_158 = arith.remsi %add3A_109, %jit3A_144 : i32
          %ne3A_159 = arith.constant 0 : i32
          %ne3A_160 = arith.cmpi ne, %rem3A_158, %ne3A_159 : i32
          %and3A = arith.andi %ne3A, %ne3A_160 : i1
          %sub3A_161 = arith.constant 1 : i32
          %sub3A_162 = arith.subi %div3A, %sub3A_161 : i32
          %select_n3A_163 = arith.select %and3A, %sub3A_162, %div3A : i32
          %jit3A_164 = arith.constant 4 : i32
          %eq3A_165 = arith.constant 0 : i32
          %eq3A_166 = arith.cmpi eq, %jit3A_164, %eq3A_165 : i32
          %jit3A_167 = arith.constant 1 : i32
          %select_n3A_168 = arith.select %eq3A_166, %jit3A_167, %jit3A_164 : i32
          %rem3A_169 = arith.remsi %add3A_109, %select_n3A_168 : i32
          %ne3A_170 = arith.constant 0 : i32
          %ne3A_171 = arith.cmpi ne, %rem3A_169, %ne3A_170 : i32
          %lt3A_172 = arith.constant 0 : i32
          %lt3A_173 = arith.cmpi slt, %rem3A_169, %lt3A_172 : i32
          %lt3A_174 = arith.constant 0 : i32
          %lt3A_175 = arith.cmpi slt, %select_n3A_168, %lt3A_174 : i32
          %ne3A_176 = arith.xori %lt3A_173, %lt3A_175 : i1
          %and3A_177 = arith.andi %ne3A_176, %ne3A_171 : i1
          %add3A_178 = arith.addi %rem3A_169, %select_n3A_168 : i32
          %select_n3A_179 = arith.select %and3A_177, %add3A_178, %rem3A_169 : i32
          %mul3A_180 = arith.constant 1 : i32
          %mul3A_181 = arith.muli %mul3A_180, %select_n3A_163 : i32
          %mul3A_182 = arith.constant 1024 : i32
          %mul3A_183 = arith.muli %mul3A_182, %select_n3A_179 : i32
          %dma_wait3A = arith.constant 0 : i32
          %dma_wait3A_184 = arith.constant 0 : i32
          %dma_wait3A_185 = arith.constant 0 : i32
          %dma_wait3A_186 = tpu.memref_slice %run_scoped3A_18[%rem3A_143, %dma_wait3A, %dma_wait3A_184, %dma_wait3A_185] : memref<2x1x1024x32xf32, #tpu.memory_space<vmem>> -> memref<1x1x1024x32xf32, #tpu.memory_space<vmem>>
          %dma_wait3A_187 = tpu.memref_squeeze %dma_wait3A_186 : memref<1x1x1024x32xf32, #tpu.memory_space<vmem>> -> memref<1x1024x32xf32, #tpu.memory_space<vmem>>
          %dma_wait3A_188 = arith.constant 0 : i32
          %dma_wait3A_189 = tpu.memref_slice %arg4[%mul3A_181, %mul3A_183, %dma_wait3A_188] : memref<100x4096x32xf32, #tpu.memory_space<hbm>> -> memref<1x1024x32xf32, #tpu.memory_space<hbm>>
          %dma_wait3A_190 = tpu.memref_slice %run_scoped3A_19[%rem3A_143] : memref<2x!tpu.dma_semaphore, #tpu.memory_space<semaphore_mem>> -> memref<1x!tpu.dma_semaphore, #tpu.memory_space<semaphore_mem>>
          %dma_wait3A_191 = tpu.memref_squeeze %dma_wait3A_190 : memref<1x!tpu.dma_semaphore, #tpu.memory_space<semaphore_mem>> -> memref<!tpu.dma_semaphore, #tpu.memory_space<semaphore_mem>>
          %dma_wait3A_192 = arith.constant 0 : i32
          %dma_wait3A_193 = tpu.memref_slice %arg4[%mul3A_181, %mul3A_183, %dma_wait3A_192] : memref<100x4096x32xf32, #tpu.memory_space<hbm>> -> memref<1x1024x32xf32, #tpu.memory_space<hbm>>
          %dma_wait3A_194 = arith.constant 0 : i32
          %dma_wait3A_195 = arith.constant 0 : i32
          %dma_wait3A_196 = arith.constant 0 : i32
          %dma_wait3A_197 = tpu.memref_slice %run_scoped3A_18[%rem3A_143, %dma_wait3A_194, %dma_wait3A_195, %dma_wait3A_196] : memref<2x1x1024x32xf32, #tpu.memory_space<vmem>> -> memref<1x1x1024x32xf32, #tpu.memory_space<vmem>>
          %dma_wait3A_198 = tpu.memref_squeeze %dma_wait3A_197 : memref<1x1x1024x32xf32, #tpu.memory_space<vmem>> -> memref<1x1024x32xf32, #tpu.memory_space<vmem>>
          tpu.wait_dma2 semaphore(%dma_wait3A_191 : memref<!tpu.dma_semaphore, #tpu.memory_space<semaphore_mem>>) src(%dma_wait3A_198 : memref<1x1024x32xf32, #tpu.memory_space<vmem>>) dst(%dma_wait3A_193 : memref<1x1024x32xf32, #tpu.memory_space<hbm>>)
          "tpu.trace_stop"() : () -> ()
        } else {
        }
      } else {
      }
      tpu.yield
    }) : () -> ()
    return
  }
}

#map = affine_map<(d0, d1) -> (0, 0)>
#map1 = affine_map<(d0, d1) -> (0, 0, 0)>
module attributes {stable_mosaic.version = 14 : i64} {
  func.func @kernel_body(%arg0: i32, %arg1: i32, %arg2: memref<1000000x32xf32, #tpu.memory_space<hbm>>, %arg3: memref<1x409600xi32, #tpu.memory_space<hbm>>, %arg4: memref<100x4096x32xf32, #tpu.memory_space<hbm>>) attributes {dimension_semantics = [#tpu.dimension_semantics<core_parallel>, #tpu.dimension_semantics<subcore_parallel>], iteration_bounds = array<i64: 2, 16>, scalar_prefetch = 0 : i64, scratch_operands = 0 : i64, tpu.core_type = #tpu.core_type<sc_vector_subcore>, window_params = [{transform_indices = #map}, {transform_indices = #map}, {transform_indices = #map1}]} {
    %mul3A = arith.constant 1 : i32
    %mul3A_0 = arith.muli %arg1, %mul3A : i32
    %add3A = arith.constant 0 : i32
    %add3A_1 = arith.addi %add3A, %mul3A_0 : i32
    %mul3A_2 = arith.constant 16 : i32
    %mul3A_3 = arith.muli %arg0, %mul3A_2 : i32
    %add3A_4 = arith.addi %add3A_1, %mul3A_3 : i32
    %lt3A = arith.constant 16 : i32
    %lt3A_5 = arith.cmpi slt, %add3A_4, %lt3A : i32
    %jit3A = arith.constant 13 : i32
    %jit3A_6 = arith.constant 12 : i32
    %select_n3A = arith.select %lt3A_5, %jit3A, %jit3A_6 : i32
    %lt3A_7 = arith.constant 16 : i32
    %lt3A_8 = arith.cmpi slt, %add3A_4, %lt3A_7 : i32
    %mul3A_9 = arith.muli %add3A_4, %select_n3A : i32
    %mul3A_10 = arith.constant 12 : i32
    %mul3A_11 = arith.muli %add3A_4, %mul3A_10 : i32
    %add3A_12 = arith.constant 16 : i32
    %add3A_13 = arith.addi %mul3A_11, %add3A_12 : i32
    %select_n3A_14 = arith.select %lt3A_8, %mul3A_9, %add3A_13 : i32
    %mul3A_15 = arith.constant 1 : i32
    %mul3A_16 = arith.muli %mul3A_15, %select_n3A : i32
    "tpu.region"() ({
      %run_scoped3A = memref.alloca() : memref<2x1x1024xi32, #tpu.memory_space<vmem>>
      %run_scoped3A_17 = tpu.sem_alloc : memref<2x!tpu.dma_semaphore, #tpu.memory_space<semaphore_mem>>
      %run_scoped3A_18 = memref.alloca() : memref<2x1x1024x32xf32, #tpu.memory_space<vmem>>
      %run_scoped3A_19 = tpu.sem_alloc : memref<2x!tpu.dma_semaphore, #tpu.memory_space<semaphore_mem>>
      %gt3A = arith.constant 0 : i32
      %gt3A_20 = arith.cmpi sgt, %mul3A_16, %gt3A : i32
      %convert_element_type3A = arith.extui %gt3A_20 : i1 to i32
      %cond3A = arith.constant 0 : i32
      %cond3A_21 = arith.cmpi ne, %convert_element_type3A, %cond3A : i32
      scf.if %cond3A_21 {
        %mul3A_22 = arith.constant 1 : i32
        %mul3A_23 = arith.muli %mul3A_22, %select_n3A : i32
        %sub3A = arith.constant 1 : i32
        %sub3A_24 = arith.subi %mul3A_23, %sub3A : i32
        %eq3A = arith.constant 0 : i32
        %eq3A_25 = arith.cmpi eq, %sub3A_24, %eq3A : i32
        %add3A_26 = arith.constant 0 : i32
        %add3A_27 = arith.addi %add3A_26, %select_n3A_14 : i32
        %select_n3A_28 = arith.constant true
        %select_n3A_29 = arith.constant 0 : i32
        %select_n3A_30 = arith.constant -1 : i32
        %select_n3A_31 = arith.select %select_n3A_28, %select_n3A_30, %select_n3A_29 : i32
        %eq3A_32 = arith.constant -1 : i32
        %eq3A_33 = arith.cmpi eq, %select_n3A_31, %eq3A_32 : i32
        %sub3A_34 = arith.constant 1 : i32
        %sub3A_35 = arith.subi %select_n3A, %sub3A_34 : i32
        %select_n3A_36 = arith.select %eq3A_33, %sub3A_35, %select_n3A_31 : i32
        %add3A_37 = arith.addi %select_n3A_36, %select_n3A_14 : i32
        %select_n3A_38 = arith.constant true
        %select_n3A_39 = arith.constant 0 : i32
        %select_n3A_40 = arith.constant 1 : i32
        %select_n3A_41 = arith.select %select_n3A_38, %select_n3A_40, %select_n3A_39 : i32
        %eq3A_42 = arith.cmpi eq, %select_n3A_41, %select_n3A : i32
        %select_n3A_43 = arith.constant 0 : i32
        %select_n3A_44 = arith.select %eq3A_42, %select_n3A_43, %select_n3A_41 : i32
        %add3A_45 = arith.addi %select_n3A_44, %select_n3A_14 : i32
        %add3A_46 = arith.constant 1 : i32
        %add3A_47 = arith.addi %select_n3A_44, %add3A_46 : i32
        %select_n3A_48 = arith.constant true
        %select_n3A_49 = arith.select %select_n3A_48, %add3A_47, %select_n3A_44 : i32
        %eq3A_50 = arith.cmpi eq, %select_n3A_49, %select_n3A : i32
        %select_n3A_51 = arith.constant 0 : i32
        %select_n3A_52 = arith.select %eq3A_50, %select_n3A_51, %select_n3A_49 : i32
        %add3A_53 = arith.addi %select_n3A_52, %select_n3A_14 : i32
        "tpu.trace_start"() <{level = 10 : i32, message = "ep_initialize_0"}> : () -> ()
        %rem3A = arith.constant 0 : i32
        %rem3A_54 = arith.constant 2 : i32
        %rem3A_55 = arith.remui %rem3A, %rem3A_54 : i32
        %mul3A_56 = arith.constant 1024 : i32
        %mul3A_57 = arith.muli %mul3A_56, %add3A_27 : i32
        %dma_start3A = arith.constant 0 : i32
        %dma_start3A_58 = arith.constant 0 : i32
        %dma_start3A_59 = tpu.memref_slice %run_scoped3A[%rem3A_55, %dma_start3A, %dma_start3A_58] : memref<2x1x1024xi32, #tpu.memory_space<vmem>> -> memref<1x1x1024xi32, #tpu.memory_space<vmem>>
        %dma_start3A_60 = tpu.memref_squeeze %dma_start3A_59 : memref<1x1x1024xi32, #tpu.memory_space<vmem>> -> memref<1x1024xi32, #tpu.memory_space<vmem>>
        %dma_start3A_61 = arith.constant 0 : i32
        %dma_start3A_62 = tpu.memref_slice %arg3[%dma_start3A_61, %mul3A_57] : memref<1x409600xi32, #tpu.memory_space<hbm>> -> memref<1x1024xi32, #tpu.memory_space<hbm>>
        %dma_start3A_63 = tpu.memref_slice %run_scoped3A_17[%rem3A_55] : memref<2x!tpu.dma_semaphore, #tpu.memory_space<semaphore_mem>> -> memref<1x!tpu.dma_semaphore, #tpu.memory_space<semaphore_mem>>
        %dma_start3A_64 = tpu.memref_squeeze %dma_start3A_63 : memref<1x!tpu.dma_semaphore, #tpu.memory_space<semaphore_mem>> -> memref<!tpu.dma_semaphore, #tpu.memory_space<semaphore_mem>>
        %dma_start3A_65 = arith.constant 0 : i32
        %dma_start3A_66 = arith.constant 0 : i32
        %dma_start3A_67 = tpu.memref_slice %run_scoped3A[%rem3A_55, %dma_start3A_65, %dma_start3A_66] : memref<2x1x1024xi32, #tpu.memory_space<vmem>> -> memref<1x1x1024xi32, #tpu.memory_space<vmem>>
        %dma_start3A_68 = tpu.memref_squeeze %dma_start3A_67 : memref<1x1x1024xi32, #tpu.memory_space<vmem>> -> memref<1x1024xi32, #tpu.memory_space<vmem>>
        %dma_start3A_69 = arith.constant 0 : i32
        %dma_start3A_70 = tpu.memref_slice %arg3[%dma_start3A_69, %mul3A_57] : memref<1x409600xi32, #tpu.memory_space<hbm>> -> memref<1x1024xi32, #tpu.memory_space<hbm>>
        tpu.enqueue_dma source(%dma_start3A_70 : memref<1x1024xi32, #tpu.memory_space<hbm>>) target(%dma_start3A_68 : memref<1x1024xi32, #tpu.memory_space<vmem>>) target_semaphore(%dma_start3A_64 : memref<!tpu.dma_semaphore, #tpu.memory_space<semaphore_mem>>)
        %add3A_71 = arith.constant 0 : i32
        %add3A_72 = arith.constant 1 : i32
        %add3A_73 = arith.addi %add3A_71, %add3A_72 : i32
        %select_n3A_74 = arith.constant true
        %select_n3A_75 = arith.constant 0 : i32
        %select_n3A_76 = arith.select %select_n3A_74, %add3A_73, %select_n3A_75 : i32
        %while3A = arith.constant 0 : i32
        %while3A_77 = arith.constant 0 : i32
        %while3A_78 = arith.constant 0 : i32
        %while3A_79 = arith.constant 0 : i32
        %while3A_80 = arith.constant 0 : i32
        "tpu.trace_stop"() : () -> ()
        %while3A_81 = arith.subi %mul3A_16, %while3A : i32
        %while3A_82 = arith.addi %while3A, %while3A_81 : i32
        %while3A_83 = arith.constant 1 : i32
        %while3A_84 = arith.divsi %while3A_81, %while3A_83 : i32
        %while3A_85 = arith.muli %while3A_84, %while3A_83 : i32
        %while3A_86 = arith.addi %while3A, %while3A_85 : i32
        %while3A_87 = arith.constant 1 : i32
        %while3A_88:5 = scf.for %while3A_142 = %while3A to %while3A_86 step %while3A_87 iter_args(%while3A_143 = %select_n3A_76, %while3A_144 = %while3A_77, %while3A_145 = %while3A_78, %while3A_146 = %while3A_79, %while3A_147 = %while3A_80) -> (i32, i32, i32, i32, i32)  : i32 {
          %mul3A_148 = arith.constant 1 : i32
          %mul3A_149 = arith.muli %mul3A_148, %select_n3A : i32
          %eq3A_150 = arith.constant 0 : i32
          %eq3A_151 = arith.cmpi eq, %while3A_142, %eq3A_150 : i32
          %sub3A_152 = arith.constant 1 : i32
          %sub3A_153 = arith.subi %mul3A_149, %sub3A_152 : i32
          %eq3A_154 = arith.cmpi eq, %while3A_142, %sub3A_153 : i32
          %add3A_155 = arith.addi %while3A_147, %select_n3A_14 : i32
          %sub3A_156 = arith.constant 1 : i32
          %sub3A_157 = arith.subi %while3A_147, %sub3A_156 : i32
          %select_n3A_158 = arith.constant true
          %select_n3A_159 = arith.select %select_n3A_158, %sub3A_157, %while3A_147 : i32
          %eq3A_160 = arith.constant -1 : i32
          %eq3A_161 = arith.cmpi eq, %select_n3A_159, %eq3A_160 : i32
          %sub3A_162 = arith.constant 1 : i32
          %sub3A_163 = arith.subi %select_n3A, %sub3A_162 : i32
          %select_n3A_164 = arith.select %eq3A_161, %sub3A_163, %select_n3A_159 : i32
          %add3A_165 = arith.addi %select_n3A_164, %select_n3A_14 : i32
          %add3A_166 = arith.constant 1 : i32
          %add3A_167 = arith.addi %while3A_147, %add3A_166 : i32
          %select_n3A_168 = arith.constant true
          %select_n3A_169 = arith.select %select_n3A_168, %add3A_167, %while3A_147 : i32
          %eq3A_170 = arith.cmpi eq, %select_n3A_169, %select_n3A : i32
          %select_n3A_171 = arith.constant 0 : i32
          %select_n3A_172 = arith.select %eq3A_170, %select_n3A_171, %select_n3A_169 : i32
          %add3A_173 = arith.addi %select_n3A_172, %select_n3A_14 : i32
          %add3A_174 = arith.constant 1 : i32
          %add3A_175 = arith.addi %select_n3A_172, %add3A_174 : i32
          %select_n3A_176 = arith.constant true
          %select_n3A_177 = arith.select %select_n3A_176, %add3A_175, %select_n3A_172 : i32
          %eq3A_178 = arith.cmpi eq, %select_n3A_177, %select_n3A : i32
          %select_n3A_179 = arith.constant 0 : i32
          %select_n3A_180 = arith.select %eq3A_178, %select_n3A_179, %select_n3A_177 : i32
          %add3A_181 = arith.addi %select_n3A_180, %select_n3A_14 : i32
          %ne3A = arith.cmpi ne, %add3A_155, %add3A_173 : i32
          %or3A = arith.constant false
          %or3A_182 = arith.ori %or3A, %ne3A : i1
          %sub3A_183 = arith.constant 2 : i32
          %sub3A_184 = arith.subi %mul3A_149, %sub3A_183 : i32
          %add3A_185 = arith.constant 1 : i32
          %add3A_186 = arith.addi %sub3A_184, %add3A_185 : i32
          %ge3A = arith.cmpi sge, %while3A_142, %add3A_186 : i32
          %not3A = arith.constant true
          %not3A_187 = arith.xori %ge3A, %not3A : i1
          %and3A = arith.andi %or3A_182, %not3A_187 : i1
          %convert_element_type3A_188 = arith.extui %and3A : i1 to i32
          %cond3A_189 = arith.constant 0 : i32
          %cond3A_190 = arith.cmpi ne, %convert_element_type3A_188, %cond3A_189 : i32
          scf.if %cond3A_190 {
            "tpu.trace_start"() <{level = 10 : i32, message = "ep_copy_in"}> : () -> ()
            %rem3A_621 = arith.constant 2 : i32
            %rem3A_622 = arith.remui %while3A_143, %rem3A_621 : i32
            %mul3A_623 = arith.constant 1024 : i32
            %mul3A_624 = arith.muli %mul3A_623, %add3A_173 : i32
            %dma_start3A_625 = arith.constant 0 : i32
            %dma_start3A_626 = arith.constant 0 : i32
            %dma_start3A_627 = tpu.memref_slice %run_scoped3A[%rem3A_622, %dma_start3A_625, %dma_start3A_626] : memref<2x1x1024xi32, #tpu.memory_space<vmem>> -> memref<1x1x1024xi32, #tpu.memory_space<vmem>>
            %dma_start3A_628 = tpu.memref_squeeze %dma_start3A_627 : memref<1x1x1024xi32, #tpu.memory_space<vmem>> -> memref<1x1024xi32, #tpu.memory_space<vmem>>
            %dma_start3A_629 = arith.constant 0 : i32
            %dma_start3A_630 = tpu.memref_slice %arg3[%dma_start3A_629, %mul3A_624] : memref<1x409600xi32, #tpu.memory_space<hbm>> -> memref<1x1024xi32, #tpu.memory_space<hbm>>
            %dma_start3A_631 = tpu.memref_slice %run_scoped3A_17[%rem3A_622] : memref<2x!tpu.dma_semaphore, #tpu.memory_space<semaphore_mem>> -> memref<1x!tpu.dma_semaphore, #tpu.memory_space<semaphore_mem>>
            %dma_start3A_632 = tpu.memref_squeeze %dma_start3A_631 : memref<1x!tpu.dma_semaphore, #tpu.memory_space<semaphore_mem>> -> memref<!tpu.dma_semaphore, #tpu.memory_space<semaphore_mem>>
            %dma_start3A_633 = arith.constant 0 : i32
            %dma_start3A_634 = arith.constant 0 : i32
            %dma_start3A_635 = tpu.memref_slice %run_scoped3A[%rem3A_622, %dma_start3A_633, %dma_start3A_634] : memref<2x1x1024xi32, #tpu.memory_space<vmem>> -> memref<1x1x1024xi32, #tpu.memory_space<vmem>>
            %dma_start3A_636 = tpu.memref_squeeze %dma_start3A_635 : memref<1x1x1024xi32, #tpu.memory_space<vmem>> -> memref<1x1024xi32, #tpu.memory_space<vmem>>
            %dma_start3A_637 = arith.constant 0 : i32
            %dma_start3A_638 = tpu.memref_slice %arg3[%dma_start3A_637, %mul3A_624] : memref<1x409600xi32, #tpu.memory_space<hbm>> -> memref<1x1024xi32, #tpu.memory_space<hbm>>
            tpu.enqueue_dma source(%dma_start3A_638 : memref<1x1024xi32, #tpu.memory_space<hbm>>) target(%dma_start3A_636 : memref<1x1024xi32, #tpu.memory_space<vmem>>) target_semaphore(%dma_start3A_632 : memref<!tpu.dma_semaphore, #tpu.memory_space<semaphore_mem>>)
            "tpu.trace_stop"() : () -> ()
          } else {
          }
          %and3A_191 = arith.constant true
          %and3A_192 = arith.andi %and3A, %and3A_191 : i1
          %add3A_193 = arith.constant 1 : i32
          %add3A_194 = arith.addi %while3A_143, %add3A_193 : i32
          %select_n3A_195 = arith.select %and3A_192, %add3A_194, %while3A_143 : i32
          %jit3A_196 = arith.constant 4 : i32
          %div3A = arith.divsi %add3A_155, %jit3A_196 : i32
          %sign3A = arith.constant 0 : i32
          %sign3A_197 = arith.cmpi sgt, %add3A_155, %sign3A : i32
          %sign3A_198 = arith.extui %sign3A_197 : i1 to i32
          %sign3A_199 = arith.constant 0 : i32
          %sign3A_200 = arith.cmpi slt, %add3A_155, %sign3A_199 : i32
          %sign3A_201 = arith.extui %sign3A_200 : i1 to i32
          %sign3A_202 = arith.subi %sign3A_198, %sign3A_201 : i32
          %sign3A_203 = arith.constant 0 : i32
          %sign3A_204 = arith.cmpi sgt, %jit3A_196, %sign3A_203 : i32
          %sign3A_205 = arith.extui %sign3A_204 : i1 to i32
          %sign3A_206 = arith.constant 0 : i32
          %sign3A_207 = arith.cmpi slt, %jit3A_196, %sign3A_206 : i32
          %sign3A_208 = arith.extui %sign3A_207 : i1 to i32
          %sign3A_209 = arith.subi %sign3A_205, %sign3A_208 : i32
          %ne3A_210 = arith.cmpi ne, %sign3A_202, %sign3A_209 : i32
          %rem3A_211 = arith.remsi %add3A_155, %jit3A_196 : i32
          %ne3A_212 = arith.constant 0 : i32
          %ne3A_213 = arith.cmpi ne, %rem3A_211, %ne3A_212 : i32
          %and3A_214 = arith.andi %ne3A_210, %ne3A_213 : i1
          %sub3A_215 = arith.constant 1 : i32
          %sub3A_216 = arith.subi %div3A, %sub3A_215 : i32
          %select_n3A_217 = arith.select %and3A_214, %sub3A_216, %div3A : i32
          %jit3A_218 = arith.constant 4 : i32
          %eq3A_219 = arith.constant 0 : i32
          %eq3A_220 = arith.cmpi eq, %jit3A_218, %eq3A_219 : i32
          %jit3A_221 = arith.constant 1 : i32
          %select_n3A_222 = arith.select %eq3A_220, %jit3A_221, %jit3A_218 : i32
          %rem3A_223 = arith.remsi %add3A_155, %select_n3A_222 : i32
          %ne3A_224 = arith.constant 0 : i32
          %ne3A_225 = arith.cmpi ne, %rem3A_223, %ne3A_224 : i32
          %lt3A_226 = arith.constant 0 : i32
          %lt3A_227 = arith.cmpi slt, %rem3A_223, %lt3A_226 : i32
          %lt3A_228 = arith.constant 0 : i32
          %lt3A_229 = arith.cmpi slt, %select_n3A_222, %lt3A_228 : i32
          %ne3A_230 = arith.xori %lt3A_227, %lt3A_229 : i1
          %and3A_231 = arith.andi %ne3A_230, %ne3A_225 : i1
          %add3A_232 = arith.addi %rem3A_223, %select_n3A_222 : i32
          %select_n3A_233 = arith.select %and3A_231, %add3A_232, %rem3A_223 : i32
          %jit3A_234 = arith.constant 4 : i32
          %div3A_235 = arith.divsi %add3A_173, %jit3A_234 : i32
          %sign3A_236 = arith.constant 0 : i32
          %sign3A_237 = arith.cmpi sgt, %add3A_173, %sign3A_236 : i32
          %sign3A_238 = arith.extui %sign3A_237 : i1 to i32
          %sign3A_239 = arith.constant 0 : i32
          %sign3A_240 = arith.cmpi slt, %add3A_173, %sign3A_239 : i32
          %sign3A_241 = arith.extui %sign3A_240 : i1 to i32
          %sign3A_242 = arith.subi %sign3A_238, %sign3A_241 : i32
          %sign3A_243 = arith.constant 0 : i32
          %sign3A_244 = arith.cmpi sgt, %jit3A_234, %sign3A_243 : i32
          %sign3A_245 = arith.extui %sign3A_244 : i1 to i32
          %sign3A_246 = arith.constant 0 : i32
          %sign3A_247 = arith.cmpi slt, %jit3A_234, %sign3A_246 : i32
          %sign3A_248 = arith.extui %sign3A_247 : i1 to i32
          %sign3A_249 = arith.subi %sign3A_245, %sign3A_248 : i32
          %ne3A_250 = arith.cmpi ne, %sign3A_242, %sign3A_249 : i32
          %rem3A_251 = arith.remsi %add3A_173, %jit3A_234 : i32
          %ne3A_252 = arith.constant 0 : i32
          %ne3A_253 = arith.cmpi ne, %rem3A_251, %ne3A_252 : i32
          %and3A_254 = arith.andi %ne3A_250, %ne3A_253 : i1
          %sub3A_255 = arith.constant 1 : i32
          %sub3A_256 = arith.subi %div3A_235, %sub3A_255 : i32
          %select_n3A_257 = arith.select %and3A_254, %sub3A_256, %div3A_235 : i32
          %jit3A_258 = arith.constant 4 : i32
          %eq3A_259 = arith.constant 0 : i32
          %eq3A_260 = arith.cmpi eq, %jit3A_258, %eq3A_259 : i32
          %jit3A_261 = arith.constant 1 : i32
          %select_n3A_262 = arith.select %eq3A_260, %jit3A_261, %jit3A_258 : i32
          %rem3A_263 = arith.remsi %add3A_173, %select_n3A_262 : i32
          %ne3A_264 = arith.constant 0 : i32
          %ne3A_265 = arith.cmpi ne, %rem3A_263, %ne3A_264 : i32
          %lt3A_266 = arith.constant 0 : i32
          %lt3A_267 = arith.cmpi slt, %rem3A_263, %lt3A_266 : i32
          %lt3A_268 = arith.constant 0 : i32
          %lt3A_269 = arith.cmpi slt, %select_n3A_262, %lt3A_268 : i32
          %ne3A_270 = arith.xori %lt3A_267, %lt3A_269 : i1
          %and3A_271 = arith.andi %ne3A_270, %ne3A_265 : i1
          %add3A_272 = arith.addi %rem3A_263, %select_n3A_262 : i32
          %select_n3A_273 = arith.select %and3A_271, %add3A_272, %rem3A_263 : i32
          %ne3A_274 = arith.cmpi ne, %select_n3A_217, %select_n3A_257 : i32
          %ne3A_275 = arith.cmpi ne, %select_n3A_233, %select_n3A_273 : i32
          %or3A_276 = arith.constant false
          %or3A_277 = arith.ori %or3A_276, %ne3A_274 : i1
          %or3A_278 = arith.ori %or3A_277, %ne3A_275 : i1
          %or3A_279 = arith.constant false
          %or3A_280 = arith.ori %or3A_278, %or3A_279 : i1
          %sub3A_281 = arith.constant 2 : i32
          %sub3A_282 = arith.subi %mul3A_149, %sub3A_281 : i32
          %add3A_283 = arith.constant 1 : i32
          %add3A_284 = arith.addi %sub3A_282, %add3A_283 : i32
          %ge3A_285 = arith.cmpi sge, %while3A_142, %add3A_284 : i32
          %not3A_286 = arith.constant true
          %not3A_287 = arith.xori %ge3A_285, %not3A_286 : i1
          %and3A_288 = arith.andi %or3A_280, %not3A_287 : i1
          %ne3A_289 = arith.cmpi ne, %add3A_155, %add3A_165 : i32
          %or3A_290 = arith.constant false
          %or3A_291 = arith.ori %or3A_290, %ne3A_289 : i1
          %or3A_292 = arith.ori %or3A_291, %eq3A_151 : i1
          %convert_element_type3A_293 = arith.extui %or3A_292 : i1 to i32
          %cond3A_294 = arith.constant 0 : i32
          %cond3A_295 = arith.cmpi ne, %convert_element_type3A_293, %cond3A_294 : i32
          scf.if %cond3A_295 {
            "tpu.trace_start"() <{level = 10 : i32, message = "ep_wait_in"}> : () -> ()
            %mul3A_621 = arith.constant 1024 : i32
            %mul3A_622 = arith.muli %mul3A_621, %add3A_155 : i32
            %rem3A_623 = arith.constant 2 : i32
            %rem3A_624 = arith.remui %while3A_144, %rem3A_623 : i32
            %dma_wait3A = arith.constant 0 : i32
            %dma_wait3A_625 = arith.constant 0 : i32
            %dma_wait3A_626 = tpu.memref_slice %run_scoped3A[%rem3A_624, %dma_wait3A, %dma_wait3A_625] : memref<2x1x1024xi32, #tpu.memory_space<vmem>> -> memref<1x1x1024xi32, #tpu.memory_space<vmem>>
            %dma_wait3A_627 = tpu.memref_squeeze %dma_wait3A_626 : memref<1x1x1024xi32, #tpu.memory_space<vmem>> -> memref<1x1024xi32, #tpu.memory_space<vmem>>
            %dma_wait3A_628 = arith.constant 0 : i32
            %dma_wait3A_629 = tpu.memref_slice %arg3[%dma_wait3A_628, %mul3A_622] : memref<1x409600xi32, #tpu.memory_space<hbm>> -> memref<1x1024xi32, #tpu.memory_space<hbm>>
            %dma_wait3A_630 = tpu.memref_slice %run_scoped3A_17[%rem3A_624] : memref<2x!tpu.dma_semaphore, #tpu.memory_space<semaphore_mem>> -> memref<1x!tpu.dma_semaphore, #tpu.memory_space<semaphore_mem>>
            %dma_wait3A_631 = tpu.memref_squeeze %dma_wait3A_630 : memref<1x!tpu.dma_semaphore, #tpu.memory_space<semaphore_mem>> -> memref<!tpu.dma_semaphore, #tpu.memory_space<semaphore_mem>>
            %dma_wait3A_632 = arith.constant 0 : i32
            %dma_wait3A_633 = arith.constant 0 : i32
            %dma_wait3A_634 = tpu.memref_slice %run_scoped3A[%rem3A_624, %dma_wait3A_632, %dma_wait3A_633] : memref<2x1x1024xi32, #tpu.memory_space<vmem>> -> memref<1x1x1024xi32, #tpu.memory_space<vmem>>
            %dma_wait3A_635 = tpu.memref_squeeze %dma_wait3A_634 : memref<1x1x1024xi32, #tpu.memory_space<vmem>> -> memref<1x1024xi32, #tpu.memory_space<vmem>>
            %dma_wait3A_636 = arith.constant 0 : i32
            %dma_wait3A_637 = tpu.memref_slice %arg3[%dma_wait3A_636, %mul3A_622] : memref<1x409600xi32, #tpu.memory_space<hbm>> -> memref<1x1024xi32, #tpu.memory_space<hbm>>
            tpu.wait_dma2 semaphore(%dma_wait3A_631 : memref<!tpu.dma_semaphore, #tpu.memory_space<semaphore_mem>>) src(%dma_wait3A_637 : memref<1x1024xi32, #tpu.memory_space<hbm>>) dst(%dma_wait3A_635 : memref<1x1024xi32, #tpu.memory_space<vmem>>)
            "tpu.trace_stop"() : () -> ()
          } else {
          }
          %jit3A_296 = arith.constant 4 : i32
          %div3A_297 = arith.divsi %add3A_155, %jit3A_296 : i32
          %sign3A_298 = arith.constant 0 : i32
          %sign3A_299 = arith.cmpi sgt, %add3A_155, %sign3A_298 : i32
          %sign3A_300 = arith.extui %sign3A_299 : i1 to i32
          %sign3A_301 = arith.constant 0 : i32
          %sign3A_302 = arith.cmpi slt, %add3A_155, %sign3A_301 : i32
          %sign3A_303 = arith.extui %sign3A_302 : i1 to i32
          %sign3A_304 = arith.subi %sign3A_300, %sign3A_303 : i32
          %sign3A_305 = arith.constant 0 : i32
          %sign3A_306 = arith.cmpi sgt, %jit3A_296, %sign3A_305 : i32
          %sign3A_307 = arith.extui %sign3A_306 : i1 to i32
          %sign3A_308 = arith.constant 0 : i32
          %sign3A_309 = arith.cmpi slt, %jit3A_296, %sign3A_308 : i32
          %sign3A_310 = arith.extui %sign3A_309 : i1 to i32
          %sign3A_311 = arith.subi %sign3A_307, %sign3A_310 : i32
          %ne3A_312 = arith.cmpi ne, %sign3A_304, %sign3A_311 : i32
          %rem3A_313 = arith.remsi %add3A_155, %jit3A_296 : i32
          %ne3A_314 = arith.constant 0 : i32
          %ne3A_315 = arith.cmpi ne, %rem3A_313, %ne3A_314 : i32
          %and3A_316 = arith.andi %ne3A_312, %ne3A_315 : i1
          %sub3A_317 = arith.constant 1 : i32
          %sub3A_318 = arith.subi %div3A_297, %sub3A_317 : i32
          %select_n3A_319 = arith.select %and3A_316, %sub3A_318, %div3A_297 : i32
          %jit3A_320 = arith.constant 4 : i32
          %eq3A_321 = arith.constant 0 : i32
          %eq3A_322 = arith.cmpi eq, %jit3A_320, %eq3A_321 : i32
          %jit3A_323 = arith.constant 1 : i32
          %select_n3A_324 = arith.select %eq3A_322, %jit3A_323, %jit3A_320 : i32
          %rem3A_325 = arith.remsi %add3A_155, %select_n3A_324 : i32
          %ne3A_326 = arith.constant 0 : i32
          %ne3A_327 = arith.cmpi ne, %rem3A_325, %ne3A_326 : i32
          %lt3A_328 = arith.constant 0 : i32
          %lt3A_329 = arith.cmpi slt, %rem3A_325, %lt3A_328 : i32
          %lt3A_330 = arith.constant 0 : i32
          %lt3A_331 = arith.cmpi slt, %select_n3A_324, %lt3A_330 : i32
          %ne3A_332 = arith.xori %lt3A_329, %lt3A_331 : i1
          %and3A_333 = arith.andi %ne3A_332, %ne3A_327 : i1
          %add3A_334 = arith.addi %rem3A_325, %select_n3A_324 : i32
          %select_n3A_335 = arith.select %and3A_333, %add3A_334, %rem3A_325 : i32
          %jit3A_336 = arith.constant 4 : i32
          %div3A_337 = arith.divsi %add3A_165, %jit3A_336 : i32
          %sign3A_338 = arith.constant 0 : i32
          %sign3A_339 = arith.cmpi sgt, %add3A_165, %sign3A_338 : i32
          %sign3A_340 = arith.extui %sign3A_339 : i1 to i32
          %sign3A_341 = arith.constant 0 : i32
          %sign3A_342 = arith.cmpi slt, %add3A_165, %sign3A_341 : i32
          %sign3A_343 = arith.extui %sign3A_342 : i1 to i32
          %sign3A_344 = arith.subi %sign3A_340, %sign3A_343 : i32
          %sign3A_345 = arith.constant 0 : i32
          %sign3A_346 = arith.cmpi sgt, %jit3A_336, %sign3A_345 : i32
          %sign3A_347 = arith.extui %sign3A_346 : i1 to i32
          %sign3A_348 = arith.constant 0 : i32
          %sign3A_349 = arith.cmpi slt, %jit3A_336, %sign3A_348 : i32
          %sign3A_350 = arith.extui %sign3A_349 : i1 to i32
          %sign3A_351 = arith.subi %sign3A_347, %sign3A_350 : i32
          %ne3A_352 = arith.cmpi ne, %sign3A_344, %sign3A_351 : i32
          %rem3A_353 = arith.remsi %add3A_165, %jit3A_336 : i32
          %ne3A_354 = arith.constant 0 : i32
          %ne3A_355 = arith.cmpi ne, %rem3A_353, %ne3A_354 : i32
          %and3A_356 = arith.andi %ne3A_352, %ne3A_355 : i1
          %sub3A_357 = arith.constant 1 : i32
          %sub3A_358 = arith.subi %div3A_337, %sub3A_357 : i32
          %select_n3A_359 = arith.select %and3A_356, %sub3A_358, %div3A_337 : i32
          %jit3A_360 = arith.constant 4 : i32
          %eq3A_361 = arith.constant 0 : i32
          %eq3A_362 = arith.cmpi eq, %jit3A_360, %eq3A_361 : i32
          %jit3A_363 = arith.constant 1 : i32
          %select_n3A_364 = arith.select %eq3A_362, %jit3A_363, %jit3A_360 : i32
          %rem3A_365 = arith.remsi %add3A_165, %select_n3A_364 : i32
          %ne3A_366 = arith.constant 0 : i32
          %ne3A_367 = arith.cmpi ne, %rem3A_365, %ne3A_366 : i32
          %lt3A_368 = arith.constant 0 : i32
          %lt3A_369 = arith.cmpi slt, %rem3A_365, %lt3A_368 : i32
          %lt3A_370 = arith.constant 0 : i32
          %lt3A_371 = arith.cmpi slt, %select_n3A_364, %lt3A_370 : i32
          %ne3A_372 = arith.xori %lt3A_369, %lt3A_371 : i1
          %and3A_373 = arith.andi %ne3A_372, %ne3A_367 : i1
          %add3A_374 = arith.addi %rem3A_365, %select_n3A_364 : i32
          %select_n3A_375 = arith.select %and3A_373, %add3A_374, %rem3A_365 : i32
          %ne3A_376 = arith.cmpi ne, %select_n3A_319, %select_n3A_359 : i32
          %ne3A_377 = arith.cmpi ne, %select_n3A_335, %select_n3A_375 : i32
          %or3A_378 = arith.constant false
          %or3A_379 = arith.ori %or3A_378, %ne3A_376 : i1
          %or3A_380 = arith.ori %or3A_379, %ne3A_377 : i1
          %or3A_381 = arith.constant false
          %or3A_382 = arith.ori %or3A_380, %or3A_381 : i1
          %or3A_383 = arith.ori %or3A_382, %eq3A_151 : i1
          %convert_element_type3A_384 = arith.extui %or3A_383 : i1 to i32
          %cond3A_385 = arith.constant 0 : i32
          %cond3A_386 = arith.cmpi ne, %convert_element_type3A_384, %cond3A_385 : i32
          scf.if %cond3A_386 {
          } else {
          }
          %rem3A_387 = arith.constant 2 : i32
          %rem3A_388 = arith.remui %while3A_144, %rem3A_387 : i32
          %rem3A_389 = arith.constant 2 : i32
          %rem3A_390 = arith.remui %while3A_145, %rem3A_389 : i32
          %run_scoped3A_391 = arith.constant 0 : i32
          %run_scoped3A_392 = arith.constant 0 : i32
          "tpu.trace_start"() <{level = 10 : i32, message = "ep_run_kernel"}> : () -> ()
          "tpu.region"() ({
            %run_scoped3A_621 = tpu.sem_alloc : memref<!tpu.dma_semaphore, #tpu.memory_space<semaphore_mem>>
            %dma_start3A_622 = arith.constant 0 : i32
            %dma_start3A_623 = arith.constant 0 : i32
            %dma_start3A_624 = arith.constant 0 : i32
            %dma_start3A_625 = tpu.memref_slice %run_scoped3A_18[%rem3A_390, %dma_start3A_622, %dma_start3A_623, %dma_start3A_624] : memref<2x1x1024x32xf32, #tpu.memory_space<vmem>> -> memref<1x1x1024x32xf32, #tpu.memory_space<vmem>>
            %dma_start3A_626 = tpu.memref_squeeze %dma_start3A_625 : memref<1x1x1024x32xf32, #tpu.memory_space<vmem>> -> memref<1x1024x32xf32, #tpu.memory_space<vmem>>
            %dma_start3A_627 = arith.constant 0 : i32
            %dma_start3A_628 = arith.constant 0 : i32
            %dma_start3A_629 = tpu.memref_slice %dma_start3A_626[%run_scoped3A_392, %dma_start3A_627, %dma_start3A_628] : memref<1x1024x32xf32, #tpu.memory_space<vmem>> -> memref<1x1024x32xf32, #tpu.memory_space<vmem>>
            %dma_start3A_630 = tpu.memref_squeeze %dma_start3A_629 : memref<1x1024x32xf32, #tpu.memory_space<vmem>> -> memref<1024x32xf32, #tpu.memory_space<vmem>>
            %dma_start3A_631 = arith.constant 0 : i32
            %dma_start3A_632 = arith.constant 0 : i32
            %dma_start3A_633 = tpu.memref_slice %run_scoped3A[%rem3A_388, %dma_start3A_631, %dma_start3A_632] : memref<2x1x1024xi32, #tpu.memory_space<vmem>> -> memref<1x1x1024xi32, #tpu.memory_space<vmem>>
            %dma_start3A_634 = tpu.memref_squeeze %dma_start3A_633 : memref<1x1x1024xi32, #tpu.memory_space<vmem>> -> memref<1x1024xi32, #tpu.memory_space<vmem>>
            %dma_start3A_635 = arith.constant 0 : i32
            %dma_start3A_636 = tpu.memref_slice %dma_start3A_634[%run_scoped3A_391, %dma_start3A_635] : memref<1x1024xi32, #tpu.memory_space<vmem>> -> memref<1x1024xi32, #tpu.memory_space<vmem>>
            %dma_start3A_637 = tpu.memref_squeeze %dma_start3A_636 : memref<1x1024xi32, #tpu.memory_space<vmem>> -> memref<1024xi32, #tpu.memory_space<vmem>>
            %dma_start3A_638 = arith.constant 0 : i32
            %dma_start3A_639 = arith.constant 0 : i32
            %dma_start3A_640 = tpu.memref_slice %arg2[%dma_start3A_638, %dma_start3A_639] : memref<1000000x32xf32, #tpu.memory_space<hbm>> -> memref<1000000x32xf32, #tpu.memory_space<hbm>>
            tpu.enqueue_indirect_dma source(%dma_start3A_640 : memref<1000000x32xf32, #tpu.memory_space<hbm>>) target(%dma_start3A_630 : memref<1024x32xf32, #tpu.memory_space<vmem>>) offsets(%dma_start3A_637 : memref<1024xi32, #tpu.memory_space<vmem>>) semaphore(%run_scoped3A_621 : memref<!tpu.dma_semaphore, #tpu.memory_space<semaphore_mem>>)
            %dma_wait3A = arith.constant 0 : i32
            %dma_wait3A_641 = arith.constant 0 : i32
            %dma_wait3A_642 = arith.constant 0 : i32
            %dma_wait3A_643 = tpu.memref_slice %run_scoped3A_18[%rem3A_390, %dma_wait3A, %dma_wait3A_641, %dma_wait3A_642] : memref<2x1x1024x32xf32, #tpu.memory_space<vmem>> -> memref<1x1x1024x32xf32, #tpu.memory_space<vmem>>
            %dma_wait3A_644 = tpu.memref_squeeze %dma_wait3A_643 : memref<1x1x1024x32xf32, #tpu.memory_space<vmem>> -> memref<1x1024x32xf32, #tpu.memory_space<vmem>>
            %dma_wait3A_645 = arith.constant 0 : i32
            %dma_wait3A_646 = arith.constant 0 : i32
            %dma_wait3A_647 = tpu.memref_slice %dma_wait3A_644[%run_scoped3A_392, %dma_wait3A_645, %dma_wait3A_646] : memref<1x1024x32xf32, #tpu.memory_space<vmem>> -> memref<1x1024x32xf32, #tpu.memory_space<vmem>>
            %dma_wait3A_648 = tpu.memref_squeeze %dma_wait3A_647 : memref<1x1024x32xf32, #tpu.memory_space<vmem>> -> memref<1024x32xf32, #tpu.memory_space<vmem>>
            %dma_wait3A_649 = arith.constant 0 : i32
            %dma_wait3A_650 = arith.constant 0 : i32
            %dma_wait3A_651 = tpu.memref_slice %run_scoped3A[%rem3A_388, %dma_wait3A_649, %dma_wait3A_650] : memref<2x1x1024xi32, #tpu.memory_space<vmem>> -> memref<1x1x1024xi32, #tpu.memory_space<vmem>>
            %dma_wait3A_652 = tpu.memref_squeeze %dma_wait3A_651 : memref<1x1x1024xi32, #tpu.memory_space<vmem>> -> memref<1x1024xi32, #tpu.memory_space<vmem>>
            %dma_wait3A_653 = arith.constant 0 : i32
            %dma_wait3A_654 = tpu.memref_slice %dma_wait3A_652[%run_scoped3A_391, %dma_wait3A_653] : memref<1x1024xi32, #tpu.memory_space<vmem>> -> memref<1x1024xi32, #tpu.memory_space<vmem>>
            %dma_wait3A_655 = tpu.memref_squeeze %dma_wait3A_654 : memref<1x1024xi32, #tpu.memory_space<vmem>> -> memref<1024xi32, #tpu.memory_space<vmem>>
            %dma_wait3A_656 = arith.constant 0 : i32
            %dma_wait3A_657 = arith.constant 0 : i32
            %dma_wait3A_658 = tpu.memref_slice %arg2[%dma_wait3A_656, %dma_wait3A_657] : memref<1000000x32xf32, #tpu.memory_space<hbm>> -> memref<1000000x32xf32, #tpu.memory_space<hbm>>
            tpu.wait_indirect_dma semaphore(%run_scoped3A_621 : memref<!tpu.dma_semaphore, #tpu.memory_space<semaphore_mem>>) src(%dma_wait3A_658 : memref<1000000x32xf32, #tpu.memory_space<hbm>>) dst(%dma_wait3A_648 : memref<1024x32xf32, #tpu.memory_space<vmem>>)
            tpu.yield
          }) : () -> ()
          "tpu.trace_stop"() : () -> ()
          %ne3A_393 = arith.cmpi ne, %add3A_155, %add3A_173 : i32
          %or3A_394 = arith.constant false
          %or3A_395 = arith.ori %or3A_394, %ne3A_393 : i1
          %or3A_396 = arith.ori %or3A_395, %eq3A_154 : i1
          %convert_element_type3A_397 = arith.extui %or3A_396 : i1 to i32
          %cond3A_398 = arith.constant 0 : i32
          %cond3A_399 = arith.cmpi ne, %convert_element_type3A_397, %cond3A_398 : i32
          scf.if %cond3A_399 {
          } else {
          }
          %and3A_400 = arith.constant false
          %and3A_401 = arith.andi %or3A_396, %and3A_400 : i1
          %jit3A_402 = arith.constant 4 : i32
          %div3A_403 = arith.divsi %add3A_155, %jit3A_402 : i32
          %sign3A_404 = arith.constant 0 : i32
          %sign3A_405 = arith.cmpi sgt, %add3A_155, %sign3A_404 : i32
          %sign3A_406 = arith.extui %sign3A_405 : i1 to i32
          %sign3A_407 = arith.constant 0 : i32
          %sign3A_408 = arith.cmpi slt, %add3A_155, %sign3A_407 : i32
          %sign3A_409 = arith.extui %sign3A_408 : i1 to i32
          %sign3A_410 = arith.subi %sign3A_406, %sign3A_409 : i32
          %sign3A_411 = arith.constant 0 : i32
          %sign3A_412 = arith.cmpi sgt, %jit3A_402, %sign3A_411 : i32
          %sign3A_413 = arith.extui %sign3A_412 : i1 to i32
          %sign3A_414 = arith.constant 0 : i32
          %sign3A_415 = arith.cmpi slt, %jit3A_402, %sign3A_414 : i32
          %sign3A_416 = arith.extui %sign3A_415 : i1 to i32
          %sign3A_417 = arith.subi %sign3A_413, %sign3A_416 : i32
          %ne3A_418 = arith.cmpi ne, %sign3A_410, %sign3A_417 : i32
          %rem3A_419 = arith.remsi %add3A_155, %jit3A_402 : i32
          %ne3A_420 = arith.constant 0 : i32
          %ne3A_421 = arith.cmpi ne, %rem3A_419, %ne3A_420 : i32
          %and3A_422 = arith.andi %ne3A_418, %ne3A_421 : i1
          %sub3A_423 = arith.constant 1 : i32
          %sub3A_424 = arith.subi %div3A_403, %sub3A_423 : i32
          %select_n3A_425 = arith.select %and3A_422, %sub3A_424, %div3A_403 : i32
          %jit3A_426 = arith.constant 4 : i32
          %eq3A_427 = arith.constant 0 : i32
          %eq3A_428 = arith.cmpi eq, %jit3A_426, %eq3A_427 : i32
          %jit3A_429 = arith.constant 1 : i32
          %select_n3A_430 = arith.select %eq3A_428, %jit3A_429, %jit3A_426 : i32
          %rem3A_431 = arith.remsi %add3A_155, %select_n3A_430 : i32
          %ne3A_432 = arith.constant 0 : i32
          %ne3A_433 = arith.cmpi ne, %rem3A_431, %ne3A_432 : i32
          %lt3A_434 = arith.constant 0 : i32
          %lt3A_435 = arith.cmpi slt, %rem3A_431, %lt3A_434 : i32
          %lt3A_436 = arith.constant 0 : i32
          %lt3A_437 = arith.cmpi slt, %select_n3A_430, %lt3A_436 : i32
          %ne3A_438 = arith.xori %lt3A_435, %lt3A_437 : i1
          %and3A_439 = arith.andi %ne3A_438, %ne3A_433 : i1
          %add3A_440 = arith.addi %rem3A_431, %select_n3A_430 : i32
          %select_n3A_441 = arith.select %and3A_439, %add3A_440, %rem3A_431 : i32
          %jit3A_442 = arith.constant 4 : i32
          %div3A_443 = arith.divsi %add3A_173, %jit3A_442 : i32
          %sign3A_444 = arith.constant 0 : i32
          %sign3A_445 = arith.cmpi sgt, %add3A_173, %sign3A_444 : i32
          %sign3A_446 = arith.extui %sign3A_445 : i1 to i32
          %sign3A_447 = arith.constant 0 : i32
          %sign3A_448 = arith.cmpi slt, %add3A_173, %sign3A_447 : i32
          %sign3A_449 = arith.extui %sign3A_448 : i1 to i32
          %sign3A_450 = arith.subi %sign3A_446, %sign3A_449 : i32
          %sign3A_451 = arith.constant 0 : i32
          %sign3A_452 = arith.cmpi sgt, %jit3A_442, %sign3A_451 : i32
          %sign3A_453 = arith.extui %sign3A_452 : i1 to i32
          %sign3A_454 = arith.constant 0 : i32
          %sign3A_455 = arith.cmpi slt, %jit3A_442, %sign3A_454 : i32
          %sign3A_456 = arith.extui %sign3A_455 : i1 to i32
          %sign3A_457 = arith.subi %sign3A_453, %sign3A_456 : i32
          %ne3A_458 = arith.cmpi ne, %sign3A_450, %sign3A_457 : i32
          %rem3A_459 = arith.remsi %add3A_173, %jit3A_442 : i32
          %ne3A_460 = arith.constant 0 : i32
          %ne3A_461 = arith.cmpi ne, %rem3A_459, %ne3A_460 : i32
          %and3A_462 = arith.andi %ne3A_458, %ne3A_461 : i1
          %sub3A_463 = arith.constant 1 : i32
          %sub3A_464 = arith.subi %div3A_443, %sub3A_463 : i32
          %select_n3A_465 = arith.select %and3A_462, %sub3A_464, %div3A_443 : i32
          %jit3A_466 = arith.constant 4 : i32
          %eq3A_467 = arith.constant 0 : i32
          %eq3A_468 = arith.cmpi eq, %jit3A_466, %eq3A_467 : i32
          %jit3A_469 = arith.constant 1 : i32
          %select_n3A_470 = arith.select %eq3A_468, %jit3A_469, %jit3A_466 : i32
          %rem3A_471 = arith.remsi %add3A_173, %select_n3A_470 : i32
          %ne3A_472 = arith.constant 0 : i32
          %ne3A_473 = arith.cmpi ne, %rem3A_471, %ne3A_472 : i32
          %lt3A_474 = arith.constant 0 : i32
          %lt3A_475 = arith.cmpi slt, %rem3A_471, %lt3A_474 : i32
          %lt3A_476 = arith.constant 0 : i32
          %lt3A_477 = arith.cmpi slt, %select_n3A_470, %lt3A_476 : i32
          %ne3A_478 = arith.xori %lt3A_475, %lt3A_477 : i1
          %and3A_479 = arith.andi %ne3A_478, %ne3A_473 : i1
          %add3A_480 = arith.addi %rem3A_471, %select_n3A_470 : i32
          %select_n3A_481 = arith.select %and3A_479, %add3A_480, %rem3A_471 : i32
          %ne3A_482 = arith.cmpi ne, %select_n3A_425, %select_n3A_465 : i32
          %ne3A_483 = arith.cmpi ne, %select_n3A_441, %select_n3A_481 : i32
          %or3A_484 = arith.constant false
          %or3A_485 = arith.ori %or3A_484, %ne3A_482 : i1
          %or3A_486 = arith.ori %or3A_485, %ne3A_483 : i1
          %or3A_487 = arith.constant false
          %or3A_488 = arith.ori %or3A_486, %or3A_487 : i1
          %or3A_489 = arith.ori %or3A_488, %eq3A_154 : i1
          %convert_element_type3A_490 = arith.extui %or3A_489 : i1 to i32
          %cond3A_491 = arith.constant 0 : i32
          %cond3A_492 = arith.cmpi ne, %convert_element_type3A_490, %cond3A_491 : i32
          scf.if %cond3A_492 {
            "tpu.trace_start"() <{level = 10 : i32, message = "ep_copy_out"}> : () -> ()
            %rem3A_621 = arith.constant 2 : i32
            %rem3A_622 = arith.remui %while3A_145, %rem3A_621 : i32
            %jit3A_623 = arith.constant 4 : i32
            %div3A_624 = arith.divsi %add3A_155, %jit3A_623 : i32
            %sign3A_625 = arith.constant 0 : i32
            %sign3A_626 = arith.cmpi sgt, %add3A_155, %sign3A_625 : i32
            %sign3A_627 = arith.extui %sign3A_626 : i1 to i32
            %sign3A_628 = arith.constant 0 : i32
            %sign3A_629 = arith.cmpi slt, %add3A_155, %sign3A_628 : i32
            %sign3A_630 = arith.extui %sign3A_629 : i1 to i32
            %sign3A_631 = arith.subi %sign3A_627, %sign3A_630 : i32
            %sign3A_632 = arith.constant 0 : i32
            %sign3A_633 = arith.cmpi sgt, %jit3A_623, %sign3A_632 : i32
            %sign3A_634 = arith.extui %sign3A_633 : i1 to i32
            %sign3A_635 = arith.constant 0 : i32
            %sign3A_636 = arith.cmpi slt, %jit3A_623, %sign3A_635 : i32
            %sign3A_637 = arith.extui %sign3A_636 : i1 to i32
            %sign3A_638 = arith.subi %sign3A_634, %sign3A_637 : i32
            %ne3A_639 = arith.cmpi ne, %sign3A_631, %sign3A_638 : i32
            %rem3A_640 = arith.remsi %add3A_155, %jit3A_623 : i32
            %ne3A_641 = arith.constant 0 : i32
            %ne3A_642 = arith.cmpi ne, %rem3A_640, %ne3A_641 : i32
            %and3A_643 = arith.andi %ne3A_639, %ne3A_642 : i1
            %sub3A_644 = arith.constant 1 : i32
            %sub3A_645 = arith.subi %div3A_624, %sub3A_644 : i32
            %select_n3A_646 = arith.select %and3A_643, %sub3A_645, %div3A_624 : i32
            %jit3A_647 = arith.constant 4 : i32
            %eq3A_648 = arith.constant 0 : i32
            %eq3A_649 = arith.cmpi eq, %jit3A_647, %eq3A_648 : i32
            %jit3A_650 = arith.constant 1 : i32
            %select_n3A_651 = arith.select %eq3A_649, %jit3A_650, %jit3A_647 : i32
            %rem3A_652 = arith.remsi %add3A_155, %select_n3A_651 : i32
            %ne3A_653 = arith.constant 0 : i32
            %ne3A_654 = arith.cmpi ne, %rem3A_652, %ne3A_653 : i32
            %lt3A_655 = arith.constant 0 : i32
            %lt3A_656 = arith.cmpi slt, %rem3A_652, %lt3A_655 : i32
            %lt3A_657 = arith.constant 0 : i32
            %lt3A_658 = arith.cmpi slt, %select_n3A_651, %lt3A_657 : i32
            %ne3A_659 = arith.xori %lt3A_656, %lt3A_658 : i1
            %and3A_660 = arith.andi %ne3A_659, %ne3A_654 : i1
            %add3A_661 = arith.addi %rem3A_652, %select_n3A_651 : i32
            %select_n3A_662 = arith.select %and3A_660, %add3A_661, %rem3A_652 : i32
            %mul3A_663 = arith.constant 1 : i32
            %mul3A_664 = arith.muli %mul3A_663, %select_n3A_646 : i32
            %mul3A_665 = arith.constant 1024 : i32
            %mul3A_666 = arith.muli %mul3A_665, %select_n3A_662 : i32
            %dma_start3A_667 = arith.constant 0 : i32
            %dma_start3A_668 = arith.constant 0 : i32
            %dma_start3A_669 = arith.constant 0 : i32
            %dma_start3A_670 = tpu.memref_slice %run_scoped3A_18[%rem3A_622, %dma_start3A_667, %dma_start3A_668, %dma_start3A_669] : memref<2x1x1024x32xf32, #tpu.memory_space<vmem>> -> memref<1x1x1024x32xf32, #tpu.memory_space<vmem>>
            %dma_start3A_671 = tpu.memref_squeeze %dma_start3A_670 : memref<1x1x1024x32xf32, #tpu.memory_space<vmem>> -> memref<1x1024x32xf32, #tpu.memory_space<vmem>>
            %dma_start3A_672 = arith.constant 0 : i32
            %dma_start3A_673 = tpu.memref_slice %arg4[%mul3A_664, %mul3A_666, %dma_start3A_672] : memref<100x4096x32xf32, #tpu.memory_space<hbm>> -> memref<1x1024x32xf32, #tpu.memory_space<hbm>>
            %dma_start3A_674 = tpu.memref_slice %run_scoped3A_19[%rem3A_622] : memref<2x!tpu.dma_semaphore, #tpu.memory_space<semaphore_mem>> -> memref<1x!tpu.dma_semaphore, #tpu.memory_space<semaphore_mem>>
            %dma_start3A_675 = tpu.memref_squeeze %dma_start3A_674 : memref<1x!tpu.dma_semaphore, #tpu.memory_space<semaphore_mem>> -> memref<!tpu.dma_semaphore, #tpu.memory_space<semaphore_mem>>
            %dma_start3A_676 = arith.constant 0 : i32
            %dma_start3A_677 = tpu.memref_slice %arg4[%mul3A_664, %mul3A_666, %dma_start3A_676] : memref<100x4096x32xf32, #tpu.memory_space<hbm>> -> memref<1x1024x32xf32, #tpu.memory_space<hbm>>
            %dma_start3A_678 = arith.constant 0 : i32
            %dma_start3A_679 = arith.constant 0 : i32
            %dma_start3A_680 = arith.constant 0 : i32
            %dma_start3A_681 = tpu.memref_slice %run_scoped3A_18[%rem3A_622, %dma_start3A_678, %dma_start3A_679, %dma_start3A_680] : memref<2x1x1024x32xf32, #tpu.memory_space<vmem>> -> memref<1x1x1024x32xf32, #tpu.memory_space<vmem>>
            %dma_start3A_682 = tpu.memref_squeeze %dma_start3A_681 : memref<1x1x1024x32xf32, #tpu.memory_space<vmem>> -> memref<1x1024x32xf32, #tpu.memory_space<vmem>>
            tpu.enqueue_dma source(%dma_start3A_682 : memref<1x1024x32xf32, #tpu.memory_space<vmem>>) target(%dma_start3A_677 : memref<1x1024x32xf32, #tpu.memory_space<hbm>>) target_semaphore(%dma_start3A_675 : memref<!tpu.dma_semaphore, #tpu.memory_space<semaphore_mem>>)
            "tpu.trace_stop"() : () -> ()
          } else {
          }
          %and3A_493 = arith.constant true
          %and3A_494 = arith.andi %or3A_489, %and3A_493 : i1
          %add3A_495 = arith.constant 1 : i32
          %add3A_496 = arith.addi %while3A_145, %add3A_495 : i32
          %select_n3A_497 = arith.select %and3A_494, %add3A_496, %while3A_145 : i32
          %ne3A_498 = arith.cmpi ne, %add3A_155, %add3A_165 : i32
          %or3A_499 = arith.constant false
          %or3A_500 = arith.ori %or3A_499, %ne3A_498 : i1
          %not3A_501 = arith.constant true
          %not3A_502 = arith.xori %eq3A_151, %not3A_501 : i1
          %and3A_503 = arith.andi %or3A_500, %not3A_502 : i1
          %convert_element_type3A_504 = arith.extui %and3A_503 : i1 to i32
          %cond3A_505 = arith.constant 0 : i32
          %cond3A_506 = arith.cmpi ne, %convert_element_type3A_504, %cond3A_505 : i32
          scf.if %cond3A_506 {
          } else {
          }
          %and3A_507 = arith.constant false
          %and3A_508 = arith.andi %and3A_503, %and3A_507 : i1
          %jit3A_509 = arith.constant 4 : i32
          %div3A_510 = arith.divsi %add3A_155, %jit3A_509 : i32
          %sign3A_511 = arith.constant 0 : i32
          %sign3A_512 = arith.cmpi sgt, %add3A_155, %sign3A_511 : i32
          %sign3A_513 = arith.extui %sign3A_512 : i1 to i32
          %sign3A_514 = arith.constant 0 : i32
          %sign3A_515 = arith.cmpi slt, %add3A_155, %sign3A_514 : i32
          %sign3A_516 = arith.extui %sign3A_515 : i1 to i32
          %sign3A_517 = arith.subi %sign3A_513, %sign3A_516 : i32
          %sign3A_518 = arith.constant 0 : i32
          %sign3A_519 = arith.cmpi sgt, %jit3A_509, %sign3A_518 : i32
          %sign3A_520 = arith.extui %sign3A_519 : i1 to i32
          %sign3A_521 = arith.constant 0 : i32
          %sign3A_522 = arith.cmpi slt, %jit3A_509, %sign3A_521 : i32
          %sign3A_523 = arith.extui %sign3A_522 : i1 to i32
          %sign3A_524 = arith.subi %sign3A_520, %sign3A_523 : i32
          %ne3A_525 = arith.cmpi ne, %sign3A_517, %sign3A_524 : i32
          %rem3A_526 = arith.remsi %add3A_155, %jit3A_509 : i32
          %ne3A_527 = arith.constant 0 : i32
          %ne3A_528 = arith.cmpi ne, %rem3A_526, %ne3A_527 : i32
          %and3A_529 = arith.andi %ne3A_525, %ne3A_528 : i1
          %sub3A_530 = arith.constant 1 : i32
          %sub3A_531 = arith.subi %div3A_510, %sub3A_530 : i32
          %select_n3A_532 = arith.select %and3A_529, %sub3A_531, %div3A_510 : i32
          %jit3A_533 = arith.constant 4 : i32
          %eq3A_534 = arith.constant 0 : i32
          %eq3A_535 = arith.cmpi eq, %jit3A_533, %eq3A_534 : i32
          %jit3A_536 = arith.constant 1 : i32
          %select_n3A_537 = arith.select %eq3A_535, %jit3A_536, %jit3A_533 : i32
          %rem3A_538 = arith.remsi %add3A_155, %select_n3A_537 : i32
          %ne3A_539 = arith.constant 0 : i32
          %ne3A_540 = arith.cmpi ne, %rem3A_538, %ne3A_539 : i32
          %lt3A_541 = arith.constant 0 : i32
          %lt3A_542 = arith.cmpi slt, %rem3A_538, %lt3A_541 : i32
          %lt3A_543 = arith.constant 0 : i32
          %lt3A_544 = arith.cmpi slt, %select_n3A_537, %lt3A_543 : i32
          %ne3A_545 = arith.xori %lt3A_542, %lt3A_544 : i1
          %and3A_546 = arith.andi %ne3A_545, %ne3A_540 : i1
          %add3A_547 = arith.addi %rem3A_538, %select_n3A_537 : i32
          %select_n3A_548 = arith.select %and3A_546, %add3A_547, %rem3A_538 : i32
          %jit3A_549 = arith.constant 4 : i32
          %div3A_550 = arith.divsi %add3A_165, %jit3A_549 : i32
          %sign3A_551 = arith.constant 0 : i32
          %sign3A_552 = arith.cmpi sgt, %add3A_165, %sign3A_551 : i32
          %sign3A_553 = arith.extui %sign3A_552 : i1 to i32
          %sign3A_554 = arith.constant 0 : i32
          %sign3A_555 = arith.cmpi slt, %add3A_165, %sign3A_554 : i32
          %sign3A_556 = arith.extui %sign3A_555 : i1 to i32
          %sign3A_557 = arith.subi %sign3A_553, %sign3A_556 : i32
          %sign3A_558 = arith.constant 0 : i32
          %sign3A_559 = arith.cmpi sgt, %jit3A_549, %sign3A_558 : i32
          %sign3A_560 = arith.extui %sign3A_559 : i1 to i32
          %sign3A_561 = arith.constant 0 : i32
          %sign3A_562 = arith.cmpi slt, %jit3A_549, %sign3A_561 : i32
          %sign3A_563 = arith.extui %sign3A_562 : i1 to i32
          %sign3A_564 = arith.subi %sign3A_560, %sign3A_563 : i32
          %ne3A_565 = arith.cmpi ne, %sign3A_557, %sign3A_564 : i32
          %rem3A_566 = arith.remsi %add3A_165, %jit3A_549 : i32
          %ne3A_567 = arith.constant 0 : i32
          %ne3A_568 = arith.cmpi ne, %rem3A_566, %ne3A_567 : i32
          %and3A_569 = arith.andi %ne3A_565, %ne3A_568 : i1
          %sub3A_570 = arith.constant 1 : i32
          %sub3A_571 = arith.subi %div3A_550, %sub3A_570 : i32
          %select_n3A_572 = arith.select %and3A_569, %sub3A_571, %div3A_550 : i32
          %jit3A_573 = arith.constant 4 : i32
          %eq3A_574 = arith.constant 0 : i32
          %eq3A_575 = arith.cmpi eq, %jit3A_573, %eq3A_574 : i32
          %jit3A_576 = arith.constant 1 : i32
          %select_n3A_577 = arith.select %eq3A_575, %jit3A_576, %jit3A_573 : i32
          %rem3A_578 = arith.remsi %add3A_165, %select_n3A_577 : i32
          %ne3A_579 = arith.constant 0 : i32
          %ne3A_580 = arith.cmpi ne, %rem3A_578, %ne3A_579 : i32
          %lt3A_581 = arith.constant 0 : i32
          %lt3A_582 = arith.cmpi slt, %rem3A_578, %lt3A_581 : i32
          %lt3A_583 = arith.constant 0 : i32
          %lt3A_584 = arith.cmpi slt, %select_n3A_577, %lt3A_583 : i32
          %ne3A_585 = arith.xori %lt3A_582, %lt3A_584 : i1
          %and3A_586 = arith.andi %ne3A_585, %ne3A_580 : i1
          %add3A_587 = arith.addi %rem3A_578, %select_n3A_577 : i32
          %select_n3A_588 = arith.select %and3A_586, %add3A_587, %rem3A_578 : i32
          %ne3A_589 = arith.cmpi ne, %select_n3A_532, %select_n3A_572 : i32
          %ne3A_590 = arith.cmpi ne, %select_n3A_548, %select_n3A_588 : i32
          %or3A_591 = arith.constant false
          %or3A_592 = arith.ori %or3A_591, %ne3A_589 : i1
          %or3A_593 = arith.ori %or3A_592, %ne3A_590 : i1
          %or3A_594 = arith.constant false
          %or3A_595 = arith.ori %or3A_593, %or3A_594 : i1
          %not3A_596 = arith.constant true
          %not3A_597 = arith.xori %eq3A_151, %not3A_596 : i1
          %and3A_598 = arith.andi %or3A_595, %not3A_597 : i1
          %convert_element_type3A_599 = arith.extui %and3A_598 : i1 to i32
          %cond3A_600 = arith.constant 0 : i32
          %cond3A_601 = arith.cmpi ne, %convert_element_type3A_599, %cond3A_600 : i32
          scf.if %cond3A_601 {
            "tpu.trace_start"() <{level = 10 : i32, message = "ep_wait_out"}> : () -> ()
            %rem3A_621 = arith.constant 2 : i32
            %rem3A_622 = arith.remui %while3A_146, %rem3A_621 : i32
            %jit3A_623 = arith.constant 4 : i32
            %div3A_624 = arith.divsi %add3A_165, %jit3A_623 : i32
            %sign3A_625 = arith.constant 0 : i32
            %sign3A_626 = arith.cmpi sgt, %add3A_165, %sign3A_625 : i32
            %sign3A_627 = arith.extui %sign3A_626 : i1 to i32
            %sign3A_628 = arith.constant 0 : i32
            %sign3A_629 = arith.cmpi slt, %add3A_165, %sign3A_628 : i32
            %sign3A_630 = arith.extui %sign3A_629 : i1 to i32
            %sign3A_631 = arith.subi %sign3A_627, %sign3A_630 : i32
            %sign3A_632 = arith.constant 0 : i32
            %sign3A_633 = arith.cmpi sgt, %jit3A_623, %sign3A_632 : i32
            %sign3A_634 = arith.extui %sign3A_633 : i1 to i32
            %sign3A_635 = arith.constant 0 : i32
            %sign3A_636 = arith.cmpi slt, %jit3A_623, %sign3A_635 : i32
            %sign3A_637 = arith.extui %sign3A_636 : i1 to i32
            %sign3A_638 = arith.subi %sign3A_634, %sign3A_637 : i32
            %ne3A_639 = arith.cmpi ne, %sign3A_631, %sign3A_638 : i32
            %rem3A_640 = arith.remsi %add3A_165, %jit3A_623 : i32
            %ne3A_641 = arith.constant 0 : i32
            %ne3A_642 = arith.cmpi ne, %rem3A_640, %ne3A_641 : i32
            %and3A_643 = arith.andi %ne3A_639, %ne3A_642 : i1
            %sub3A_644 = arith.constant 1 : i32
            %sub3A_645 = arith.subi %div3A_624, %sub3A_644 : i32
            %select_n3A_646 = arith.select %and3A_643, %sub3A_645, %div3A_624 : i32
            %jit3A_647 = arith.constant 4 : i32
            %eq3A_648 = arith.constant 0 : i32
            %eq3A_649 = arith.cmpi eq, %jit3A_647, %eq3A_648 : i32
            %jit3A_650 = arith.constant 1 : i32
            %select_n3A_651 = arith.select %eq3A_649, %jit3A_650, %jit3A_647 : i32
            %rem3A_652 = arith.remsi %add3A_165, %select_n3A_651 : i32
            %ne3A_653 = arith.constant 0 : i32
            %ne3A_654 = arith.cmpi ne, %rem3A_652, %ne3A_653 : i32
            %lt3A_655 = arith.constant 0 : i32
            %lt3A_656 = arith.cmpi slt, %rem3A_652, %lt3A_655 : i32
            %lt3A_657 = arith.constant 0 : i32
            %lt3A_658 = arith.cmpi slt, %select_n3A_651, %lt3A_657 : i32
            %ne3A_659 = arith.xori %lt3A_656, %lt3A_658 : i1
            %and3A_660 = arith.andi %ne3A_659, %ne3A_654 : i1
            %add3A_661 = arith.addi %rem3A_652, %select_n3A_651 : i32
            %select_n3A_662 = arith.select %and3A_660, %add3A_661, %rem3A_652 : i32
            %mul3A_663 = arith.constant 1 : i32
            %mul3A_664 = arith.muli %mul3A_663, %select_n3A_646 : i32
            %mul3A_665 = arith.constant 1024 : i32
            %mul3A_666 = arith.muli %mul3A_665, %select_n3A_662 : i32
            %dma_wait3A = arith.constant 0 : i32
            %dma_wait3A_667 = arith.constant 0 : i32
            %dma_wait3A_668 = arith.constant 0 : i32
            %dma_wait3A_669 = tpu.memref_slice %run_scoped3A_18[%rem3A_622, %dma_wait3A, %dma_wait3A_667, %dma_wait3A_668] : memref<2x1x1024x32xf32, #tpu.memory_space<vmem>> -> memref<1x1x1024x32xf32, #tpu.memory_space<vmem>>
            %dma_wait3A_670 = tpu.memref_squeeze %dma_wait3A_669 : memref<1x1x1024x32xf32, #tpu.memory_space<vmem>> -> memref<1x1024x32xf32, #tpu.memory_space<vmem>>
            %dma_wait3A_671 = arith.constant 0 : i32
            %dma_wait3A_672 = tpu.memref_slice %arg4[%mul3A_664, %mul3A_666, %dma_wait3A_671] : memref<100x4096x32xf32, #tpu.memory_space<hbm>> -> memref<1x1024x32xf32, #tpu.memory_space<hbm>>
            %dma_wait3A_673 = tpu.memref_slice %run_scoped3A_19[%rem3A_622] : memref<2x!tpu.dma_semaphore, #tpu.memory_space<semaphore_mem>> -> memref<1x!tpu.dma_semaphore, #tpu.memory_space<semaphore_mem>>
            %dma_wait3A_674 = tpu.memref_squeeze %dma_wait3A_673 : memref<1x!tpu.dma_semaphore, #tpu.memory_space<semaphore_mem>> -> memref<!tpu.dma_semaphore, #tpu.memory_space<semaphore_mem>>
            %dma_wait3A_675 = arith.constant 0 : i32
            %dma_wait3A_676 = tpu.memref_slice %arg4[%mul3A_664, %mul3A_666, %dma_wait3A_675] : memref<100x4096x32xf32, #tpu.memory_space<hbm>> -> memref<1x1024x32xf32, #tpu.memory_space<hbm>>
            %dma_wait3A_677 = arith.constant 0 : i32
            %dma_wait3A_678 = arith.constant 0 : i32
            %dma_wait3A_679 = arith.constant 0 : i32
            %dma_wait3A_680 = tpu.memref_slice %run_scoped3A_18[%rem3A_622, %dma_wait3A_677, %dma_wait3A_678, %dma_wait3A_679] : memref<2x1x1024x32xf32, #tpu.memory_space<vmem>> -> memref<1x1x1024x32xf32, #tpu.memory_space<vmem>>
            %dma_wait3A_681 = tpu.memref_squeeze %dma_wait3A_680 : memref<1x1x1024x32xf32, #tpu.memory_space<vmem>> -> memref<1x1024x32xf32, #tpu.memory_space<vmem>>
            tpu.wait_dma2 semaphore(%dma_wait3A_674 : memref<!tpu.dma_semaphore, #tpu.memory_space<semaphore_mem>>) src(%dma_wait3A_681 : memref<1x1024x32xf32, #tpu.memory_space<vmem>>) dst(%dma_wait3A_676 : memref<1x1024x32xf32, #tpu.memory_space<hbm>>)
            "tpu.trace_stop"() : () -> ()
          } else {
          }
          %and3A_602 = arith.constant true
          %and3A_603 = arith.andi %and3A_598, %and3A_602 : i1
          %add3A_604 = arith.constant 1 : i32
          %add3A_605 = arith.addi %while3A_146, %add3A_604 : i32
          %select_n3A_606 = arith.select %and3A_603, %add3A_605, %while3A_146 : i32
          %ne3A_607 = arith.cmpi ne, %add3A_155, %add3A_173 : i32
          %or3A_608 = arith.constant false
          %or3A_609 = arith.ori %or3A_608, %ne3A_607 : i1
          %or3A_610 = arith.ori %or3A_609, %eq3A_154 : i1
          %add3A_611 = arith.constant 1 : i32
          %add3A_612 = arith.addi %while3A_144, %add3A_611 : i32
          %select_n3A_613 = arith.select %or3A_610, %add3A_612, %while3A_144 : i32
          %add3A_614 = arith.constant 1 : i32
          %add3A_615 = arith.addi %while3A_147, %add3A_614 : i32
          %select_n3A_616 = arith.constant true
          %select_n3A_617 = arith.select %select_n3A_616, %add3A_615, %while3A_147 : i32
          %eq3A_618 = arith.cmpi eq, %select_n3A_617, %select_n3A : i32
          %select_n3A_619 = arith.constant 0 : i32
          %select_n3A_620 = arith.select %eq3A_618, %select_n3A_619, %select_n3A_617 : i32
          scf.yield %select_n3A_195, %select_n3A_613, %select_n3A_497, %select_n3A_606, %select_n3A_620 : i32, i32, i32, i32, i32
        }
        %while3A_89 = arith.constant 1 : i32
        %while3A_90:5 = scf.for %while3A_142 = %while3A_86 to %while3A_82 step %while3A_89 iter_args(%while3A_143 = %while3A_88#0, %while3A_144 = %while3A_88#1, %while3A_145 = %while3A_88#2, %while3A_146 = %while3A_88#3, %while3A_147 = %while3A_88#4) -> (i32, i32, i32, i32, i32)  : i32 {
          %mul3A_148 = arith.constant 1 : i32
          %mul3A_149 = arith.muli %mul3A_148, %select_n3A : i32
          %eq3A_150 = arith.constant 0 : i32
          %eq3A_151 = arith.cmpi eq, %while3A_142, %eq3A_150 : i32
          %sub3A_152 = arith.constant 1 : i32
          %sub3A_153 = arith.subi %mul3A_149, %sub3A_152 : i32
          %eq3A_154 = arith.cmpi eq, %while3A_142, %sub3A_153 : i32
          %add3A_155 = arith.addi %while3A_147, %select_n3A_14 : i32
          %sub3A_156 = arith.constant 1 : i32
          %sub3A_157 = arith.subi %while3A_147, %sub3A_156 : i32
          %select_n3A_158 = arith.constant true
          %select_n3A_159 = arith.select %select_n3A_158, %sub3A_157, %while3A_147 : i32
          %eq3A_160 = arith.constant -1 : i32
          %eq3A_161 = arith.cmpi eq, %select_n3A_159, %eq3A_160 : i32
          %sub3A_162 = arith.constant 1 : i32
          %sub3A_163 = arith.subi %select_n3A, %sub3A_162 : i32
          %select_n3A_164 = arith.select %eq3A_161, %sub3A_163, %select_n3A_159 : i32
          %add3A_165 = arith.addi %select_n3A_164, %select_n3A_14 : i32
          %add3A_166 = arith.constant 1 : i32
          %add3A_167 = arith.addi %while3A_147, %add3A_166 : i32
          %select_n3A_168 = arith.constant true
          %select_n3A_169 = arith.select %select_n3A_168, %add3A_167, %while3A_147 : i32
          %eq3A_170 = arith.cmpi eq, %select_n3A_169, %select_n3A : i32
          %select_n3A_171 = arith.constant 0 : i32
          %select_n3A_172 = arith.select %eq3A_170, %select_n3A_171, %select_n3A_169 : i32
          %add3A_173 = arith.addi %select_n3A_172, %select_n3A_14 : i32
          %add3A_174 = arith.constant 1 : i32
          %add3A_175 = arith.addi %select_n3A_172, %add3A_174 : i32
          %select_n3A_176 = arith.constant true
          %select_n3A_177 = arith.select %select_n3A_176, %add3A_175, %select_n3A_172 : i32
          %eq3A_178 = arith.cmpi eq, %select_n3A_177, %select_n3A : i32
          %select_n3A_179 = arith.constant 0 : i32
          %select_n3A_180 = arith.select %eq3A_178, %select_n3A_179, %select_n3A_177 : i32
          %add3A_181 = arith.addi %select_n3A_180, %select_n3A_14 : i32
          %ne3A = arith.cmpi ne, %add3A_155, %add3A_173 : i32
          %or3A = arith.constant false
          %or3A_182 = arith.ori %or3A, %ne3A : i1
          %sub3A_183 = arith.constant 2 : i32
          %sub3A_184 = arith.subi %mul3A_149, %sub3A_183 : i32
          %add3A_185 = arith.constant 1 : i32
          %add3A_186 = arith.addi %sub3A_184, %add3A_185 : i32
          %ge3A = arith.cmpi sge, %while3A_142, %add3A_186 : i32
          %not3A = arith.constant true
          %not3A_187 = arith.xori %ge3A, %not3A : i1
          %and3A = arith.andi %or3A_182, %not3A_187 : i1
          %convert_element_type3A_188 = arith.extui %and3A : i1 to i32
          %cond3A_189 = arith.constant 0 : i32
          %cond3A_190 = arith.cmpi ne, %convert_element_type3A_188, %cond3A_189 : i32
          scf.if %cond3A_190 {
            "tpu.trace_start"() <{level = 10 : i32, message = "ep_copy_in"}> : () -> ()
            %rem3A_621 = arith.constant 2 : i32
            %rem3A_622 = arith.remui %while3A_143, %rem3A_621 : i32
            %mul3A_623 = arith.constant 1024 : i32
            %mul3A_624 = arith.muli %mul3A_623, %add3A_173 : i32
            %dma_start3A_625 = arith.constant 0 : i32
            %dma_start3A_626 = arith.constant 0 : i32
            %dma_start3A_627 = tpu.memref_slice %run_scoped3A[%rem3A_622, %dma_start3A_625, %dma_start3A_626] : memref<2x1x1024xi32, #tpu.memory_space<vmem>> -> memref<1x1x1024xi32, #tpu.memory_space<vmem>>
            %dma_start3A_628 = tpu.memref_squeeze %dma_start3A_627 : memref<1x1x1024xi32, #tpu.memory_space<vmem>> -> memref<1x1024xi32, #tpu.memory_space<vmem>>
            %dma_start3A_629 = arith.constant 0 : i32
            %dma_start3A_630 = tpu.memref_slice %arg3[%dma_start3A_629, %mul3A_624] : memref<1x409600xi32, #tpu.memory_space<hbm>> -> memref<1x1024xi32, #tpu.memory_space<hbm>>
            %dma_start3A_631 = tpu.memref_slice %run_scoped3A_17[%rem3A_622] : memref<2x!tpu.dma_semaphore, #tpu.memory_space<semaphore_mem>> -> memref<1x!tpu.dma_semaphore, #tpu.memory_space<semaphore_mem>>
            %dma_start3A_632 = tpu.memref_squeeze %dma_start3A_631 : memref<1x!tpu.dma_semaphore, #tpu.memory_space<semaphore_mem>> -> memref<!tpu.dma_semaphore, #tpu.memory_space<semaphore_mem>>
            %dma_start3A_633 = arith.constant 0 : i32
            %dma_start3A_634 = arith.constant 0 : i32
            %dma_start3A_635 = tpu.memref_slice %run_scoped3A[%rem3A_622, %dma_start3A_633, %dma_start3A_634] : memref<2x1x1024xi32, #tpu.memory_space<vmem>> -> memref<1x1x1024xi32, #tpu.memory_space<vmem>>
            %dma_start3A_636 = tpu.memref_squeeze %dma_start3A_635 : memref<1x1x1024xi32, #tpu.memory_space<vmem>> -> memref<1x1024xi32, #tpu.memory_space<vmem>>
            %dma_start3A_637 = arith.constant 0 : i32
            %dma_start3A_638 = tpu.memref_slice %arg3[%dma_start3A_637, %mul3A_624] : memref<1x409600xi32, #tpu.memory_space<hbm>> -> memref<1x1024xi32, #tpu.memory_space<hbm>>
            tpu.enqueue_dma source(%dma_start3A_638 : memref<1x1024xi32, #tpu.memory_space<hbm>>) target(%dma_start3A_636 : memref<1x1024xi32, #tpu.memory_space<vmem>>) target_semaphore(%dma_start3A_632 : memref<!tpu.dma_semaphore, #tpu.memory_space<semaphore_mem>>)
            "tpu.trace_stop"() : () -> ()
          } else {
          }
          %and3A_191 = arith.constant true
          %and3A_192 = arith.andi %and3A, %and3A_191 : i1
          %add3A_193 = arith.constant 1 : i32
          %add3A_194 = arith.addi %while3A_143, %add3A_193 : i32
          %select_n3A_195 = arith.select %and3A_192, %add3A_194, %while3A_143 : i32
          %jit3A_196 = arith.constant 4 : i32
          %div3A = arith.divsi %add3A_155, %jit3A_196 : i32
          %sign3A = arith.constant 0 : i32
          %sign3A_197 = arith.cmpi sgt, %add3A_155, %sign3A : i32
          %sign3A_198 = arith.extui %sign3A_197 : i1 to i32
          %sign3A_199 = arith.constant 0 : i32
          %sign3A_200 = arith.cmpi slt, %add3A_155, %sign3A_199 : i32
          %sign3A_201 = arith.extui %sign3A_200 : i1 to i32
          %sign3A_202 = arith.subi %sign3A_198, %sign3A_201 : i32
          %sign3A_203 = arith.constant 0 : i32
          %sign3A_204 = arith.cmpi sgt, %jit3A_196, %sign3A_203 : i32
          %sign3A_205 = arith.extui %sign3A_204 : i1 to i32
          %sign3A_206 = arith.constant 0 : i32
          %sign3A_207 = arith.cmpi slt, %jit3A_196, %sign3A_206 : i32
          %sign3A_208 = arith.extui %sign3A_207 : i1 to i32
          %sign3A_209 = arith.subi %sign3A_205, %sign3A_208 : i32
          %ne3A_210 = arith.cmpi ne, %sign3A_202, %sign3A_209 : i32
          %rem3A_211 = arith.remsi %add3A_155, %jit3A_196 : i32
          %ne3A_212 = arith.constant 0 : i32
          %ne3A_213 = arith.cmpi ne, %rem3A_211, %ne3A_212 : i32
          %and3A_214 = arith.andi %ne3A_210, %ne3A_213 : i1
          %sub3A_215 = arith.constant 1 : i32
          %sub3A_216 = arith.subi %div3A, %sub3A_215 : i32
          %select_n3A_217 = arith.select %and3A_214, %sub3A_216, %div3A : i32
          %jit3A_218 = arith.constant 4 : i32
          %eq3A_219 = arith.constant 0 : i32
          %eq3A_220 = arith.cmpi eq, %jit3A_218, %eq3A_219 : i32
          %jit3A_221 = arith.constant 1 : i32
          %select_n3A_222 = arith.select %eq3A_220, %jit3A_221, %jit3A_218 : i32
          %rem3A_223 = arith.remsi %add3A_155, %select_n3A_222 : i32
          %ne3A_224 = arith.constant 0 : i32
          %ne3A_225 = arith.cmpi ne, %rem3A_223, %ne3A_224 : i32
          %lt3A_226 = arith.constant 0 : i32
          %lt3A_227 = arith.cmpi slt, %rem3A_223, %lt3A_226 : i32
          %lt3A_228 = arith.constant 0 : i32
          %lt3A_229 = arith.cmpi slt, %select_n3A_222, %lt3A_228 : i32
          %ne3A_230 = arith.xori %lt3A_227, %lt3A_229 : i1
          %and3A_231 = arith.andi %ne3A_230, %ne3A_225 : i1
          %add3A_232 = arith.addi %rem3A_223, %select_n3A_222 : i32
          %select_n3A_233 = arith.select %and3A_231, %add3A_232, %rem3A_223 : i32
          %jit3A_234 = arith.constant 4 : i32
          %div3A_235 = arith.divsi %add3A_173, %jit3A_234 : i32
          %sign3A_236 = arith.constant 0 : i32
          %sign3A_237 = arith.cmpi sgt, %add3A_173, %sign3A_236 : i32
          %sign3A_238 = arith.extui %sign3A_237 : i1 to i32
          %sign3A_239 = arith.constant 0 : i32
          %sign3A_240 = arith.cmpi slt, %add3A_173, %sign3A_239 : i32
          %sign3A_241 = arith.extui %sign3A_240 : i1 to i32
          %sign3A_242 = arith.subi %sign3A_238, %sign3A_241 : i32
          %sign3A_243 = arith.constant 0 : i32
          %sign3A_244 = arith.cmpi sgt, %jit3A_234, %sign3A_243 : i32
          %sign3A_245 = arith.extui %sign3A_244 : i1 to i32
          %sign3A_246 = arith.constant 0 : i32
          %sign3A_247 = arith.cmpi slt, %jit3A_234, %sign3A_246 : i32
          %sign3A_248 = arith.extui %sign3A_247 : i1 to i32
          %sign3A_249 = arith.subi %sign3A_245, %sign3A_248 : i32
          %ne3A_250 = arith.cmpi ne, %sign3A_242, %sign3A_249 : i32
          %rem3A_251 = arith.remsi %add3A_173, %jit3A_234 : i32
          %ne3A_252 = arith.constant 0 : i32
          %ne3A_253 = arith.cmpi ne, %rem3A_251, %ne3A_252 : i32
          %and3A_254 = arith.andi %ne3A_250, %ne3A_253 : i1
          %sub3A_255 = arith.constant 1 : i32
          %sub3A_256 = arith.subi %div3A_235, %sub3A_255 : i32
          %select_n3A_257 = arith.select %and3A_254, %sub3A_256, %div3A_235 : i32
          %jit3A_258 = arith.constant 4 : i32
          %eq3A_259 = arith.constant 0 : i32
          %eq3A_260 = arith.cmpi eq, %jit3A_258, %eq3A_259 : i32
          %jit3A_261 = arith.constant 1 : i32
          %select_n3A_262 = arith.select %eq3A_260, %jit3A_261, %jit3A_258 : i32
          %rem3A_263 = arith.remsi %add3A_173, %select_n3A_262 : i32
          %ne3A_264 = arith.constant 0 : i32
          %ne3A_265 = arith.cmpi ne, %rem3A_263, %ne3A_264 : i32
          %lt3A_266 = arith.constant 0 : i32
          %lt3A_267 = arith.cmpi slt, %rem3A_263, %lt3A_266 : i32
          %lt3A_268 = arith.constant 0 : i32
          %lt3A_269 = arith.cmpi slt, %select_n3A_262, %lt3A_268 : i32
          %ne3A_270 = arith.xori %lt3A_267, %lt3A_269 : i1
          %and3A_271 = arith.andi %ne3A_270, %ne3A_265 : i1
          %add3A_272 = arith.addi %rem3A_263, %select_n3A_262 : i32
          %select_n3A_273 = arith.select %and3A_271, %add3A_272, %rem3A_263 : i32
          %ne3A_274 = arith.cmpi ne, %select_n3A_217, %select_n3A_257 : i32
          %ne3A_275 = arith.cmpi ne, %select_n3A_233, %select_n3A_273 : i32
          %or3A_276 = arith.constant false
          %or3A_277 = arith.ori %or3A_276, %ne3A_274 : i1
          %or3A_278 = arith.ori %or3A_277, %ne3A_275 : i1
          %or3A_279 = arith.constant false
          %or3A_280 = arith.ori %or3A_278, %or3A_279 : i1
          %sub3A_281 = arith.constant 2 : i32
          %sub3A_282 = arith.subi %mul3A_149, %sub3A_281 : i32
          %add3A_283 = arith.constant 1 : i32
          %add3A_284 = arith.addi %sub3A_282, %add3A_283 : i32
          %ge3A_285 = arith.cmpi sge, %while3A_142, %add3A_284 : i32
          %not3A_286 = arith.constant true
          %not3A_287 = arith.xori %ge3A_285, %not3A_286 : i1
          %and3A_288 = arith.andi %or3A_280, %not3A_287 : i1
          %ne3A_289 = arith.cmpi ne, %add3A_155, %add3A_165 : i32
          %or3A_290 = arith.constant false
          %or3A_291 = arith.ori %or3A_290, %ne3A_289 : i1
          %or3A_292 = arith.ori %or3A_291, %eq3A_151 : i1
          %convert_element_type3A_293 = arith.extui %or3A_292 : i1 to i32
          %cond3A_294 = arith.constant 0 : i32
          %cond3A_295 = arith.cmpi ne, %convert_element_type3A_293, %cond3A_294 : i32
          scf.if %cond3A_295 {
            "tpu.trace_start"() <{level = 10 : i32, message = "ep_wait_in"}> : () -> ()
            %mul3A_621 = arith.constant 1024 : i32
            %mul3A_622 = arith.muli %mul3A_621, %add3A_155 : i32
            %rem3A_623 = arith.constant 2 : i32
            %rem3A_624 = arith.remui %while3A_144, %rem3A_623 : i32
            %dma_wait3A = arith.constant 0 : i32
            %dma_wait3A_625 = arith.constant 0 : i32
            %dma_wait3A_626 = tpu.memref_slice %run_scoped3A[%rem3A_624, %dma_wait3A, %dma_wait3A_625] : memref<2x1x1024xi32, #tpu.memory_space<vmem>> -> memref<1x1x1024xi32, #tpu.memory_space<vmem>>
            %dma_wait3A_627 = tpu.memref_squeeze %dma_wait3A_626 : memref<1x1x1024xi32, #tpu.memory_space<vmem>> -> memref<1x1024xi32, #tpu.memory_space<vmem>>
            %dma_wait3A_628 = arith.constant 0 : i32
            %dma_wait3A_629 = tpu.memref_slice %arg3[%dma_wait3A_628, %mul3A_622] : memref<1x409600xi32, #tpu.memory_space<hbm>> -> memref<1x1024xi32, #tpu.memory_space<hbm>>
            %dma_wait3A_630 = tpu.memref_slice %run_scoped3A_17[%rem3A_624] : memref<2x!tpu.dma_semaphore, #tpu.memory_space<semaphore_mem>> -> memref<1x!tpu.dma_semaphore, #tpu.memory_space<semaphore_mem>>
            %dma_wait3A_631 = tpu.memref_squeeze %dma_wait3A_630 : memref<1x!tpu.dma_semaphore, #tpu.memory_space<semaphore_mem>> -> memref<!tpu.dma_semaphore, #tpu.memory_space<semaphore_mem>>
            %dma_wait3A_632 = arith.constant 0 : i32
            %dma_wait3A_633 = arith.constant 0 : i32
            %dma_wait3A_634 = tpu.memref_slice %run_scoped3A[%rem3A_624, %dma_wait3A_632, %dma_wait3A_633] : memref<2x1x1024xi32, #tpu.memory_space<vmem>> -> memref<1x1x1024xi32, #tpu.memory_space<vmem>>
            %dma_wait3A_635 = tpu.memref_squeeze %dma_wait3A_634 : memref<1x1x1024xi32, #tpu.memory_space<vmem>> -> memref<1x1024xi32, #tpu.memory_space<vmem>>
            %dma_wait3A_636 = arith.constant 0 : i32
            %dma_wait3A_637 = tpu.memref_slice %arg3[%dma_wait3A_636, %mul3A_622] : memref<1x409600xi32, #tpu.memory_space<hbm>> -> memref<1x1024xi32, #tpu.memory_space<hbm>>
            tpu.wait_dma2 semaphore(%dma_wait3A_631 : memref<!tpu.dma_semaphore, #tpu.memory_space<semaphore_mem>>) src(%dma_wait3A_637 : memref<1x1024xi32, #tpu.memory_space<hbm>>) dst(%dma_wait3A_635 : memref<1x1024xi32, #tpu.memory_space<vmem>>)
            "tpu.trace_stop"() : () -> ()
          } else {
          }
          %jit3A_296 = arith.constant 4 : i32
          %div3A_297 = arith.divsi %add3A_155, %jit3A_296 : i32
          %sign3A_298 = arith.constant 0 : i32
          %sign3A_299 = arith.cmpi sgt, %add3A_155, %sign3A_298 : i32
          %sign3A_300 = arith.extui %sign3A_299 : i1 to i32
          %sign3A_301 = arith.constant 0 : i32
          %sign3A_302 = arith.cmpi slt, %add3A_155, %sign3A_301 : i32
          %sign3A_303 = arith.extui %sign3A_302 : i1 to i32
          %sign3A_304 = arith.subi %sign3A_300, %sign3A_303 : i32
          %sign3A_305 = arith.constant 0 : i32
          %sign3A_306 = arith.cmpi sgt, %jit3A_296, %sign3A_305 : i32
          %sign3A_307 = arith.extui %sign3A_306 : i1 to i32
          %sign3A_308 = arith.constant 0 : i32
          %sign3A_309 = arith.cmpi slt, %jit3A_296, %sign3A_308 : i32
          %sign3A_310 = arith.extui %sign3A_309 : i1 to i32
          %sign3A_311 = arith.subi %sign3A_307, %sign3A_310 : i32
          %ne3A_312 = arith.cmpi ne, %sign3A_304, %sign3A_311 : i32
          %rem3A_313 = arith.remsi %add3A_155, %jit3A_296 : i32
          %ne3A_314 = arith.constant 0 : i32
          %ne3A_315 = arith.cmpi ne, %rem3A_313, %ne3A_314 : i32
          %and3A_316 = arith.andi %ne3A_312, %ne3A_315 : i1
          %sub3A_317 = arith.constant 1 : i32
          %sub3A_318 = arith.subi %div3A_297, %sub3A_317 : i32
          %select_n3A_319 = arith.select %and3A_316, %sub3A_318, %div3A_297 : i32
          %jit3A_320 = arith.constant 4 : i32
          %eq3A_321 = arith.constant 0 : i32
          %eq3A_322 = arith.cmpi eq, %jit3A_320, %eq3A_321 : i32
          %jit3A_323 = arith.constant 1 : i32
          %select_n3A_324 = arith.select %eq3A_322, %jit3A_323, %jit3A_320 : i32
          %rem3A_325 = arith.remsi %add3A_155, %select_n3A_324 : i32
          %ne3A_326 = arith.constant 0 : i32
          %ne3A_327 = arith.cmpi ne, %rem3A_325, %ne3A_326 : i32
          %lt3A_328 = arith.constant 0 : i32
          %lt3A_329 = arith.cmpi slt, %rem3A_325, %lt3A_328 : i32
          %lt3A_330 = arith.constant 0 : i32
          %lt3A_331 = arith.cmpi slt, %select_n3A_324, %lt3A_330 : i32
          %ne3A_332 = arith.xori %lt3A_329, %lt3A_331 : i1
          %and3A_333 = arith.andi %ne3A_332, %ne3A_327 : i1
          %add3A_334 = arith.addi %rem3A_325, %select_n3A_324 : i32
          %select_n3A_335 = arith.select %and3A_333, %add3A_334, %rem3A_325 : i32
          %jit3A_336 = arith.constant 4 : i32
          %div3A_337 = arith.divsi %add3A_165, %jit3A_336 : i32
          %sign3A_338 = arith.constant 0 : i32
          %sign3A_339 = arith.cmpi sgt, %add3A_165, %sign3A_338 : i32
          %sign3A_340 = arith.extui %sign3A_339 : i1 to i32
          %sign3A_341 = arith.constant 0 : i32
          %sign3A_342 = arith.cmpi slt, %add3A_165, %sign3A_341 : i32
          %sign3A_343 = arith.extui %sign3A_342 : i1 to i32
          %sign3A_344 = arith.subi %sign3A_340, %sign3A_343 : i32
          %sign3A_345 = arith.constant 0 : i32
          %sign3A_346 = arith.cmpi sgt, %jit3A_336, %sign3A_345 : i32
          %sign3A_347 = arith.extui %sign3A_346 : i1 to i32
          %sign3A_348 = arith.constant 0 : i32
          %sign3A_349 = arith.cmpi slt, %jit3A_336, %sign3A_348 : i32
          %sign3A_350 = arith.extui %sign3A_349 : i1 to i32
          %sign3A_351 = arith.subi %sign3A_347, %sign3A_350 : i32
          %ne3A_352 = arith.cmpi ne, %sign3A_344, %sign3A_351 : i32
          %rem3A_353 = arith.remsi %add3A_165, %jit3A_336 : i32
          %ne3A_354 = arith.constant 0 : i32
          %ne3A_355 = arith.cmpi ne, %rem3A_353, %ne3A_354 : i32
          %and3A_356 = arith.andi %ne3A_352, %ne3A_355 : i1
          %sub3A_357 = arith.constant 1 : i32
          %sub3A_358 = arith.subi %div3A_337, %sub3A_357 : i32
          %select_n3A_359 = arith.select %and3A_356, %sub3A_358, %div3A_337 : i32
          %jit3A_360 = arith.constant 4 : i32
          %eq3A_361 = arith.constant 0 : i32
          %eq3A_362 = arith.cmpi eq, %jit3A_360, %eq3A_361 : i32
          %jit3A_363 = arith.constant 1 : i32
          %select_n3A_364 = arith.select %eq3A_362, %jit3A_363, %jit3A_360 : i32
          %rem3A_365 = arith.remsi %add3A_165, %select_n3A_364 : i32
          %ne3A_366 = arith.constant 0 : i32
          %ne3A_367 = arith.cmpi ne, %rem3A_365, %ne3A_366 : i32
          %lt3A_368 = arith.constant 0 : i32
          %lt3A_369 = arith.cmpi slt, %rem3A_365, %lt3A_368 : i32
          %lt3A_370 = arith.constant 0 : i32
          %lt3A_371 = arith.cmpi slt, %select_n3A_364, %lt3A_370 : i32
          %ne3A_372 = arith.xori %lt3A_369, %lt3A_371 : i1
          %and3A_373 = arith.andi %ne3A_372, %ne3A_367 : i1
          %add3A_374 = arith.addi %rem3A_365, %select_n3A_364 : i32
          %select_n3A_375 = arith.select %and3A_373, %add3A_374, %rem3A_365 : i32
          %ne3A_376 = arith.cmpi ne, %select_n3A_319, %select_n3A_359 : i32
          %ne3A_377 = arith.cmpi ne, %select_n3A_335, %select_n3A_375 : i32
          %or3A_378 = arith.constant false
          %or3A_379 = arith.ori %or3A_378, %ne3A_376 : i1
          %or3A_380 = arith.ori %or3A_379, %ne3A_377 : i1
          %or3A_381 = arith.constant false
          %or3A_382 = arith.ori %or3A_380, %or3A_381 : i1
          %or3A_383 = arith.ori %or3A_382, %eq3A_151 : i1
          %convert_element_type3A_384 = arith.extui %or3A_383 : i1 to i32
          %cond3A_385 = arith.constant 0 : i32
          %cond3A_386 = arith.cmpi ne, %convert_element_type3A_384, %cond3A_385 : i32
          scf.if %cond3A_386 {
          } else {
          }
          %rem3A_387 = arith.constant 2 : i32
          %rem3A_388 = arith.remui %while3A_144, %rem3A_387 : i32
          %rem3A_389 = arith.constant 2 : i32
          %rem3A_390 = arith.remui %while3A_145, %rem3A_389 : i32
          %run_scoped3A_391 = arith.constant 0 : i32
          %run_scoped3A_392 = arith.constant 0 : i32
          "tpu.trace_start"() <{level = 10 : i32, message = "ep_run_kernel"}> : () -> ()
          "tpu.region"() ({
            %run_scoped3A_621 = tpu.sem_alloc : memref<!tpu.dma_semaphore, #tpu.memory_space<semaphore_mem>>
            %dma_start3A_622 = arith.constant 0 : i32
            %dma_start3A_623 = arith.constant 0 : i32
            %dma_start3A_624 = arith.constant 0 : i32
            %dma_start3A_625 = tpu.memref_slice %run_scoped3A_18[%rem3A_390, %dma_start3A_622, %dma_start3A_623, %dma_start3A_624] : memref<2x1x1024x32xf32, #tpu.memory_space<vmem>> -> memref<1x1x1024x32xf32, #tpu.memory_space<vmem>>
            %dma_start3A_626 = tpu.memref_squeeze %dma_start3A_625 : memref<1x1x1024x32xf32, #tpu.memory_space<vmem>> -> memref<1x1024x32xf32, #tpu.memory_space<vmem>>
            %dma_start3A_627 = arith.constant 0 : i32
            %dma_start3A_628 = arith.constant 0 : i32
            %dma_start3A_629 = tpu.memref_slice %dma_start3A_626[%run_scoped3A_392, %dma_start3A_627, %dma_start3A_628] : memref<1x1024x32xf32, #tpu.memory_space<vmem>> -> memref<1x1024x32xf32, #tpu.memory_space<vmem>>
            %dma_start3A_630 = tpu.memref_squeeze %dma_start3A_629 : memref<1x1024x32xf32, #tpu.memory_space<vmem>> -> memref<1024x32xf32, #tpu.memory_space<vmem>>
            %dma_start3A_631 = arith.constant 0 : i32
            %dma_start3A_632 = arith.constant 0 : i32
            %dma_start3A_633 = tpu.memref_slice %run_scoped3A[%rem3A_388, %dma_start3A_631, %dma_start3A_632] : memref<2x1x1024xi32, #tpu.memory_space<vmem>> -> memref<1x1x1024xi32, #tpu.memory_space<vmem>>
            %dma_start3A_634 = tpu.memref_squeeze %dma_start3A_633 : memref<1x1x1024xi32, #tpu.memory_space<vmem>> -> memref<1x1024xi32, #tpu.memory_space<vmem>>
            %dma_start3A_635 = arith.constant 0 : i32
            %dma_start3A_636 = tpu.memref_slice %dma_start3A_634[%run_scoped3A_391, %dma_start3A_635] : memref<1x1024xi32, #tpu.memory_space<vmem>> -> memref<1x1024xi32, #tpu.memory_space<vmem>>
            %dma_start3A_637 = tpu.memref_squeeze %dma_start3A_636 : memref<1x1024xi32, #tpu.memory_space<vmem>> -> memref<1024xi32, #tpu.memory_space<vmem>>
            %dma_start3A_638 = arith.constant 0 : i32
            %dma_start3A_639 = arith.constant 0 : i32
            %dma_start3A_640 = tpu.memref_slice %arg2[%dma_start3A_638, %dma_start3A_639] : memref<1000000x32xf32, #tpu.memory_space<hbm>> -> memref<1000000x32xf32, #tpu.memory_space<hbm>>
            tpu.enqueue_indirect_dma source(%dma_start3A_640 : memref<1000000x32xf32, #tpu.memory_space<hbm>>) target(%dma_start3A_630 : memref<1024x32xf32, #tpu.memory_space<vmem>>) offsets(%dma_start3A_637 : memref<1024xi32, #tpu.memory_space<vmem>>) semaphore(%run_scoped3A_621 : memref<!tpu.dma_semaphore, #tpu.memory_space<semaphore_mem>>)
            %dma_wait3A = arith.constant 0 : i32
            %dma_wait3A_641 = arith.constant 0 : i32
            %dma_wait3A_642 = arith.constant 0 : i32
            %dma_wait3A_643 = tpu.memref_slice %run_scoped3A_18[%rem3A_390, %dma_wait3A, %dma_wait3A_641, %dma_wait3A_642] : memref<2x1x1024x32xf32, #tpu.memory_space<vmem>> -> memref<1x1x1024x32xf32, #tpu.memory_space<vmem>>
            %dma_wait3A_644 = tpu.memref_squeeze %dma_wait3A_643 : memref<1x1x1024x32xf32, #tpu.memory_space<vmem>> -> memref<1x1024x32xf32, #tpu.memory_space<vmem>>
            %dma_wait3A_645 = arith.constant 0 : i32
            %dma_wait3A_646 = arith.constant 0 : i32
            %dma_wait3A_647 = tpu.memref_slice %dma_wait3A_644[%run_scoped3A_392, %dma_wait3A_645, %dma_wait3A_646] : memref<1x1024x32xf32, #tpu.memory_space<vmem>> -> memref<1x1024x32xf32, #tpu.memory_space<vmem>>
            %dma_wait3A_648 = tpu.memref_squeeze %dma_wait3A_647 : memref<1x1024x32xf32, #tpu.memory_space<vmem>> -> memref<1024x32xf32, #tpu.memory_space<vmem>>
            %dma_wait3A_649 = arith.constant 0 : i32
            %dma_wait3A_650 = arith.constant 0 : i32
            %dma_wait3A_651 = tpu.memref_slice %run_scoped3A[%rem3A_388, %dma_wait3A_649, %dma_wait3A_650] : memref<2x1x1024xi32, #tpu.memory_space<vmem>> -> memref<1x1x1024xi32, #tpu.memory_space<vmem>>
            %dma_wait3A_652 = tpu.memref_squeeze %dma_wait3A_651 : memref<1x1x1024xi32, #tpu.memory_space<vmem>> -> memref<1x1024xi32, #tpu.memory_space<vmem>>
            %dma_wait3A_653 = arith.constant 0 : i32
            %dma_wait3A_654 = tpu.memref_slice %dma_wait3A_652[%run_scoped3A_391, %dma_wait3A_653] : memref<1x1024xi32, #tpu.memory_space<vmem>> -> memref<1x1024xi32, #tpu.memory_space<vmem>>
            %dma_wait3A_655 = tpu.memref_squeeze %dma_wait3A_654 : memref<1x1024xi32, #tpu.memory_space<vmem>> -> memref<1024xi32, #tpu.memory_space<vmem>>
            %dma_wait3A_656 = arith.constant 0 : i32
            %dma_wait3A_657 = arith.constant 0 : i32
            %dma_wait3A_658 = tpu.memref_slice %arg2[%dma_wait3A_656, %dma_wait3A_657] : memref<1000000x32xf32, #tpu.memory_space<hbm>> -> memref<1000000x32xf32, #tpu.memory_space<hbm>>
            tpu.wait_indirect_dma semaphore(%run_scoped3A_621 : memref<!tpu.dma_semaphore, #tpu.memory_space<semaphore_mem>>) src(%dma_wait3A_658 : memref<1000000x32xf32, #tpu.memory_space<hbm>>) dst(%dma_wait3A_648 : memref<1024x32xf32, #tpu.memory_space<vmem>>)
            tpu.yield
          }) : () -> ()
          "tpu.trace_stop"() : () -> ()
          %ne3A_393 = arith.cmpi ne, %add3A_155, %add3A_173 : i32
          %or3A_394 = arith.constant false
          %or3A_395 = arith.ori %or3A_394, %ne3A_393 : i1
          %or3A_396 = arith.ori %or3A_395, %eq3A_154 : i1
          %convert_element_type3A_397 = arith.extui %or3A_396 : i1 to i32
          %cond3A_398 = arith.constant 0 : i32
          %cond3A_399 = arith.cmpi ne, %convert_element_type3A_397, %cond3A_398 : i32
          scf.if %cond3A_399 {
          } else {
          }
          %and3A_400 = arith.constant false
          %and3A_401 = arith.andi %or3A_396, %and3A_400 : i1
          %jit3A_402 = arith.constant 4 : i32
          %div3A_403 = arith.divsi %add3A_155, %jit3A_402 : i32
          %sign3A_404 = arith.constant 0 : i32
          %sign3A_405 = arith.cmpi sgt, %add3A_155, %sign3A_404 : i32
          %sign3A_406 = arith.extui %sign3A_405 : i1 to i32
          %sign3A_407 = arith.constant 0 : i32
          %sign3A_408 = arith.cmpi slt, %add3A_155, %sign3A_407 : i32
          %sign3A_409 = arith.extui %sign3A_408 : i1 to i32
          %sign3A_410 = arith.subi %sign3A_406, %sign3A_409 : i32
          %sign3A_411 = arith.constant 0 : i32
          %sign3A_412 = arith.cmpi sgt, %jit3A_402, %sign3A_411 : i32
          %sign3A_413 = arith.extui %sign3A_412 : i1 to i32
          %sign3A_414 = arith.constant 0 : i32
          %sign3A_415 = arith.cmpi slt, %jit3A_402, %sign3A_414 : i32
          %sign3A_416 = arith.extui %sign3A_415 : i1 to i32
          %sign3A_417 = arith.subi %sign3A_413, %sign3A_416 : i32
          %ne3A_418 = arith.cmpi ne, %sign3A_410, %sign3A_417 : i32
          %rem3A_419 = arith.remsi %add3A_155, %jit3A_402 : i32
          %ne3A_420 = arith.constant 0 : i32
          %ne3A_421 = arith.cmpi ne, %rem3A_419, %ne3A_420 : i32
          %and3A_422 = arith.andi %ne3A_418, %ne3A_421 : i1
          %sub3A_423 = arith.constant 1 : i32
          %sub3A_424 = arith.subi %div3A_403, %sub3A_423 : i32
          %select_n3A_425 = arith.select %and3A_422, %sub3A_424, %div3A_403 : i32
          %jit3A_426 = arith.constant 4 : i32
          %eq3A_427 = arith.constant 0 : i32
          %eq3A_428 = arith.cmpi eq, %jit3A_426, %eq3A_427 : i32
          %jit3A_429 = arith.constant 1 : i32
          %select_n3A_430 = arith.select %eq3A_428, %jit3A_429, %jit3A_426 : i32
          %rem3A_431 = arith.remsi %add3A_155, %select_n3A_430 : i32
          %ne3A_432 = arith.constant 0 : i32
          %ne3A_433 = arith.cmpi ne, %rem3A_431, %ne3A_432 : i32
          %lt3A_434 = arith.constant 0 : i32
          %lt3A_435 = arith.cmpi slt, %rem3A_431, %lt3A_434 : i32
          %lt3A_436 = arith.constant 0 : i32
          %lt3A_437 = arith.cmpi slt, %select_n3A_430, %lt3A_436 : i32
          %ne3A_438 = arith.xori %lt3A_435, %lt3A_437 : i1
          %and3A_439 = arith.andi %ne3A_438, %ne3A_433 : i1
          %add3A_440 = arith.addi %rem3A_431, %select_n3A_430 : i32
          %select_n3A_441 = arith.select %and3A_439, %add3A_440, %rem3A_431 : i32
          %jit3A_442 = arith.constant 4 : i32
          %div3A_443 = arith.divsi %add3A_173, %jit3A_442 : i32
          %sign3A_444 = arith.constant 0 : i32
          %sign3A_445 = arith.cmpi sgt, %add3A_173, %sign3A_444 : i32
          %sign3A_446 = arith.extui %sign3A_445 : i1 to i32
          %sign3A_447 = arith.constant 0 : i32
          %sign3A_448 = arith.cmpi slt, %add3A_173, %sign3A_447 : i32
          %sign3A_449 = arith.extui %sign3A_448 : i1 to i32
          %sign3A_450 = arith.subi %sign3A_446, %sign3A_449 : i32
          %sign3A_451 = arith.constant 0 : i32
          %sign3A_452 = arith.cmpi sgt, %jit3A_442, %sign3A_451 : i32
          %sign3A_453 = arith.extui %sign3A_452 : i1 to i32
          %sign3A_454 = arith.constant 0 : i32
          %sign3A_455 = arith.cmpi slt, %jit3A_442, %sign3A_454 : i32
          %sign3A_456 = arith.extui %sign3A_455 : i1 to i32
          %sign3A_457 = arith.subi %sign3A_453, %sign3A_456 : i32
          %ne3A_458 = arith.cmpi ne, %sign3A_450, %sign3A_457 : i32
          %rem3A_459 = arith.remsi %add3A_173, %jit3A_442 : i32
          %ne3A_460 = arith.constant 0 : i32
          %ne3A_461 = arith.cmpi ne, %rem3A_459, %ne3A_460 : i32
          %and3A_462 = arith.andi %ne3A_458, %ne3A_461 : i1
          %sub3A_463 = arith.constant 1 : i32
          %sub3A_464 = arith.subi %div3A_443, %sub3A_463 : i32
          %select_n3A_465 = arith.select %and3A_462, %sub3A_464, %div3A_443 : i32
          %jit3A_466 = arith.constant 4 : i32
          %eq3A_467 = arith.constant 0 : i32
          %eq3A_468 = arith.cmpi eq, %jit3A_466, %eq3A_467 : i32
          %jit3A_469 = arith.constant 1 : i32
          %select_n3A_470 = arith.select %eq3A_468, %jit3A_469, %jit3A_466 : i32
          %rem3A_471 = arith.remsi %add3A_173, %select_n3A_470 : i32
          %ne3A_472 = arith.constant 0 : i32
          %ne3A_473 = arith.cmpi ne, %rem3A_471, %ne3A_472 : i32
          %lt3A_474 = arith.constant 0 : i32
          %lt3A_475 = arith.cmpi slt, %rem3A_471, %lt3A_474 : i32
          %lt3A_476 = arith.constant 0 : i32
          %lt3A_477 = arith.cmpi slt, %select_n3A_470, %lt3A_476 : i32
          %ne3A_478 = arith.xori %lt3A_475, %lt3A_477 : i1
          %and3A_479 = arith.andi %ne3A_478, %ne3A_473 : i1
          %add3A_480 = arith.addi %rem3A_471, %select_n3A_470 : i32
          %select_n3A_481 = arith.select %and3A_479, %add3A_480, %rem3A_471 : i32
          %ne3A_482 = arith.cmpi ne, %select_n3A_425, %select_n3A_465 : i32
          %ne3A_483 = arith.cmpi ne, %select_n3A_441, %select_n3A_481 : i32
          %or3A_484 = arith.constant false
          %or3A_485 = arith.ori %or3A_484, %ne3A_482 : i1
          %or3A_486 = arith.ori %or3A_485, %ne3A_483 : i1
          %or3A_487 = arith.constant false
          %or3A_488 = arith.ori %or3A_486, %or3A_487 : i1
          %or3A_489 = arith.ori %or3A_488, %eq3A_154 : i1
          %convert_element_type3A_490 = arith.extui %or3A_489 : i1 to i32
          %cond3A_491 = arith.constant 0 : i32
          %cond3A_492 = arith.cmpi ne, %convert_element_type3A_490, %cond3A_491 : i32
          scf.if %cond3A_492 {
            "tpu.trace_start"() <{level = 10 : i32, message = "ep_copy_out"}> : () -> ()
            %rem3A_621 = arith.constant 2 : i32
            %rem3A_622 = arith.remui %while3A_145, %rem3A_621 : i32
            %jit3A_623 = arith.constant 4 : i32
            %div3A_624 = arith.divsi %add3A_155, %jit3A_623 : i32
            %sign3A_625 = arith.constant 0 : i32
            %sign3A_626 = arith.cmpi sgt, %add3A_155, %sign3A_625 : i32
            %sign3A_627 = arith.extui %sign3A_626 : i1 to i32
            %sign3A_628 = arith.constant 0 : i32
            %sign3A_629 = arith.cmpi slt, %add3A_155, %sign3A_628 : i32
            %sign3A_630 = arith.extui %sign3A_629 : i1 to i32
            %sign3A_631 = arith.subi %sign3A_627, %sign3A_630 : i32
            %sign3A_632 = arith.constant 0 : i32
            %sign3A_633 = arith.cmpi sgt, %jit3A_623, %sign3A_632 : i32
            %sign3A_634 = arith.extui %sign3A_633 : i1 to i32
            %sign3A_635 = arith.constant 0 : i32
            %sign3A_636 = arith.cmpi slt, %jit3A_623, %sign3A_635 : i32
            %sign3A_637 = arith.extui %sign3A_636 : i1 to i32
            %sign3A_638 = arith.subi %sign3A_634, %sign3A_637 : i32
            %ne3A_639 = arith.cmpi ne, %sign3A_631, %sign3A_638 : i32
            %rem3A_640 = arith.remsi %add3A_155, %jit3A_623 : i32
            %ne3A_641 = arith.constant 0 : i32
            %ne3A_642 = arith.cmpi ne, %rem3A_640, %ne3A_641 : i32
            %and3A_643 = arith.andi %ne3A_639, %ne3A_642 : i1
            %sub3A_644 = arith.constant 1 : i32
            %sub3A_645 = arith.subi %div3A_624, %sub3A_644 : i32
            %select_n3A_646 = arith.select %and3A_643, %sub3A_645, %div3A_624 : i32
            %jit3A_647 = arith.constant 4 : i32
            %eq3A_648 = arith.constant 0 : i32
            %eq3A_649 = arith.cmpi eq, %jit3A_647, %eq3A_648 : i32
            %jit3A_650 = arith.constant 1 : i32
            %select_n3A_651 = arith.select %eq3A_649, %jit3A_650, %jit3A_647 : i32
            %rem3A_652 = arith.remsi %add3A_155, %select_n3A_651 : i32
            %ne3A_653 = arith.constant 0 : i32
            %ne3A_654 = arith.cmpi ne, %rem3A_652, %ne3A_653 : i32
            %lt3A_655 = arith.constant 0 : i32
            %lt3A_656 = arith.cmpi slt, %rem3A_652, %lt3A_655 : i32
            %lt3A_657 = arith.constant 0 : i32
            %lt3A_658 = arith.cmpi slt, %select_n3A_651, %lt3A_657 : i32
            %ne3A_659 = arith.xori %lt3A_656, %lt3A_658 : i1
            %and3A_660 = arith.andi %ne3A_659, %ne3A_654 : i1
            %add3A_661 = arith.addi %rem3A_652, %select_n3A_651 : i32
            %select_n3A_662 = arith.select %and3A_660, %add3A_661, %rem3A_652 : i32
            %mul3A_663 = arith.constant 1 : i32
            %mul3A_664 = arith.muli %mul3A_663, %select_n3A_646 : i32
            %mul3A_665 = arith.constant 1024 : i32
            %mul3A_666 = arith.muli %mul3A_665, %select_n3A_662 : i32
            %dma_start3A_667 = arith.constant 0 : i32
            %dma_start3A_668 = arith.constant 0 : i32
            %dma_start3A_669 = arith.constant 0 : i32
            %dma_start3A_670 = tpu.memref_slice %run_scoped3A_18[%rem3A_622, %dma_start3A_667, %dma_start3A_668, %dma_start3A_669] : memref<2x1x1024x32xf32, #tpu.memory_space<vmem>> -> memref<1x1x1024x32xf32, #tpu.memory_space<vmem>>
            %dma_start3A_671 = tpu.memref_squeeze %dma_start3A_670 : memref<1x1x1024x32xf32, #tpu.memory_space<vmem>> -> memref<1x1024x32xf32, #tpu.memory_space<vmem>>
            %dma_start3A_672 = arith.constant 0 : i32
            %dma_start3A_673 = tpu.memref_slice %arg4[%mul3A_664, %mul3A_666, %dma_start3A_672] : memref<100x4096x32xf32, #tpu.memory_space<hbm>> -> memref<1x1024x32xf32, #tpu.memory_space<hbm>>
            %dma_start3A_674 = tpu.memref_slice %run_scoped3A_19[%rem3A_622] : memref<2x!tpu.dma_semaphore, #tpu.memory_space<semaphore_mem>> -> memref<1x!tpu.dma_semaphore, #tpu.memory_space<semaphore_mem>>
            %dma_start3A_675 = tpu.memref_squeeze %dma_start3A_674 : memref<1x!tpu.dma_semaphore, #tpu.memory_space<semaphore_mem>> -> memref<!tpu.dma_semaphore, #tpu.memory_space<semaphore_mem>>
            %dma_start3A_676 = arith.constant 0 : i32
            %dma_start3A_677 = tpu.memref_slice %arg4[%mul3A_664, %mul3A_666, %dma_start3A_676] : memref<100x4096x32xf32, #tpu.memory_space<hbm>> -> memref<1x1024x32xf32, #tpu.memory_space<hbm>>
            %dma_start3A_678 = arith.constant 0 : i32
            %dma_start3A_679 = arith.constant 0 : i32
            %dma_start3A_680 = arith.constant 0 : i32
            %dma_start3A_681 = tpu.memref_slice %run_scoped3A_18[%rem3A_622, %dma_start3A_678, %dma_start3A_679, %dma_start3A_680] : memref<2x1x1024x32xf32, #tpu.memory_space<vmem>> -> memref<1x1x1024x32xf32, #tpu.memory_space<vmem>>
            %dma_start3A_682 = tpu.memref_squeeze %dma_start3A_681 : memref<1x1x1024x32xf32, #tpu.memory_space<vmem>> -> memref<1x1024x32xf32, #tpu.memory_space<vmem>>
            tpu.enqueue_dma source(%dma_start3A_682 : memref<1x1024x32xf32, #tpu.memory_space<vmem>>) target(%dma_start3A_677 : memref<1x1024x32xf32, #tpu.memory_space<hbm>>) target_semaphore(%dma_start3A_675 : memref<!tpu.dma_semaphore, #tpu.memory_space<semaphore_mem>>)
            "tpu.trace_stop"() : () -> ()
          } else {
          }
          %and3A_493 = arith.constant true
          %and3A_494 = arith.andi %or3A_489, %and3A_493 : i1
          %add3A_495 = arith.constant 1 : i32
          %add3A_496 = arith.addi %while3A_145, %add3A_495 : i32
          %select_n3A_497 = arith.select %and3A_494, %add3A_496, %while3A_145 : i32
          %ne3A_498 = arith.cmpi ne, %add3A_155, %add3A_165 : i32
          %or3A_499 = arith.constant false
          %or3A_500 = arith.ori %or3A_499, %ne3A_498 : i1
          %not3A_501 = arith.constant true
          %not3A_502 = arith.xori %eq3A_151, %not3A_501 : i1
          %and3A_503 = arith.andi %or3A_500, %not3A_502 : i1
          %convert_element_type3A_504 = arith.extui %and3A_503 : i1 to i32
          %cond3A_505 = arith.constant 0 : i32
          %cond3A_506 = arith.cmpi ne, %convert_element_type3A_504, %cond3A_505 : i32
          scf.if %cond3A_506 {
          } else {
          }
          %and3A_507 = arith.constant false
          %and3A_508 = arith.andi %and3A_503, %and3A_507 : i1
          %jit3A_509 = arith.constant 4 : i32
          %div3A_510 = arith.divsi %add3A_155, %jit3A_509 : i32
          %sign3A_511 = arith.constant 0 : i32
          %sign3A_512 = arith.cmpi sgt, %add3A_155, %sign3A_511 : i32
          %sign3A_513 = arith.extui %sign3A_512 : i1 to i32
          %sign3A_514 = arith.constant 0 : i32
          %sign3A_515 = arith.cmpi slt, %add3A_155, %sign3A_514 : i32
          %sign3A_516 = arith.extui %sign3A_515 : i1 to i32
          %sign3A_517 = arith.subi %sign3A_513, %sign3A_516 : i32
          %sign3A_518 = arith.constant 0 : i32
          %sign3A_519 = arith.cmpi sgt, %jit3A_509, %sign3A_518 : i32
          %sign3A_520 = arith.extui %sign3A_519 : i1 to i32
          %sign3A_521 = arith.constant 0 : i32
          %sign3A_522 = arith.cmpi slt, %jit3A_509, %sign3A_521 : i32
          %sign3A_523 = arith.extui %sign3A_522 : i1 to i32
          %sign3A_524 = arith.subi %sign3A_520, %sign3A_523 : i32
          %ne3A_525 = arith.cmpi ne, %sign3A_517, %sign3A_524 : i32
          %rem3A_526 = arith.remsi %add3A_155, %jit3A_509 : i32
          %ne3A_527 = arith.constant 0 : i32
          %ne3A_528 = arith.cmpi ne, %rem3A_526, %ne3A_527 : i32
          %and3A_529 = arith.andi %ne3A_525, %ne3A_528 : i1
          %sub3A_530 = arith.constant 1 : i32
          %sub3A_531 = arith.subi %div3A_510, %sub3A_530 : i32
          %select_n3A_532 = arith.select %and3A_529, %sub3A_531, %div3A_510 : i32
          %jit3A_533 = arith.constant 4 : i32
          %eq3A_534 = arith.constant 0 : i32
          %eq3A_535 = arith.cmpi eq, %jit3A_533, %eq3A_534 : i32
          %jit3A_536 = arith.constant 1 : i32
          %select_n3A_537 = arith.select %eq3A_535, %jit3A_536, %jit3A_533 : i32
          %rem3A_538 = arith.remsi %add3A_155, %select_n3A_537 : i32
          %ne3A_539 = arith.constant 0 : i32
          %ne3A_540 = arith.cmpi ne, %rem3A_538, %ne3A_539 : i32
          %lt3A_541 = arith.constant 0 : i32
          %lt3A_542 = arith.cmpi slt, %rem3A_538, %lt3A_541 : i32
          %lt3A_543 = arith.constant 0 : i32
          %lt3A_544 = arith.cmpi slt, %select_n3A_537, %lt3A_543 : i32
          %ne3A_545 = arith.xori %lt3A_542, %lt3A_544 : i1
          %and3A_546 = arith.andi %ne3A_545, %ne3A_540 : i1
          %add3A_547 = arith.addi %rem3A_538, %select_n3A_537 : i32
          %select_n3A_548 = arith.select %and3A_546, %add3A_547, %rem3A_538 : i32
          %jit3A_549 = arith.constant 4 : i32
          %div3A_550 = arith.divsi %add3A_165, %jit3A_549 : i32
          %sign3A_551 = arith.constant 0 : i32
          %sign3A_552 = arith.cmpi sgt, %add3A_165, %sign3A_551 : i32
          %sign3A_553 = arith.extui %sign3A_552 : i1 to i32
          %sign3A_554 = arith.constant 0 : i32
          %sign3A_555 = arith.cmpi slt, %add3A_165, %sign3A_554 : i32
          %sign3A_556 = arith.extui %sign3A_555 : i1 to i32
          %sign3A_557 = arith.subi %sign3A_553, %sign3A_556 : i32
          %sign3A_558 = arith.constant 0 : i32
          %sign3A_559 = arith.cmpi sgt, %jit3A_549, %sign3A_558 : i32
          %sign3A_560 = arith.extui %sign3A_559 : i1 to i32
          %sign3A_561 = arith.constant 0 : i32
          %sign3A_562 = arith.cmpi slt, %jit3A_549, %sign3A_561 : i32
          %sign3A_563 = arith.extui %sign3A_562 : i1 to i32
          %sign3A_564 = arith.subi %sign3A_560, %sign3A_563 : i32
          %ne3A_565 = arith.cmpi ne, %sign3A_557, %sign3A_564 : i32
          %rem3A_566 = arith.remsi %add3A_165, %jit3A_549 : i32
          %ne3A_567 = arith.constant 0 : i32
          %ne3A_568 = arith.cmpi ne, %rem3A_566, %ne3A_567 : i32
          %and3A_569 = arith.andi %ne3A_565, %ne3A_568 : i1
          %sub3A_570 = arith.constant 1 : i32
          %sub3A_571 = arith.subi %div3A_550, %sub3A_570 : i32
          %select_n3A_572 = arith.select %and3A_569, %sub3A_571, %div3A_550 : i32
          %jit3A_573 = arith.constant 4 : i32
          %eq3A_574 = arith.constant 0 : i32
          %eq3A_575 = arith.cmpi eq, %jit3A_573, %eq3A_574 : i32
          %jit3A_576 = arith.constant 1 : i32
          %select_n3A_577 = arith.select %eq3A_575, %jit3A_576, %jit3A_573 : i32
          %rem3A_578 = arith.remsi %add3A_165, %select_n3A_577 : i32
          %ne3A_579 = arith.constant 0 : i32
          %ne3A_580 = arith.cmpi ne, %rem3A_578, %ne3A_579 : i32
          %lt3A_581 = arith.constant 0 : i32
          %lt3A_582 = arith.cmpi slt, %rem3A_578, %lt3A_581 : i32
          %lt3A_583 = arith.constant 0 : i32
          %lt3A_584 = arith.cmpi slt, %select_n3A_577, %lt3A_583 : i32
          %ne3A_585 = arith.xori %lt3A_582, %lt3A_584 : i1
          %and3A_586 = arith.andi %ne3A_585, %ne3A_580 : i1
          %add3A_587 = arith.addi %rem3A_578, %select_n3A_577 : i32
          %select_n3A_588 = arith.select %and3A_586, %add3A_587, %rem3A_578 : i32
          %ne3A_589 = arith.cmpi ne, %select_n3A_532, %select_n3A_572 : i32
          %ne3A_590 = arith.cmpi ne, %select_n3A_548, %select_n3A_588 : i32
          %or3A_591 = arith.constant false
          %or3A_592 = arith.ori %or3A_591, %ne3A_589 : i1
          %or3A_593 = arith.ori %or3A_592, %ne3A_590 : i1
          %or3A_594 = arith.constant false
          %or3A_595 = arith.ori %or3A_593, %or3A_594 : i1
          %not3A_596 = arith.constant true
          %not3A_597 = arith.xori %eq3A_151, %not3A_596 : i1
          %and3A_598 = arith.andi %or3A_595, %not3A_597 : i1
          %convert_element_type3A_599 = arith.extui %and3A_598 : i1 to i32
          %cond3A_600 = arith.constant 0 : i32
          %cond3A_601 = arith.cmpi ne, %convert_element_type3A_599, %cond3A_600 : i32
          scf.if %cond3A_601 {
            "tpu.trace_start"() <{level = 10 : i32, message = "ep_wait_out"}> : () -> ()
            %rem3A_621 = arith.constant 2 : i32
            %rem3A_622 = arith.remui %while3A_146, %rem3A_621 : i32
            %jit3A_623 = arith.constant 4 : i32
            %div3A_624 = arith.divsi %add3A_165, %jit3A_623 : i32
            %sign3A_625 = arith.constant 0 : i32
            %sign3A_626 = arith.cmpi sgt, %add3A_165, %sign3A_625 : i32
            %sign3A_627 = arith.extui %sign3A_626 : i1 to i32
            %sign3A_628 = arith.constant 0 : i32
            %sign3A_629 = arith.cmpi slt, %add3A_165, %sign3A_628 : i32
            %sign3A_630 = arith.extui %sign3A_629 : i1 to i32
            %sign3A_631 = arith.subi %sign3A_627, %sign3A_630 : i32
            %sign3A_632 = arith.constant 0 : i32
            %sign3A_633 = arith.cmpi sgt, %jit3A_623, %sign3A_632 : i32
            %sign3A_634 = arith.extui %sign3A_633 : i1 to i32
            %sign3A_635 = arith.constant 0 : i32
            %sign3A_636 = arith.cmpi slt, %jit3A_623, %sign3A_635 : i32
            %sign3A_637 = arith.extui %sign3A_636 : i1 to i32
            %sign3A_638 = arith.subi %sign3A_634, %sign3A_637 : i32
            %ne3A_639 = arith.cmpi ne, %sign3A_631, %sign3A_638 : i32
            %rem3A_640 = arith.remsi %add3A_165, %jit3A_623 : i32
            %ne3A_641 = arith.constant 0 : i32
            %ne3A_642 = arith.cmpi ne, %rem3A_640, %ne3A_641 : i32
            %and3A_643 = arith.andi %ne3A_639, %ne3A_642 : i1
            %sub3A_644 = arith.constant 1 : i32
            %sub3A_645 = arith.subi %div3A_624, %sub3A_644 : i32
            %select_n3A_646 = arith.select %and3A_643, %sub3A_645, %div3A_624 : i32
            %jit3A_647 = arith.constant 4 : i32
            %eq3A_648 = arith.constant 0 : i32
            %eq3A_649 = arith.cmpi eq, %jit3A_647, %eq3A_648 : i32
            %jit3A_650 = arith.constant 1 : i32
            %select_n3A_651 = arith.select %eq3A_649, %jit3A_650, %jit3A_647 : i32
            %rem3A_652 = arith.remsi %add3A_165, %select_n3A_651 : i32
            %ne3A_653 = arith.constant 0 : i32
            %ne3A_654 = arith.cmpi ne, %rem3A_652, %ne3A_653 : i32
            %lt3A_655 = arith.constant 0 : i32
            %lt3A_656 = arith.cmpi slt, %rem3A_652, %lt3A_655 : i32
            %lt3A_657 = arith.constant 0 : i32
            %lt3A_658 = arith.cmpi slt, %select_n3A_651, %lt3A_657 : i32
            %ne3A_659 = arith.xori %lt3A_656, %lt3A_658 : i1
            %and3A_660 = arith.andi %ne3A_659, %ne3A_654 : i1
            %add3A_661 = arith.addi %rem3A_652, %select_n3A_651 : i32
            %select_n3A_662 = arith.select %and3A_660, %add3A_661, %rem3A_652 : i32
            %mul3A_663 = arith.constant 1 : i32
            %mul3A_664 = arith.muli %mul3A_663, %select_n3A_646 : i32
            %mul3A_665 = arith.constant 1024 : i32
            %mul3A_666 = arith.muli %mul3A_665, %select_n3A_662 : i32
            %dma_wait3A = arith.constant 0 : i32
            %dma_wait3A_667 = arith.constant 0 : i32
            %dma_wait3A_668 = arith.constant 0 : i32
            %dma_wait3A_669 = tpu.memref_slice %run_scoped3A_18[%rem3A_622, %dma_wait3A, %dma_wait3A_667, %dma_wait3A_668] : memref<2x1x1024x32xf32, #tpu.memory_space<vmem>> -> memref<1x1x1024x32xf32, #tpu.memory_space<vmem>>
            %dma_wait3A_670 = tpu.memref_squeeze %dma_wait3A_669 : memref<1x1x1024x32xf32, #tpu.memory_space<vmem>> -> memref<1x1024x32xf32, #tpu.memory_space<vmem>>
            %dma_wait3A_671 = arith.constant 0 : i32
            %dma_wait3A_672 = tpu.memref_slice %arg4[%mul3A_664, %mul3A_666, %dma_wait3A_671] : memref<100x4096x32xf32, #tpu.memory_space<hbm>> -> memref<1x1024x32xf32, #tpu.memory_space<hbm>>
            %dma_wait3A_673 = tpu.memref_slice %run_scoped3A_19[%rem3A_622] : memref<2x!tpu.dma_semaphore, #tpu.memory_space<semaphore_mem>> -> memref<1x!tpu.dma_semaphore, #tpu.memory_space<semaphore_mem>>
            %dma_wait3A_674 = tpu.memref_squeeze %dma_wait3A_673 : memref<1x!tpu.dma_semaphore, #tpu.memory_space<semaphore_mem>> -> memref<!tpu.dma_semaphore, #tpu.memory_space<semaphore_mem>>
            %dma_wait3A_675 = arith.constant 0 : i32
            %dma_wait3A_676 = tpu.memref_slice %arg4[%mul3A_664, %mul3A_666, %dma_wait3A_675] : memref<100x4096x32xf32, #tpu.memory_space<hbm>> -> memref<1x1024x32xf32, #tpu.memory_space<hbm>>
            %dma_wait3A_677 = arith.constant 0 : i32
            %dma_wait3A_678 = arith.constant 0 : i32
            %dma_wait3A_679 = arith.constant 0 : i32
            %dma_wait3A_680 = tpu.memref_slice %run_scoped3A_18[%rem3A_622, %dma_wait3A_677, %dma_wait3A_678, %dma_wait3A_679] : memref<2x1x1024x32xf32, #tpu.memory_space<vmem>> -> memref<1x1x1024x32xf32, #tpu.memory_space<vmem>>
            %dma_wait3A_681 = tpu.memref_squeeze %dma_wait3A_680 : memref<1x1x1024x32xf32, #tpu.memory_space<vmem>> -> memref<1x1024x32xf32, #tpu.memory_space<vmem>>
            tpu.wait_dma2 semaphore(%dma_wait3A_674 : memref<!tpu.dma_semaphore, #tpu.memory_space<semaphore_mem>>) src(%dma_wait3A_681 : memref<1x1024x32xf32, #tpu.memory_space<vmem>>) dst(%dma_wait3A_676 : memref<1x1024x32xf32, #tpu.memory_space<hbm>>)
            "tpu.trace_stop"() : () -> ()
          } else {
          }
          %and3A_602 = arith.constant true
          %and3A_603 = arith.andi %and3A_598, %and3A_602 : i1
          %add3A_604 = arith.constant 1 : i32
          %add3A_605 = arith.addi %while3A_146, %add3A_604 : i32
          %select_n3A_606 = arith.select %and3A_603, %add3A_605, %while3A_146 : i32
          %ne3A_607 = arith.cmpi ne, %add3A_155, %add3A_173 : i32
          %or3A_608 = arith.constant false
          %or3A_609 = arith.ori %or3A_608, %ne3A_607 : i1
          %or3A_610 = arith.ori %or3A_609, %eq3A_154 : i1
          %add3A_611 = arith.constant 1 : i32
          %add3A_612 = arith.addi %while3A_144, %add3A_611 : i32
          %select_n3A_613 = arith.select %or3A_610, %add3A_612, %while3A_144 : i32
          %add3A_614 = arith.constant 1 : i32
          %add3A_615 = arith.addi %while3A_147, %add3A_614 : i32
          %select_n3A_616 = arith.constant true
          %select_n3A_617 = arith.select %select_n3A_616, %add3A_615, %while3A_147 : i32
          %eq3A_618 = arith.cmpi eq, %select_n3A_617, %select_n3A : i32
          %select_n3A_619 = arith.constant 0 : i32
          %select_n3A_620 = arith.select %eq3A_618, %select_n3A_619, %select_n3A_617 : i32
          scf.yield %select_n3A_195, %select_n3A_613, %select_n3A_497, %select_n3A_606, %select_n3A_620 : i32, i32, i32, i32, i32
        }
        %sub3A_91 = arith.constant 1 : i32
        %sub3A_92 = arith.subi %while3A_90#4, %sub3A_91 : i32
        %select_n3A_93 = arith.constant true
        %select_n3A_94 = arith.select %select_n3A_93, %sub3A_92, %while3A_90#4 : i32
        %eq3A_95 = arith.constant -1 : i32
        %eq3A_96 = arith.cmpi eq, %select_n3A_94, %eq3A_95 : i32
        %sub3A_97 = arith.constant 1 : i32
        %sub3A_98 = arith.subi %select_n3A, %sub3A_97 : i32
        %select_n3A_99 = arith.select %eq3A_96, %sub3A_98, %select_n3A_94 : i32
        %sub3A_100 = arith.constant 1 : i32
        %sub3A_101 = arith.subi %mul3A_16, %sub3A_100 : i32
        %mul3A_102 = arith.constant 1 : i32
        %mul3A_103 = arith.muli %mul3A_102, %select_n3A : i32
        %eq3A_104 = arith.constant 0 : i32
        %eq3A_105 = arith.cmpi eq, %sub3A_101, %eq3A_104 : i32
        %sub3A_106 = arith.constant 1 : i32
        %sub3A_107 = arith.subi %mul3A_103, %sub3A_106 : i32
        %eq3A_108 = arith.cmpi eq, %sub3A_101, %sub3A_107 : i32
        %add3A_109 = arith.addi %select_n3A_99, %select_n3A_14 : i32
        %sub3A_110 = arith.constant 1 : i32
        %sub3A_111 = arith.subi %select_n3A_99, %sub3A_110 : i32
        %select_n3A_112 = arith.constant true
        %select_n3A_113 = arith.select %select_n3A_112, %sub3A_111, %select_n3A_99 : i32
        %eq3A_114 = arith.constant -1 : i32
        %eq3A_115 = arith.cmpi eq, %select_n3A_113, %eq3A_114 : i32
        %sub3A_116 = arith.constant 1 : i32
        %sub3A_117 = arith.subi %select_n3A, %sub3A_116 : i32
        %select_n3A_118 = arith.select %eq3A_115, %sub3A_117, %select_n3A_113 : i32
        %add3A_119 = arith.addi %select_n3A_118, %select_n3A_14 : i32
        %add3A_120 = arith.constant 1 : i32
        %add3A_121 = arith.addi %select_n3A_99, %add3A_120 : i32
        %select_n3A_122 = arith.constant true
        %select_n3A_123 = arith.select %select_n3A_122, %add3A_121, %select_n3A_99 : i32
        %eq3A_124 = arith.cmpi eq, %select_n3A_123, %select_n3A : i32
        %select_n3A_125 = arith.constant 0 : i32
        %select_n3A_126 = arith.select %eq3A_124, %select_n3A_125, %select_n3A_123 : i32
        %add3A_127 = arith.addi %select_n3A_126, %select_n3A_14 : i32
        %add3A_128 = arith.constant 1 : i32
        %add3A_129 = arith.addi %select_n3A_126, %add3A_128 : i32
        %select_n3A_130 = arith.constant true
        %select_n3A_131 = arith.select %select_n3A_130, %add3A_129, %select_n3A_126 : i32
        %eq3A_132 = arith.cmpi eq, %select_n3A_131, %select_n3A : i32
        %select_n3A_133 = arith.constant 0 : i32
        %select_n3A_134 = arith.select %eq3A_132, %select_n3A_133, %select_n3A_131 : i32
        %add3A_135 = arith.addi %select_n3A_134, %select_n3A_14 : i32
        %convert_element_type3A_136 = arith.extui %eq3A_108 : i1 to i32
        %cond3A_137 = arith.constant 0 : i32
        %cond3A_138 = arith.cmpi ne, %convert_element_type3A_136, %cond3A_137 : i32
        scf.if %cond3A_138 {
        } else {
        }
        %convert_element_type3A_139 = arith.extui %eq3A_108 : i1 to i32
        %cond3A_140 = arith.constant 0 : i32
        %cond3A_141 = arith.cmpi ne, %convert_element_type3A_139, %cond3A_140 : i32
        scf.if %cond3A_141 {
          "tpu.trace_start"() <{level = 10 : i32, message = "ep_finalize"}> : () -> ()
          %rem3A_142 = arith.constant 2 : i32
          %rem3A_143 = arith.remui %while3A_90#3, %rem3A_142 : i32
          %jit3A_144 = arith.constant 4 : i32
          %div3A = arith.divsi %add3A_109, %jit3A_144 : i32
          %sign3A = arith.constant 0 : i32
          %sign3A_145 = arith.cmpi sgt, %add3A_109, %sign3A : i32
          %sign3A_146 = arith.extui %sign3A_145 : i1 to i32
          %sign3A_147 = arith.constant 0 : i32
          %sign3A_148 = arith.cmpi slt, %add3A_109, %sign3A_147 : i32
          %sign3A_149 = arith.extui %sign3A_148 : i1 to i32
          %sign3A_150 = arith.subi %sign3A_146, %sign3A_149 : i32
          %sign3A_151 = arith.constant 0 : i32
          %sign3A_152 = arith.cmpi sgt, %jit3A_144, %sign3A_151 : i32
          %sign3A_153 = arith.extui %sign3A_152 : i1 to i32
          %sign3A_154 = arith.constant 0 : i32
          %sign3A_155 = arith.cmpi slt, %jit3A_144, %sign3A_154 : i32
          %sign3A_156 = arith.extui %sign3A_155 : i1 to i32
          %sign3A_157 = arith.subi %sign3A_153, %sign3A_156 : i32
          %ne3A = arith.cmpi ne, %sign3A_150, %sign3A_157 : i32
          %rem3A_158 = arith.remsi %add3A_109, %jit3A_144 : i32
          %ne3A_159 = arith.constant 0 : i32
          %ne3A_160 = arith.cmpi ne, %rem3A_158, %ne3A_159 : i32
          %and3A = arith.andi %ne3A, %ne3A_160 : i1
          %sub3A_161 = arith.constant 1 : i32
          %sub3A_162 = arith.subi %div3A, %sub3A_161 : i32
          %select_n3A_163 = arith.select %and3A, %sub3A_162, %div3A : i32
          %jit3A_164 = arith.constant 4 : i32
          %eq3A_165 = arith.constant 0 : i32
          %eq3A_166 = arith.cmpi eq, %jit3A_164, %eq3A_165 : i32
          %jit3A_167 = arith.constant 1 : i32
          %select_n3A_168 = arith.select %eq3A_166, %jit3A_167, %jit3A_164 : i32
          %rem3A_169 = arith.remsi %add3A_109, %select_n3A_168 : i32
          %ne3A_170 = arith.constant 0 : i32
          %ne3A_171 = arith.cmpi ne, %rem3A_169, %ne3A_170 : i32
          %lt3A_172 = arith.constant 0 : i32
          %lt3A_173 = arith.cmpi slt, %rem3A_169, %lt3A_172 : i32
          %lt3A_174 = arith.constant 0 : i32
          %lt3A_175 = arith.cmpi slt, %select_n3A_168, %lt3A_174 : i32
          %ne3A_176 = arith.xori %lt3A_173, %lt3A_175 : i1
          %and3A_177 = arith.andi %ne3A_176, %ne3A_171 : i1
          %add3A_178 = arith.addi %rem3A_169, %select_n3A_168 : i32
          %select_n3A_179 = arith.select %and3A_177, %add3A_178, %rem3A_169 : i32
          %mul3A_180 = arith.constant 1 : i32
          %mul3A_181 = arith.muli %mul3A_180, %select_n3A_163 : i32
          %mul3A_182 = arith.constant 1024 : i32
          %mul3A_183 = arith.muli %mul3A_182, %select_n3A_179 : i32
          %dma_wait3A = arith.constant 0 : i32
          %dma_wait3A_184 = arith.constant 0 : i32
          %dma_wait3A_185 = arith.constant 0 : i32
          %dma_wait3A_186 = tpu.memref_slice %run_scoped3A_18[%rem3A_143, %dma_wait3A, %dma_wait3A_184, %dma_wait3A_185] : memref<2x1x1024x32xf32, #tpu.memory_space<vmem>> -> memref<1x1x1024x32xf32, #tpu.memory_space<vmem>>
          %dma_wait3A_187 = tpu.memref_squeeze %dma_wait3A_186 : memref<1x1x1024x32xf32, #tpu.memory_space<vmem>> -> memref<1x1024x32xf32, #tpu.memory_space<vmem>>
          %dma_wait3A_188 = arith.constant 0 : i32
          %dma_wait3A_189 = tpu.memref_slice %arg4[%mul3A_181, %mul3A_183, %dma_wait3A_188] : memref<100x4096x32xf32, #tpu.memory_space<hbm>> -> memref<1x1024x32xf32, #tpu.memory_space<hbm>>
          %dma_wait3A_190 = tpu.memref_slice %run_scoped3A_19[%rem3A_143] : memref<2x!tpu.dma_semaphore, #tpu.memory_space<semaphore_mem>> -> memref<1x!tpu.dma_semaphore, #tpu.memory_space<semaphore_mem>>
          %dma_wait3A_191 = tpu.memref_squeeze %dma_wait3A_190 : memref<1x!tpu.dma_semaphore, #tpu.memory_space<semaphore_mem>> -> memref<!tpu.dma_semaphore, #tpu.memory_space<semaphore_mem>>
          %dma_wait3A_192 = arith.constant 0 : i32
          %dma_wait3A_193 = tpu.memref_slice %arg4[%mul3A_181, %mul3A_183, %dma_wait3A_192] : memref<100x4096x32xf32, #tpu.memory_space<hbm>> -> memref<1x1024x32xf32, #tpu.memory_space<hbm>>
          %dma_wait3A_194 = arith.constant 0 : i32
          %dma_wait3A_195 = arith.constant 0 : i32
          %dma_wait3A_196 = arith.constant 0 : i32
          %dma_wait3A_197 = tpu.memref_slice %run_scoped3A_18[%rem3A_143, %dma_wait3A_194, %dma_wait3A_195, %dma_wait3A_196] : memref<2x1x1024x32xf32, #tpu.memory_space<vmem>> -> memref<1x1x1024x32xf32, #tpu.memory_space<vmem>>
          %dma_wait3A_198 = tpu.memref_squeeze %dma_wait3A_197 : memref<1x1x1024x32xf32, #tpu.memory_space<vmem>> -> memref<1x1024x32xf32, #tpu.memory_space<vmem>>
          tpu.wait_dma2 semaphore(%dma_wait3A_191 : memref<!tpu.dma_semaphore, #tpu.memory_space<semaphore_mem>>) src(%dma_wait3A_198 : memref<1x1024x32xf32, #tpu.memory_space<vmem>>) dst(%dma_wait3A_193 : memref<1x1024x32xf32, #tpu.memory_space<hbm>>)
          "tpu.trace_stop"() : () -> ()
        } else {
        }
      } else {
      }
      tpu.yield
    }) : () -> ()
    return
  }
}

</mosaic_0001>

<sc_bundles>
// kernel: kernel.4.cloned.1.call-start
scs
__scs_entry_jumppad:
0x0: {  	(pc) =	sbr.rel $0x88, $3  }
0x1: {  	(tag) =	ssettag $0x0;
	lr =	simm.s32 $0x1  }
0x2: {  	[smem:$0x3F9F] =	sst lr;
	_ =	strace $0xD0000000  }
0x3: {  	_ = 	snop  }
0x4: {  	_ = 	snop  }
0x5: {  	_ = 	snop  }
0x6: {  	_ = 	snop  }
0x7: {  	_ = 	snop  }
__scs_overlays_trampoline_lowered:
0x8: {  	[smem:$0x3FAE] =	sst s0  }
0x9: {  	[smem:$0x3FAF] =	sst s1  }
0xa: {  	[smem:$0x3FB0] =	sst s2  }
0xb: {  	[smem:$0x3FB1] =	sst s3  }
0xc: {  	[smem:$0x3FB2] =	sst s4  }
0xd: {  	[smem:$0x3FB3] =	sst s5  }
0xe: {  	[smem:$0x3FB4] =	sst s6  }
0xf: {  	[smem:$0x3FB5] =	sst s7  }
0x10: {  	[smem:$0x3FB6] =	sst s8  }
0x11: {  	[smem:$0x3FB7] =	sst s9;
	s0 =	simm.s32 @!p0 $0x0  }
0x12: {  	s1 =	sld [smem:$0x3F9D];
	s0 =	simm.s32 @p0 $0x1  }
0x13: {  	[smem:$0x3FB8] =	sst s0;
	s0 =	simm.s32 @!p1 $0x0  }
0x14: {  	s2 =	sld [smem:$0x3F9C];
	s0 =	simm.s32 @p1 $0x1  }
0x15: {  	[smem:$0x3FB9] =	sst s0;
	s0 =	simm.s32 @!p2 $0x0  }
0x16: {  	s3 =	sld [smem:$0x3FDB];
	s0 =	simm.s32 @p2 $0x1  }
0x17: {  	s4 =	simm.s32 $0x1BF5;
	[smem:$0x3FBB] =	sst s0  }
0x18: {  	s0 =	sld [smem:$0x3F9E];
	_ =	swait.ge [sflag:s4], $0x0  }
0x19: {  	s7 =	sld [smem:$0x3F9F]  }
0x1a: {  	s8 =	sadd.s32 $0xFFFFE003, lr  }
0x1b: {  	s9 =	sadd.s32 $0xFFFFFEF7, lr;
	s5 =	simm.s32 $0xFFFFFFFF;
	p2 =	slt.u32 s8, $0xFFFFF086  }
0x1c: {  	p1 =	slt.u32 s9, $0xF7A;
	s5 =	simm.s32 @!p2 $0x0  }
0x1d: {  	s5 =	simm.s32 @p1 $0x1;
	p0 =	seq.s32 s7, s2  }
0x1e: {  	s7 =	smul.u32 @!p0 $0xF7A, s2;
	p2 =	seq.s32 @!p0 s5, $0x0  }
0x1f: {  	s9 =	smul.u32 $0xF7A, s1;
	s8 =	simm.s32 @!p0 $0x1BF5;
	p2 =	por !p2, p0  }
0x20: {  	[sflag:s8] =	ssyncset.s32 @!p0 $0xFFFFF086;
	s6 =	sadd.s32 @!p0 s3, s7;
	s7 =	simm.s32 @!p0 $0x108  }
0x21: {  	s3 =	sadd.s32 s3, s9;
	s6 =	sadd.s32 @!p0 $0x88, s6;
	s7 =	simm.s32 @p2 $0x1082  }
0x22: {  	[simem:s7], [sflag:s8] =	dma.local @!p0 [hbm:s6], $0xF7A  }
0x23: {  	s9 =	sor.u32 $0xD0000000, s2;
	s6 =	simm.s32 $0x108;
	_ =	swait.ge @!p0 [sflag:s8], $0x0  }
0x24: {  	s3 =	sadd.s32 $0x88, s3;
	s6 =	simm.s32 @!p1 $0x1082;
	[sflag:s4] =	ssyncset.s32 $0xFFFFF086  }
0x25: {  	[simem:s6], [sflag:s4] =	dma.local [hbm:s3], $0xF7A  }
0x26: {  	[smem:$0x3F9F] =	sst s1;
	(tag) =	ssettag s2;
	_ =	strace s9  }
0x27: {  	s1 =	sld [smem:$0x3FAF]  }
0x28: {  	s2 =	sld [smem:$0x3FB0]  }
0x29: {  	s4 =	sld [smem:$0x3FB2]  }
0x2a: {  	p0 =	seq.s32 s5, $0x0;
	s5 =	sld [smem:$0x3FB3]  }
0x2b: {  	s6 =	sld [smem:$0x3FB4]  }
0x2c: {  	s7 =	sld [smem:$0x3FB5]  }
0x2d: {  	s3 =	simm.s32 $0x108;
	s8 =	sld [smem:$0x3FB6]  }
0x2e: {  	s3 =	simm.s32 @!p0 $0x1082;
	s9 =	sld [smem:$0x3FB7]  }
0x2f: {  	lr =	sadd.s32 s0, s3;
	s0 =	sld [smem:$0x3FAE]  }
0x30: {  	s3 =	sld [smem:$0x3FB1]  }
0x31: {  	[smem:$0x3FBA] =	sst s10  }
0x32: {  	s10 =	sld [smem:$0x3FB8];
	_ =	sdelay $0x3  }
0x33: {  	p0 =	seq.s32 s10, $0x1;
	s10 =	sld [smem:$0x3FBA];
	_ =	sdelay $0x3  }
0x34: {  	[smem:$0x3FBA] =	sst s10  }
0x35: {  	s10 =	sld [smem:$0x3FB9];
	_ =	sdelay $0x3  }
0x36: {  	p1 =	seq.s32 s10, $0x1;
	s10 =	sld [smem:$0x3FBA];
	_ =	sdelay $0x3  }
0x37: {  	[smem:$0x3FBA] =	sst s10  }
0x38: {  	s10 =	sld [smem:$0x3FBB]  }
0x39: {  	_ = 	snop;
	(pc) =	sbr.ind lr, $3  }
0x3a: {  	_ = 	snop  }
0x3b: {  	_ = 	snop  }
0x3c: {  	p2 =	seq.s32 s10, $0x1;
	s10 =	sld [smem:$0x3FBA]  }
0x3d: {  	_ =	shalt  }
0x3e: {  	_ =	shalt  }
0x3f: {  	_ =	shalt  }
0x40: {  	_ =	shalt  }
0x41: {  	_ =	shalt  }
0x42: {  	_ =	shalt  }
0x43: {  	_ =	shalt  }
0x44: {  	_ =	shalt  }
0x45: {  	_ =	shalt  }
0x46: {  	_ =	shalt  }
0x47: {  	_ =	shalt  }
0x48: {  	_ =	shalt  }
0x49: {  	_ =	shalt  }
0x4a: {  	_ =	shalt  }
0x4b: {  	_ =	shalt  }
0x4c: {  	_ =	shalt  }
0x4d: {  	_ =	shalt  }
0x4e: {  	_ =	shalt  }
0x4f: {  	_ =	shalt  }
0x50: {  	_ =	shalt  }
0x51: {  	_ =	shalt  }
0x52: {  	_ =	shalt  }
0x53: {  	_ =	shalt  }
0x54: {  	_ =	shalt  }
0x55: {  	_ =	shalt  }
0x56: {  	_ =	shalt  }
0x57: {  	_ =	shalt  }
0x58: {  	_ =	shalt  }
0x59: {  	_ =	shalt  }
0x5a: {  	_ =	shalt  }
0x5b: {  	_ =	shalt  }
0x5c: {  	_ =	shalt  }
0x5d: {  	_ =	shalt  }
0x5e: {  	_ =	shalt  }
0x5f: {  	_ =	shalt  }
0x60: {  	_ =	shalt  }
0x61: {  	_ =	shalt  }
0x62: {  	_ =	shalt  }
0x63: {  	_ =	shalt  }
0x64: {  	_ =	shalt  }
0x65: {  	_ =	shalt  }
0x66: {  	_ =	shalt  }
0x67: {  	_ =	shalt  }
0x68: {  	_ =	shalt  }
0x69: {  	_ =	shalt  }
0x6a: {  	_ =	shalt  }
0x6b: {  	_ =	shalt  }
0x6c: {  	_ =	shalt  }
0x6d: {  	_ =	shalt  }
0x6e: {  	_ =	shalt  }
0x6f: {  	_ =	shalt  }
0x70: {  	_ =	shalt  }
0x71: {  	_ =	shalt  }
0x72: {  	_ =	shalt  }
0x73: {  	_ =	shalt  }
0x74: {  	_ =	shalt  }
0x75: {  	_ =	shalt  }
0x76: {  	_ =	shalt  }
0x77: {  	_ =	shalt  }
0x78: {  	_ =	shalt  }
0x79: {  	_ =	shalt  }
0x7a: {  	_ =	shalt  }
0x7b: {  	_ =	shalt  }
0x7c: {  	_ =	shalt  }
0x7d: {  	_ =	shalt  }
0x7e: {  	_ =	shalt  }
0x7f: {  	_ =	shalt  }
0x80: {  	_ =	shalt  }
0x81: {  	_ =	shalt  }
0x82: {  	_ =	shalt  }
0x83: {  	_ =	shalt  }
0x84: {  	_ =	shalt  }
0x85: {  	_ =	shalt  }
0x86: {  	_ =	shalt  }
0x87: {  	_ =	shalt  }
.Lfunc_end0:
.L_simem_size_0:
called_computation.2_lowered:
.L_overlay_start_0:
0x88: {  	s2 =	sld [smem:$0x3FD9]  }
0x89: {  	s3 =	sld [smem:$0x3FFE];
	_ =	sdelay $0x1  }
0x8a: {  	s1 =	srdreg.scid  }
0x8b: {  	s0 =	sand.u32 $0x1, s1  }
0x8c: {  	s17 =	sshll.u32 s0, $0xA;
	s2 =	sadd.s32 s3, s2  }
0x8d: {  	s2 =	sadd.s32 s2, s17  }
0x8e: {  	[smem:$0x3FC6] =	sst s2  }
0x8f: {  	_ = 	snop  }
0x90: {  	s18 =	sld [smem:$0x3FD0];
	(tm) =	ssettm $0x1  }
0x91: {  	s19 =	sld [smem:$0x3FFB];
	_ =	sdelay $0x3  }
0x92: {  	_ =	strace s19  }
0x93: {  	s2 =	sld [smem:$0x3FFC];
	_ =	sdelay $0x3  }
0x94: {  	_ =	strace s2  }
0x95: {  	s2 =	sld [smem:$0x3FFD];
	_ =	sdelay $0x3  }
0x96: {  	_ =	strace s2  }
0x97: {  	_ =	strace $0x8FFFFFFF  }
0x98: {  	s20 =	sld [smem:$0x3FDB];
	_ =	sdelay $0x1  }
0x99: {  	s4 =	simm.s32 $_scs_section_size  }
0x9a: {  	s5 =	simm.s32 $_size__tile_overlayer_lowered;
	s6 =	simm.s32 $_tile_overlayer_lowered  }
0x9b: {  	s7 =	simm.s32 $0x1BFF;
	s21 =	sshll.u32 s6, $0x1;
	s4 =	sadd.s32 s4, s20  }
0x9c: {  	s22 =	simm.s32 $0x0;
	s5 =	sshll.u32 s5, $0x1;
	s6 =	sadd.s32 s21, s4  }
0x9d: {  	[timem:s22], [sflag:s7] =	dma.local [hbm:s6], s5  }
0x9e: {  	_ =	swait.ge [sflag:s7], s5  }
0x9f: {  	s5 =	ssub.s32 $0x0, s5;
	[sflag:s7] =	ssyncset.done $0x0  }
0xa0: {  	[sflag:s7] =	ssyncadd.s32 s5;
	_ =	sdelay $0x1  }
0xa1: {  	s23 =	simm.s32 $0x1B8B  }
0xa2: {  	_ =	swait.ge [sflag:s23], $0x1  }
0xa3: {  	[sflag:s23] =	ssyncset.done $0x0  }
0xa4: {  	[sflag:s23] =	ssyncadd.s32 $0xFFFFFFFF  }
0xa5: {  	s5 =	sld [smem:$0x0]  }
0xa6: {  	s6 =	sand.u32 $0xFFFFFFFE, s1  }
0xa7: {  	p0 =	sne.s32 s1, s6  }
0xa8: {  	s6 =	sshll.u32 @p0 s6, $0xE  }
0xa9: {  	s6 =	sadd.s32 @p0 $0x11B8D, s6;
	s7 =	sshll.u32 @p0 s5, $0x11  }
0xaa: {  	s6 =	sor.u32 @p0 s7, s6  }
0xab: {  	[sflag:s6] =	ssyncadd.remote.s32 @p0 $0x1;
	_ =	sdelay $0x1  }
0xac: {  	s6 =	simm.s32 @p0 $0x1B8D  }
0xad: {  	_ =	swait.eq @p0 [sflag:s6], $0x1  }
0xae: {  	[sflag:s6] =	ssyncadd.s32 @p0 $0xFFFFFFFF  }
0xaf: {  	s7 =	sshll.u32 @!p0 s1, $0xE  }
0xb0: {  	s7 =	sor.u32 @!p0 $0x4000, s7;
	s6 =	simm.s32 @!p0 $0x1B8D  }
0xb1: {  	s5 =	sshll.u32 @!p0 s5, $0x11;
	s7 =	sadd.s32 @!p0 $0x11B8D, s7;
	_ =	swait.eq @!p0 [sflag:s6], $0x1  }
0xb2: {  	s5 =	sor.u32 @!p0 s5, s7;
	[sflag:s6] =	ssyncadd.s32 @!p0 $0xFFFFFFFF  }
0xb3: {  	s25 =	simm.s32 $0x1B8E;
	s24 =	sld [smem:$0x3FFE];
	[sflag:s5] =	ssyncadd.remote.s32 @!p0 $0x1  }
0xb4: {  	s26 =	simm.s32 $execute0_lowered;
	[smem:$0x3FD2] =	sst s25  }
0xb5: {  	s6 =	sshll.u32 s26, $0x1;
	_ =	strace $0x80000050;
	[dreg:$0x1] =	wrdreg $0xFFFFFFFF  }
0xb6: {  	s28 =	simm.s32 $_size_execute0_lowered;
	s4 =	sadd.s32 s4, s6;
	[dreg:$0x0] =	wrdreg $0x0  }
0xb7: {  	s6 =	sshll.u32 s28, $0x1;
	[dreg:$0x2] =	wrdreg s4  }
0xb8: {  	[dreg:$0x3] =	wrdreg s6  }
0xb9: {  	[dreg:$0x4] =	wrdreg $0xC0  }
0xba: {  	_ =	task [dreg:s22], $0x5FFFF  }
0xbb: {  	[dreg:$0x1] =	wrdreg $0xFFFFFFFF  }
0xbc: {  	[dreg:$0x0] =	wrdreg $0x60  }
0xbd: {  	[dreg:$0x2] =	wrdreg s24  }
0xbe: {  	[dreg:$0x3] =	wrdreg s18  }
0xbf: {  	[dreg:$0x4] =	wrdreg $0xA  }
0xc0: {  	_ =	task.clear_ibuf [dreg:s22], $0x5FFFF;
	_ =	strace $0x90000050  }
0xc1: {  	s29 =	simm.s32 $0xA;
	_ =	strace $0x80000059  }
0xc2: {  	_ =	swait.ge [sflag:s29], $0x1  }
0xc3: {  	[sflag:s29] =	ssyncadd.s32 $0xFFFFFFFF  }
0xc4: {  	_ =	strace $0x90000059  }
0xc5: {  	_ =	sfence  }
0xc6: {  	s30 =	sld [smem:$0x0];
	_ =	sdelay $0x2  }
0xc7: {  	s31 =	sshll.u32 s1, $0xD;
	s1 =	sshrl.u32 s1, $0x2  }
0xc8: {  	s4 =	sand.u32 $0x4000, s31;
	s1 =	sadd.s32 s1, s30  }
0xc9: {  	s0 =	sor.u32 s4, s0;
	s1 =	sshll.u32 s1, $0x11  }
0xca: {  	s0 =	sor.u32 s1, s0  }
0xcb: {  	s0 =	sadd.s32 $0x8F2B, s0  }
0xcc: {  	[sflag:s0] =	ssyncadd.remote.s32 $0x1  }
0xcd: {  	_ =	sfence.sel $0xFFFF  }
0xce: {  	[dreg:$0x0] =	wrdreg $0xFFFFFFFF;
	(pc) =	sbr.abs _section_cstart, $3  }
0xcf: {  	[dreg:$0x1] =	wrdreg $0xFFFFFFFF  }
0xd0: {  	_ =	task.clear_ibuf [dreg:s22], $0x2FFFF;
	_ =	strace $0x9FFFFFFF  }
0xd1: {  	(tm) =	ssettm $0x7FFFFFFF  }
tec
execute0_lowered:
.L_overlay_start_1:
0x0: {  	(tag) =	ssettag $0x1  }
0x1: {  	s0 =	srdreg.scid  }
0x2: {  	s6 =	rddreg [dreg:$0x0];
	s9 =	sand.u32 $0x1, s0  }
0x3: {  	s2 =	rddreg [dreg:$0x1];
	s0 =	stileid.u32;
	s1 =	sshll.u32 s9, $0x4  }
0x4: {  	s3 =	simm.s32 $0x0;
	s12 =	simm.s32 $0x5;
	s4 =	sor.u32 s0, s1  }
0x5: {  	s13 =	simm.s32 $0x0;
	[smem:$0x7FF] =	sst s3;
	s5 =	smul.u32 $0xC, s4  }
0x6: {  	p0 =	seq.s32 s9, $0x0;
	s8 =	ssub.s32 $0x2, s9;
	s7 =	smul.u32 $0xD, s4  }
0x7: {  	s1 =	rddreg [dreg:$0x2];
	s30 =	sshrl.u32 s8, $0x1;
	s4 =	sadd.s32 $0x10, s5  }
0x8: {  	_ =	strace $0x80000051;
	s11 =	ssub.s32 s8, s30;
	s4 =	smov.u32 @p0 s7  }
0x9: {  	s5 =	sadd.s32 $0xF43800, s6;
	s6 =	sadd.s32 $0xDC00, s6;
	s10 =	sshll.u32 s4, $0x7  }
0xa: {  	s7 =	sxor.u32 $0xD, s9;
	s9 =	ssub.s32 $0xC, s9;
	s31 =	sand.u32 $0x1FFFFF80, s10  }
0xb: {  	s10 =	smax.u32 s11, $0x1;
	s11 =	simm.s32 $0x400;
	s8 =	sadd.s32 s6, s31  }
.LBB2_1:
0xc: {  	_ =	strace $0x80000052;
	s22 =	simm.s32 $0x0  }
0xd: {  	s14 =	simm.s32 $0x0;
	s15 =	simm.s32 $0x0;
	s16 =	simm.s32 $0x0  }
0xe: {  	[tilespmem:s3], [sflag:$0x1] =	stream.linear.gather [hbm4b:s8+s3], $0x400, $0x200038;
	[tilespmem:$0x10800] =	vst v63  }
0xf: {  	s17 =	simm.s32 $0x1;
	s18 =	simm.s32 $0x0;
	_ =	strace $0x90000052  }
.LBB2_2:
0x10: {  	s19 =	sadd.s32 $0x1, s22  }
0x11: {  	p0 =	seq.s32 s19, s7  }
0x12: {  	p1 =	slt.u32 s18, s9;
	s19 =	simm.s32 @p0 $0x0  }
0x13: {  	s23 =	sadd.s32 $0xFFFFFFFF, s22;
	p2 =	seq.s32 s22, $0x0;
	p0 =	sne.s32 s22, s19  }
0x14: {  	s23 =	smov.u32 @p2 s9;
	p2 =	seq.s32 s18, $0x0;
	p1 =	por !p1, !p0  }
0x15: {  	p3 =	seq.s32 @!p2 s22, s23;
	s20 =	sadd.s32 s4, s19;
	p1 =	por !p1, !p1  }
0x16: {  	p2 =	por p2, !p3;
	_ =	strace @p1 $0x80000053;
	s24 =	sshll.u32 @p1 s20, $0x7  }
0x17: {  	s21 =	sand.u32 @p1 $0x1, s17;
	s26 =	simm.s32 @p1 $0x0;
	s24 =	sand.u32 @p1 $0x1FFFFF80, s24  }
0x18: {  	s25 =	sshll.u32 @p1 s21, $0xA;
	s21 =	sadd.s32 @p1 $0x1, s21;
	s24 =	sadd.s32 @p1 s6, s24  }
0x19: {  	[tilespmem:s25], [sflag:s21] =	stream.linear.gather @p1 [hbm4b:s24+s26], $0x400, $0x200038;
	[tilespmem:$0x10800] =	vst v63  }
0x1a: {  	s21 =	sand.u32 @p2 $0x1, s16;
	_ =	strace @p1 $0x90000053  }
0x1b: {  	s21 =	sadd.s32 @p2 $0x1, s21;
	_ =	strace @p2 $0x80000054  }
0x1c: {  	s23 =	sadd.s32 s4, s23;
	_ =	swait.ge @p2 [sflag:s21], $0x400  }
0x1d: {  	s31 =	sshra.s32 s23, $0x1F;
	s24 =	sadd.s32 s4, s22;
	[sflag:s21] =	ssyncset.done @p2 $0x0  }
0x1e: {  	s26 =	sshll.u32 s16, $0xA;
	[sflag:s21] =	ssyncadd.s32 @p2 $0xFFFFFC00;
	s21 =	sand.u32 $0x1, s15  }
0x1f: {  	s28 =	sshra.s32 s24, $0x1F;
	_ =	strace @p2 $0x90000054;
	s25 =	sshll.u32 s21, $0xF  }
0x20: {  	_ =	strace $0x80000055;
	s22 =	sor.u32 $0x800, s25;
	s25 =	sand.u32 $0x400, s26  }
0x21: {  	[tilespmem:s22], [sflag:$0x5] =	stream.indirect.gather [hbm4b:s5+s11], $0x20, s25, s11, $0x2000b8;
	[tilespmem:$0x10800] =	vst v63  }
0x22: {  	p4 =	slt.s32 s20, $0x1;
	p5 =	slt.s32 s24, $0x1;
	s25 =	sshrl.u32 s28, $0x1E  }
0x23: {  	s28 =	sshra.s32 s20, $0x1F;
	_ =	swait.ge [sflag:s12], $0x8000;
	s25 =	sadd.s32 s25, s24  }
0x24: {  	s30 =	sshrl.u32 s28, $0x1E;
	s28 =	simm.s32 $0x1;
	[sflag:s12] =	ssyncset.done $0x0  }
0x25: {  	s29 =	sand.u32 $0xFFFFFFFC, s25;
	s25 =	sshra.s32 s25, $0x2;
	s26 =	sadd.s32 s30, s20  }
0x26: {  	p6 =	sne.s32 s24, s29;
	s29 =	sand.u32 $0xFFFFFFFC, s26;
	s26 =	sshra.s32 s26, $0x2  }
0x27: {  	[sflag:s12] =	ssyncadd.s32 $0xFFFF8000;
	s24 =	sand.u32 $0x3, s24;
	p2 =	por !p5, !p6  }
0x28: {  	p5 =	sne.s32 s20, s29;
	s29 =	simm.s32 $0x1;
	p2 =	por !p2, !p2  }
0x29: {  	_ =	strace $0x90000055;
	s20 =	sand.u32 $0x3, s20;
	s28 =	simm.s32 @!p2 $0x0  }
0x2a: {  	p2 =	por !p4, !p5;
	s25 =	ssub.s32 s25, s28;
	s28 =	sshrl.u32 s31, $0x1E  }
0x2b: {  	p4 =	slt.s32 s23, $0x1;
	p2 =	por !p2, !p2;
	s28 =	sadd.s32 s28, s23  }
0x2c: {  	s29 =	simm.s32 @!p2 $0x0;
	p2 =	seq.s32 s9, s18;
	s30 =	sand.u32 $0xFFFFFFFC, s28  }
0x2d: {  	s26 =	ssub.s32 s26, s29;
	s31 =	sshra.s32 s28, $0x2;
	p6 =	sne.s32 s23, s30  }
0x2e: {  	p5 =	sne.s32 s25, s26;
	p3 =	por !p4, !p6;
	p6 =	sne.s32 s24, s20  }
0x2f: {  	p0 =	por p2, p0;
	s23 =	sand.u32 $0x3, s23;
	p4 =	por p6, p5  }
0x30: {  	s20 =	simm.s32 $0x1;
	p5 =	por !p3, !p3;
	p3 =	por p2, p4  }
0x31: {  	p6 =	sne.s32 s24, s23;
	s20 =	simm.s32 @!p5 $0x0;
	s28 =	sshll.u32 @p3 s25, $0x11  }
0x32: {  	s20 =	ssub.s32 s31, s20;
	s26 =	sshll.u32 @p3 s24, $0xF;
	_ =	strace @p3 $0x80000056  }
0x33: {  	s21 =	sadd.s32 @p3 $0x3, s21;
	p5 =	sne.s32 s25, s20;
	s20 =	sor.u32 @p3 s26, s28  }
0x34: {  	p4 =	por p6, p5;
	p6 =	sne.s32 s18, $0x0;
	s20 =	sshrl.u32 @p3 s20, $0x3  }
0x35: {  	s23 =	simm.s32 @p3 $0x0;
	p4 =	por !p6, !p4;
	s20 =	sadd.s32 @p3 s2, s20  }
0x36: {  	[hbm4b:s20+s23] =	stream.linear.scatter @p3 [tilespmem:s22], [sflag:s21], $0x8000, $0x200038;
	[tilespmem:$0x10800] =	vst v63  }
0x37: {  	s18 =	sadd.s32 $0x1, s18;
	p4 =	por !p4, !p4;
	s21 =	simm.s32 $0x1  }
0x38: {  	_ =	strace @p3 $0x90000056;
	s20 =	sand.u32 @p4 $0x1, s14;
	s21 =	simm.s32 @!p1 $0x0  }
0x39: {  	_ =	strace @p4 $0x80000057;
	s17 =	sadd.s32 s21, s17;
	s21 =	simm.s32 $0x1  }
0x3a: {  	s20 =	sadd.s32 @p4 $0x3, s20;
	s21 =	simm.s32 @!p0 $0x0;
	p0 =	sne.s32 s7, s18  }
.Ltmp0:
0x3b: {  	_ =	swait.ge @p4 [sflag:s20], $0x8000;
	(pc) =	sbr.rel @p0 .LBB2_2-.Ltmp0, $4  }
0x3c: {  	s22 =	simm.s32 $0x1;
	[sflag:s20] =	ssyncset.done @p4 $0x0  }
0x3d: {  	s22 =	simm.s32 @!p3 $0x0;
	[sflag:s20] =	ssyncadd.s32 @p4 $0xFFFF8000;
	s20 =	simm.s32 $0x1  }
0x3e: {  	s15 =	sadd.s32 s22, s15;
	s22 =	smov.u32 s19;
	s20 =	simm.s32 @!p4 $0x0  }
0x3f: {  	s16 =	sadd.s32 s21, s16;
	_ =	strace @p4 $0x90000057;
	s14 =	sadd.s32 s20, s14  }
0x40: {  	s13 =	sadd.s32 $0x1, s13  }
0x41: {  	s14 =	sand.u32 $0x1, s14;
	p0 =	sne.s32 s13, s10  }
.Ltmp1:
0x42: {  	_ =	strace $0x80000058;
	s14 =	sadd.s32 $0x3, s14;
	(pc) =	sbr.rel @p0 .LBB2_1-.Ltmp1, $4  }
0x43: {  	_ =	swait.ge [sflag:s14], $0x8000  }
0x44: {  	[sflag:s14] =	ssyncset.done $0x0  }
0x45: {  	[sflag:s14] =	ssyncadd.s32 $0xFFFF8000  }
0x46: {  	_ =	strace $0x90000058  }
0x47: {  	_ =	sfence.sel $0x180000  }
0x48: {  	[bflag:$0x0] =	sbarrier.arrive $0xFFFF  }
0x49: {  	p0 =	sne.s32 s0, $0x0;
	_ =	strace $0x90000051  }
0x4a: {  	s0 =	sadd.s32 @!p0 $0x100000, s1;
	[bflag:$0x2] =	sbarrier.arrive $0xFFFF  }
0x4b: {  	[sflag:s0] =	ssyncadd.tile.s32 @!p0 $0x1;
	_ =	shalt  }
.Lfunc_end2:
_tile_overlayer_lowered:
.L_overlay_start_2:
0x4c: {  	(tag) =	ssettag $0x2  }
0x4d: {  	s0 =	rddreg [dreg:$0x0];
	s2 =	stileid.u32  }
0x4e: {  	s1 =	rddreg [dreg:$0x1];
	p0 =	sne.s32 s2, $0x0  }
0x4f: {  	s3 =	rddreg [dreg:$0x2];
	[bflag:$0x3] =	sbarrier.arrive $0xFFFF;
	s2 =	simm.s32 @!p0 $0x1C01  }
0x50: {  	[timem:s3], [sflag:s2] =	dma.local @!p0 [hbm:s0], s1  }
0x51: {  	s0 =	simm.s32 @!p0 $0x1  }
0x52: {  	_ =	swait.ge @!p0 [sflag:s0], s1  }
0x53: {  	s1 =	ssub.s32 @!p0 $0x0, s1;
	[sflag:s0] =	ssyncset.done @!p0 $0x0  }
0x54: {  	[sflag:s0] =	ssyncadd.s32 @!p0 s1  }
0x55: {  	[bflag:$0x3] =	sbarrier.arrive $0xFFFF  }
0x56: {  	_ =	shalt  }

// kernel: kernel.7.cloned.1.call-start
scs
__scs_entry_jumppad:
0x0: {  	(pc) =	sbr.rel $0x88, $3  }
0x1: {  	(tag) =	ssettag $0x0;
	lr =	simm.s32 $0x1  }
0x2: {  	[smem:$0x3F9F] =	sst lr;
	_ =	strace $0xD0000000  }
0x3: {  	_ = 	snop  }
0x4: {  	_ = 	snop  }
0x5: {  	_ = 	snop  }
0x6: {  	_ = 	snop  }
0x7: {  	_ = 	snop  }
__scs_overlays_trampoline_lowered:
0x8: {  	[smem:$0x3FAE] =	sst s0  }
0x9: {  	[smem:$0x3FAF] =	sst s1  }
0xa: {  	[smem:$0x3FB0] =	sst s2  }
0xb: {  	[smem:$0x3FB1] =	sst s3  }
0xc: {  	[smem:$0x3FB2] =	sst s4  }
0xd: {  	[smem:$0x3FB3] =	sst s5  }
0xe: {  	[smem:$0x3FB4] =	sst s6  }
0xf: {  	[smem:$0x3FB5] =	sst s7  }
0x10: {  	[smem:$0x3FB6] =	sst s8  }
0x11: {  	[smem:$0x3FB7] =	sst s9;
	s0 =	simm.s32 @!p0 $0x0  }
0x12: {  	s1 =	sld [smem:$0x3F9D];
	s0 =	simm.s32 @p0 $0x1  }
0x13: {  	[smem:$0x3FB8] =	sst s0;
	s0 =	simm.s32 @!p1 $0x0  }
0x14: {  	s2 =	sld [smem:$0x3F9C];
	s0 =	simm.s32 @p1 $0x1  }
0x15: {  	[smem:$0x3FB9] =	sst s0;
	s0 =	simm.s32 @!p2 $0x0  }
0x16: {  	s3 =	sld [smem:$0x3FDB];
	s0 =	simm.s32 @p2 $0x1  }
0x17: {  	s4 =	simm.s32 $0x1BF5;
	[smem:$0x3FBB] =	sst s0  }
0x18: {  	s0 =	sld [smem:$0x3F9E];
	_ =	swait.ge [sflag:s4], $0x0  }
0x19: {  	s7 =	sld [smem:$0x3F9F]  }
0x1a: {  	s8 =	sadd.s32 $0xFFFFE003, lr  }
0x1b: {  	s9 =	sadd.s32 $0xFFFFFEF7, lr;
	s5 =	simm.s32 $0xFFFFFFFF;
	p2 =	slt.u32 s8, $0xFFFFF086  }
0x1c: {  	p1 =	slt.u32 s9, $0xF7A;
	s5 =	simm.s32 @!p2 $0x0  }
0x1d: {  	s5 =	simm.s32 @p1 $0x1;
	p0 =	seq.s32 s7, s2  }
0x1e: {  	s7 =	smul.u32 @!p0 $0xF7A, s2;
	p2 =	seq.s32 @!p0 s5, $0x0  }
0x1f: {  	s9 =	smul.u32 $0xF7A, s1;
	s8 =	simm.s32 @!p0 $0x1BF5;
	p2 =	por !p2, p0  }
0x20: {  	[sflag:s8] =	ssyncset.s32 @!p0 $0xFFFFF086;
	s6 =	sadd.s32 @!p0 s3, s7;
	s7 =	simm.s32 @!p0 $0x108  }
0x21: {  	s3 =	sadd.s32 s3, s9;
	s6 =	sadd.s32 @!p0 $0x88, s6;
	s7 =	simm.s32 @p2 $0x1082  }
0x22: {  	[simem:s7], [sflag:s8] =	dma.local @!p0 [hbm:s6], $0xF7A  }
0x23: {  	s9 =	sor.u32 $0xD0000000, s2;
	s6 =	simm.s32 $0x108;
	_ =	swait.ge @!p0 [sflag:s8], $0x0  }
0x24: {  	s3 =	sadd.s32 $0x88, s3;
	s6 =	simm.s32 @!p1 $0x1082;
	[sflag:s4] =	ssyncset.s32 $0xFFFFF086  }
0x25: {  	[simem:s6], [sflag:s4] =	dma.local [hbm:s3], $0xF7A  }
0x26: {  	[smem:$0x3F9F] =	sst s1;
	(tag) =	ssettag s2;
	_ =	strace s9  }
0x27: {  	s1 =	sld [smem:$0x3FAF]  }
0x28: {  	s2 =	sld [smem:$0x3FB0]  }
0x29: {  	s4 =	sld [smem:$0x3FB2]  }
0x2a: {  	p0 =	seq.s32 s5, $0x0;
	s5 =	sld [smem:$0x3FB3]  }
0x2b: {  	s6 =	sld [smem:$0x3FB4]  }
0x2c: {  	s7 =	sld [smem:$0x3FB5]  }
0x2d: {  	s3 =	simm.s32 $0x108;
	s8 =	sld [smem:$0x3FB6]  }
0x2e: {  	s3 =	simm.s32 @!p0 $0x1082;
	s9 =	sld [smem:$0x3FB7]  }
0x2f: {  	lr =	sadd.s32 s0, s3;
	s0 =	sld [smem:$0x3FAE]  }
0x30: {  	s3 =	sld [smem:$0x3FB1]  }
0x31: {  	[smem:$0x3FBA] =	sst s10  }
0x32: {  	s10 =	sld [smem:$0x3FB8];
	_ =	sdelay $0x3  }
0x33: {  	p0 =	seq.s32 s10, $0x1;
	s10 =	sld [smem:$0x3FBA];
	_ =	sdelay $0x3  }
0x34: {  	[smem:$0x3FBA] =	sst s10  }
0x35: {  	s10 =	sld [smem:$0x3FB9];
	_ =	sdelay $0x3  }
0x36: {  	p1 =	seq.s32 s10, $0x1;
	s10 =	sld [smem:$0x3FBA];
	_ =	sdelay $0x3  }
0x37: {  	[smem:$0x3FBA] =	sst s10  }
0x38: {  	s10 =	sld [smem:$0x3FBB]  }
0x39: {  	_ = 	snop;
	(pc) =	sbr.ind lr, $3  }
0x3a: {  	_ = 	snop  }
0x3b: {  	_ = 	snop  }
0x3c: {  	p2 =	seq.s32 s10, $0x1;
	s10 =	sld [smem:$0x3FBA]  }
0x3d: {  	_ =	shalt  }
0x3e: {  	_ =	shalt  }
0x3f: {  	_ =	shalt  }
0x40: {  	_ =	shalt  }
0x41: {  	_ =	shalt  }
0x42: {  	_ =	shalt  }
0x43: {  	_ =	shalt  }
0x44: {  	_ =	shalt  }
0x45: {  	_ =	shalt  }
0x46: {  	_ =	shalt  }
0x47: {  	_ =	shalt  }
0x48: {  	_ =	shalt  }
0x49: {  	_ =	shalt  }
0x4a: {  	_ =	shalt  }
0x4b: {  	_ =	shalt  }
0x4c: {  	_ =	shalt  }
0x4d: {  	_ =	shalt  }
0x4e: {  	_ =	shalt  }
0x4f: {  	_ =	shalt  }
0x50: {  	_ =	shalt  }
0x51: {  	_ =	shalt  }
0x52: {  	_ =	shalt  }
0x53: {  	_ =	shalt  }
0x54: {  	_ =	shalt  }
0x55: {  	_ =	shalt  }
0x56: {  	_ =	shalt  }
0x57: {  	_ =	shalt  }
0x58: {  	_ =	shalt  }
0x59: {  	_ =	shalt  }
0x5a: {  	_ =	shalt  }
0x5b: {  	_ =	shalt  }
0x5c: {  	_ =	shalt  }
0x5d: {  	_ =	shalt  }
0x5e: {  	_ =	shalt  }
0x5f: {  	_ =	shalt  }
0x60: {  	_ =	shalt  }
0x61: {  	_ =	shalt  }
0x62: {  	_ =	shalt  }
0x63: {  	_ =	shalt  }
0x64: {  	_ =	shalt  }
0x65: {  	_ =	shalt  }
0x66: {  	_ =	shalt  }
0x67: {  	_ =	shalt  }
0x68: {  	_ =	shalt  }
0x69: {  	_ =	shalt  }
0x6a: {  	_ =	shalt  }
0x6b: {  	_ =	shalt  }
0x6c: {  	_ =	shalt  }
0x6d: {  	_ =	shalt  }
0x6e: {  	_ =	shalt  }
0x6f: {  	_ =	shalt  }
0x70: {  	_ =	shalt  }
0x71: {  	_ =	shalt  }
0x72: {  	_ =	shalt  }
0x73: {  	_ =	shalt  }
0x74: {  	_ =	shalt  }
0x75: {  	_ =	shalt  }
0x76: {  	_ =	shalt  }
0x77: {  	_ =	shalt  }
0x78: {  	_ =	shalt  }
0x79: {  	_ =	shalt  }
0x7a: {  	_ =	shalt  }
0x7b: {  	_ =	shalt  }
0x7c: {  	_ =	shalt  }
0x7d: {  	_ =	shalt  }
0x7e: {  	_ =	shalt  }
0x7f: {  	_ =	shalt  }
0x80: {  	_ =	shalt  }
0x81: {  	_ =	shalt  }
0x82: {  	_ =	shalt  }
0x83: {  	_ =	shalt  }
0x84: {  	_ =	shalt  }
0x85: {  	_ =	shalt  }
0x86: {  	_ =	shalt  }
0x87: {  	_ =	shalt  }
.Lfunc_end0:
.L_simem_size_0:
called_computation.3_lowered:
.L_overlay_start_0:
0x88: {  	s2 =	sld [smem:$0x3FD9]  }
0x89: {  	s3 =	sld [smem:$0x3FFE];
	_ =	sdelay $0x1  }
0x8a: {  	s1 =	srdreg.scid  }
0x8b: {  	s0 =	sand.u32 $0x1, s1  }
0x8c: {  	s16 =	sshll.u32 s0, $0xA;
	s2 =	sadd.s32 s3, s2  }
0x8d: {  	s2 =	sadd.s32 s2, s16  }
0x8e: {  	[smem:$0x3FC6] =	sst s2  }
0x8f: {  	_ = 	snop  }
0x90: {  	(tm) =	ssettm $0x1  }
0x91: {  	s17 =	sld [smem:$0x3FFB];
	_ =	sdelay $0x3  }
0x92: {  	_ =	strace s17  }
0x93: {  	s2 =	sld [smem:$0x3FFC];
	_ =	sdelay $0x3  }
0x94: {  	_ =	strace s2  }
0x95: {  	s2 =	sld [smem:$0x3FFD];
	_ =	sdelay $0x3  }
0x96: {  	_ =	strace s2  }
0x97: {  	_ =	strace $0x8FFFFFFF  }
0x98: {  	s18 =	sld [smem:$0x3FDB];
	_ =	sdelay $0x1  }
0x99: {  	s19 =	simm.s32 $_scs_section_size  }
0x9a: {  	s4 =	simm.s32 $_size__tile_overlayer_lowered;
	s5 =	simm.s32 $_tile_overlayer_lowered  }
0x9b: {  	s22 =	simm.s32 $0x1BFF;
	s21 =	sshll.u32 s5, $0x1;
	s2 =	sadd.s32 s19, s18  }
0x9c: {  	s6 =	simm.s32 $0x0;
	s20 =	sshll.u32 s4, $0x1;
	s4 =	sadd.s32 s21, s2  }
0x9d: {  	[timem:s6], [sflag:s22] =	dma.local [hbm:s4], s20  }
0x9e: {  	_ =	swait.ge [sflag:s22], s20  }
0x9f: {  	s3 =	ssub.s32 $0x0, s20;
	[sflag:s22] =	ssyncset.done $0x0  }
0xa0: {  	[sflag:s22] =	ssyncadd.s32 s3;
	_ =	sdelay $0x1  }
0xa1: {  	s23 =	simm.s32 $0x1B8B  }
0xa2: {  	_ =	swait.ge [sflag:s23], $0x1  }
0xa3: {  	[sflag:s23] =	ssyncset.done $0x0  }
0xa4: {  	s25 =	simm.s32 $0x1B8E;
	s24 =	sld [smem:$0x3FFE];
	[sflag:s23] =	ssyncadd.s32 $0xFFFFFFFF  }
0xa5: {  	s26 =	simm.s32 $execute0_lowered;
	[smem:$0x3FD2] =	sst s25  }
0xa6: {  	s4 =	sshll.u32 s26, $0x1;
	_ =	strace $0x80000046;
	[dreg:$0x1] =	wrdreg $0xFFFFFFFF  }
0xa7: {  	s28 =	simm.s32 $_size_execute0_lowered;
	s2 =	sadd.s32 s2, s4;
	[dreg:$0x0] =	wrdreg $0x0  }
0xa8: {  	s4 =	sshll.u32 s28, $0x1;
	[dreg:$0x2] =	wrdreg s2  }
0xa9: {  	[dreg:$0x3] =	wrdreg s4  }
0xaa: {  	[dreg:$0x4] =	wrdreg $0xC0  }
0xab: {  	_ =	task [dreg:s6], $0x5FFFF  }
0xac: {  	[dreg:$0x1] =	wrdreg $0xFFFFFFFF  }
0xad: {  	[dreg:$0x0] =	wrdreg $0x60  }
0xae: {  	[dreg:$0x2] =	wrdreg s24  }
0xaf: {  	[dreg:$0x3] =	wrdreg $0x9  }
0xb0: {  	_ =	task.clear_ibuf [dreg:s6], $0x4FFFF;
	_ =	strace $0x90000046  }
0xb1: {  	s29 =	simm.s32 $0x9;
	_ =	strace $0x8000004F  }
0xb2: {  	_ =	swait.ge [sflag:s29], $0x1  }
0xb3: {  	[sflag:s29] =	ssyncadd.s32 $0xFFFFFFFF  }
0xb4: {  	_ =	strace $0x9000004F  }
0xb5: {  	_ =	sfence  }
0xb6: {  	s30 =	sld [smem:$0x0];
	_ =	sdelay $0x2  }
0xb7: {  	s31 =	sshll.u32 s1, $0xD;
	s1 =	sshrl.u32 s1, $0x2  }
0xb8: {  	s3 =	sand.u32 $0x4000, s31;
	s1 =	sadd.s32 s1, s30  }
0xb9: {  	s0 =	sor.u32 s3, s0;
	s1 =	sshll.u32 s1, $0x11  }
0xba: {  	s0 =	sor.u32 s1, s0  }
0xbb: {  	s0 =	sadd.s32 $0x8F2B, s0  }
0xbc: {  	[sflag:s0] =	ssyncadd.remote.s32 $0x1  }
0xbd: {  	_ =	sfence.sel $0xFFFF  }
0xbe: {  	[dreg:$0x0] =	wrdreg $0xFFFFFFFF;
	(pc) =	sbr.abs _section_cstart, $3  }
0xbf: {  	[dreg:$0x1] =	wrdreg $0xFFFFFFFF  }
0xc0: {  	_ =	task.clear_ibuf [dreg:s6], $0x2FFFF;
	_ =	strace $0x9FFFFFFF  }
0xc1: {  	(tm) =	ssettm $0x7FFFFFFF  }
tec
execute0_lowered:
.L_overlay_start_1:
0x0: {  	(tag) =	ssettag $0x1  }
0x1: {  	s0 =	srdreg.scid  }
0x2: {  	s6 =	rddreg [dreg:$0x0];
	s9 =	sand.u32 $0x1, s0  }
0x3: {  	s1 =	stileid.u32;
	s2 =	simm.s32 $0x0;
	s3 =	sshll.u32 s9, $0x4  }
0x4: {  	s12 =	simm.s32 $0x5;
	s0 =	rddreg [dreg:$0x1];
	s3 =	sor.u32 s1, s3  }
0x5: {  	s13 =	simm.s32 $0x0;
	[smem:$0x7FF] =	sst s2;
	s4 =	smul.u32 $0xC, s3  }
0x6: {  	s5 =	sadd.s32 $0x1400, s6;
	_ =	strace $0x80000047;
	s7 =	smul.u32 $0xD, s3  }
0x7: {  	p0 =	seq.s32 s9, $0x0;
	s8 =	ssub.s32 $0x2, s9;
	s4 =	sadd.s32 $0x10, s4  }
0x8: {  	s30 =	sshrl.u32 s8, $0x1;
	s3 =	sadd.s32 $0xF43800, s6;
	s4 =	smov.u32 @p0 s7  }
0x9: {  	s6 =	sadd.s32 $0x1A400, s6;
	s11 =	ssub.s32 s8, s30;
	s10 =	sshll.u32 s4, $0x7  }
0xa: {  	s7 =	sxor.u32 $0xD, s9;
	s9 =	ssub.s32 $0xC, s9;
	s31 =	sand.u32 $0x1FFFFF80, s10  }
0xb: {  	s10 =	smax.u32 s11, $0x1;
	s11 =	simm.s32 $0x400;
	s8 =	sadd.s32 s5, s31  }
.LBB2_1:
0xc: {  	_ =	strace $0x80000048;
	s22 =	simm.s32 $0x0  }
0xd: {  	s14 =	simm.s32 $0x0;
	s15 =	simm.s32 $0x0;
	s16 =	simm.s32 $0x0  }
0xe: {  	[tilespmem:s2], [sflag:$0x1] =	stream.linear.gather [hbm4b:s8+s2], $0x400, $0x200038;
	[tilespmem:$0x10800] =	vst v63  }
0xf: {  	s17 =	simm.s32 $0x1;
	s18 =	simm.s32 $0x0;
	_ =	strace $0x90000048  }
.LBB2_2:
0x10: {  	s19 =	sadd.s32 $0x1, s22  }
0x11: {  	p0 =	seq.s32 s19, s7  }
0x12: {  	p1 =	slt.u32 s18, s9;
	s19 =	simm.s32 @p0 $0x0  }
0x13: {  	s23 =	sadd.s32 $0xFFFFFFFF, s22;
	p2 =	seq.s32 s22, $0x0;
	p0 =	sne.s32 s22, s19  }
0x14: {  	s23 =	smov.u32 @p2 s9;
	p2 =	seq.s32 s18, $0x0;
	p1 =	por !p1, !p0  }
0x15: {  	p3 =	seq.s32 @!p2 s22, s23;
	s20 =	sadd.s32 s4, s19;
	p1 =	por !p1, !p1  }
0x16: {  	p2 =	por p2, !p3;
	_ =	strace @p1 $0x80000049;
	s24 =	sshll.u32 @p1 s20, $0x7  }
0x17: {  	s21 =	sand.u32 @p1 $0x1, s17;
	s26 =	simm.s32 @p1 $0x0;
	s24 =	sand.u32 @p1 $0x1FFFFF80, s24  }
0x18: {  	s25 =	sshll.u32 @p1 s21, $0xA;
	s21 =	sadd.s32 @p1 $0x1, s21;
	s24 =	sadd.s32 @p1 s5, s24  }
0x19: {  	[tilespmem:s25], [sflag:s21] =	stream.linear.gather @p1 [hbm4b:s24+s26], $0x400, $0x200038;
	[tilespmem:$0x10800] =	vst v63  }
0x1a: {  	s21 =	sand.u32 @p2 $0x1, s16;
	_ =	strace @p1 $0x90000049  }
0x1b: {  	s21 =	sadd.s32 @p2 $0x1, s21;
	_ =	strace @p2 $0x8000004A  }
0x1c: {  	s23 =	sadd.s32 s4, s23;
	_ =	swait.ge @p2 [sflag:s21], $0x400  }
0x1d: {  	s31 =	sshra.s32 s23, $0x1F;
	s24 =	sadd.s32 s4, s22;
	[sflag:s21] =	ssyncset.done @p2 $0x0  }
0x1e: {  	s26 =	sshll.u32 s16, $0xA;
	[sflag:s21] =	ssyncadd.s32 @p2 $0xFFFFFC00;
	s21 =	sand.u32 $0x1, s15  }
0x1f: {  	s28 =	sshra.s32 s24, $0x1F;
	_ =	strace @p2 $0x9000004A;
	s25 =	sshll.u32 s21, $0xF  }
0x20: {  	_ =	strace $0x8000004B;
	s22 =	sor.u32 $0x800, s25;
	s25 =	sand.u32 $0x400, s26  }
0x21: {  	[tilespmem:s22], [sflag:$0x5] =	stream.indirect.gather [hbm4b:s3+s11], $0x20, s25, s11, $0x2000b8;
	[tilespmem:$0x10800] =	vst v63  }
0x22: {  	p4 =	slt.s32 s20, $0x1;
	p5 =	slt.s32 s24, $0x1;
	s25 =	sshrl.u32 s28, $0x1E  }
0x23: {  	s28 =	sshra.s32 s20, $0x1F;
	_ =	swait.ge [sflag:s12], $0x8000;
	s25 =	sadd.s32 s25, s24  }
0x24: {  	s30 =	sshrl.u32 s28, $0x1E;
	s28 =	simm.s32 $0x1;
	[sflag:s12] =	ssyncset.done $0x0  }
0x25: {  	s29 =	sand.u32 $0xFFFFFFFC, s25;
	s25 =	sshra.s32 s25, $0x2;
	s26 =	sadd.s32 s30, s20  }
0x26: {  	p6 =	sne.s32 s24, s29;
	s29 =	sand.u32 $0xFFFFFFFC, s26;
	s26 =	sshra.s32 s26, $0x2  }
0x27: {  	[sflag:s12] =	ssyncadd.s32 $0xFFFF8000;
	s24 =	sand.u32 $0x3, s24;
	p2 =	por !p5, !p6  }
0x28: {  	p5 =	sne.s32 s20, s29;
	s29 =	simm.s32 $0x1;
	p2 =	por !p2, !p2  }
0x29: {  	_ =	strace $0x9000004B;
	s20 =	sand.u32 $0x3, s20;
	s28 =	simm.s32 @!p2 $0x0  }
0x2a: {  	p2 =	por !p4, !p5;
	s25 =	ssub.s32 s25, s28;
	s28 =	sshrl.u32 s31, $0x1E  }
0x2b: {  	p4 =	slt.s32 s23, $0x1;
	p2 =	por !p2, !p2;
	s28 =	sadd.s32 s28, s23  }
0x2c: {  	s29 =	simm.s32 @!p2 $0x0;
	p2 =	seq.s32 s9, s18;
	s30 =	sand.u32 $0xFFFFFFFC, s28  }
0x2d: {  	s26 =	ssub.s32 s26, s29;
	s31 =	sshra.s32 s28, $0x2;
	p6 =	sne.s32 s23, s30  }
0x2e: {  	p5 =	sne.s32 s25, s26;
	p3 =	por !p4, !p6;
	p6 =	sne.s32 s24, s20  }
0x2f: {  	p0 =	por p2, p0;
	s23 =	sand.u32 $0x3, s23;
	p4 =	por p6, p5  }
0x30: {  	s20 =	simm.s32 $0x1;
	p5 =	por !p3, !p3;
	p3 =	por p2, p4  }
0x31: {  	p6 =	sne.s32 s24, s23;
	s20 =	simm.s32 @!p5 $0x0;
	s28 =	sshll.u32 @p3 s25, $0x11  }
0x32: {  	s20 =	ssub.s32 s31, s20;
	s26 =	sshll.u32 @p3 s24, $0xF;
	_ =	strace @p3 $0x8000004C  }
0x33: {  	s21 =	sadd.s32 @p3 $0x3, s21;
	p5 =	sne.s32 s25, s20;
	s20 =	sor.u32 @p3 s26, s28  }
0x34: {  	p4 =	por p6, p5;
	p6 =	sne.s32 s18, $0x0;
	s20 =	sshrl.u32 @p3 s20, $0x3  }
0x35: {  	s23 =	simm.s32 @p3 $0x0;
	p4 =	por !p6, !p4;
	s20 =	sadd.s32 @p3 s6, s20  }
0x36: {  	[hbm4b:s20+s23] =	stream.linear.scatter @p3 [tilespmem:s22], [sflag:s21], $0x8000, $0x200038;
	[tilespmem:$0x10800] =	vst v63  }
0x37: {  	s18 =	sadd.s32 $0x1, s18;
	p4 =	por !p4, !p4;
	s21 =	simm.s32 $0x1  }
0x38: {  	_ =	strace @p3 $0x9000004C;
	s20 =	sand.u32 @p4 $0x1, s14;
	s21 =	simm.s32 @!p1 $0x0  }
0x39: {  	_ =	strace @p4 $0x8000004D;
	s17 =	sadd.s32 s21, s17;
	s21 =	simm.s32 $0x1  }
0x3a: {  	s20 =	sadd.s32 @p4 $0x3, s20;
	s21 =	simm.s32 @!p0 $0x0;
	p0 =	sne.s32 s7, s18  }
.Ltmp0:
0x3b: {  	_ =	swait.ge @p4 [sflag:s20], $0x8000;
	(pc) =	sbr.rel @p0 .LBB2_2-.Ltmp0, $4  }
0x3c: {  	s22 =	simm.s32 $0x1;
	[sflag:s20] =	ssyncset.done @p4 $0x0  }
0x3d: {  	s22 =	simm.s32 @!p3 $0x0;
	[sflag:s20] =	ssyncadd.s32 @p4 $0xFFFF8000;
	s20 =	simm.s32 $0x1  }
0x3e: {  	s15 =	sadd.s32 s22, s15;
	s22 =	smov.u32 s19;
	s20 =	simm.s32 @!p4 $0x0  }
0x3f: {  	s16 =	sadd.s32 s21, s16;
	_ =	strace @p4 $0x9000004D;
	s14 =	sadd.s32 s20, s14  }
0x40: {  	s13 =	sadd.s32 $0x1, s13  }
0x41: {  	s14 =	sand.u32 $0x1, s14;
	p0 =	sne.s32 s13, s10  }
.Ltmp1:
0x42: {  	_ =	strace $0x8000004E;
	s14 =	sadd.s32 $0x3, s14;
	(pc) =	sbr.rel @p0 .LBB2_1-.Ltmp1, $4  }
0x43: {  	_ =	swait.ge [sflag:s14], $0x8000  }
0x44: {  	[sflag:s14] =	ssyncset.done $0x0  }
0x45: {  	[sflag:s14] =	ssyncadd.s32 $0xFFFF8000  }
0x46: {  	_ =	strace $0x9000004E  }
0x47: {  	_ =	sfence.sel $0x180000  }
0x48: {  	[bflag:$0x0] =	sbarrier.arrive $0xFFFF  }
0x49: {  	p0 =	sne.s32 s1, $0x0;
	_ =	strace $0x90000047  }
0x4a: {  	s0 =	sadd.s32 @!p0 $0x100000, s0;
	[bflag:$0x2] =	sbarrier.arrive $0xFFFF  }
0x4b: {  	[sflag:s0] =	ssyncadd.tile.s32 @!p0 $0x1;
	_ =	shalt  }
.Lfunc_end2:
_tile_overlayer_lowered:
.L_overlay_start_2:
0x4c: {  	(tag) =	ssettag $0x2  }
0x4d: {  	s0 =	rddreg [dreg:$0x0];
	s2 =	stileid.u32  }
0x4e: {  	s1 =	rddreg [dreg:$0x1];
	p0 =	sne.s32 s2, $0x0  }
0x4f: {  	s3 =	rddreg [dreg:$0x2];
	[bflag:$0x3] =	sbarrier.arrive $0xFFFF;
	s2 =	simm.s32 @!p0 $0x1C01  }
0x50: {  	[timem:s3], [sflag:s2] =	dma.local @!p0 [hbm:s0], s1  }
0x51: {  	s0 =	simm.s32 @!p0 $0x1  }
0x52: {  	_ =	swait.ge @!p0 [sflag:s0], s1  }
0x53: {  	s1 =	ssub.s32 @!p0 $0x0, s1;
	[sflag:s0] =	ssyncset.done @!p0 $0x0  }
0x54: {  	[sflag:s0] =	ssyncadd.s32 @!p0 s1  }
0x55: {  	[bflag:$0x3] =	sbarrier.arrive $0xFFFF  }
0x56: {  	_ =	shalt  }

// kernel: sparse-core-data-format-call.1.cloned.1.call-start
scs
called_computation.1_lowered:
.L_overlay_start_0:
0x0: {  	s2 =	sld [smem:$0x3FD9]  }
0x1: {  	s3 =	sld [smem:$0x3FFE];
	_ =	sdelay $0x1  }
0x2: {  	s1 =	srdreg.scid  }
0x3: {  	s0 =	sand.u32 $0x1, s1  }
0x4: {  	s18 =	sshll.u32 s0, $0xA;
	s2 =	sadd.s32 s3, s2  }
0x5: {  	s2 =	sadd.s32 s2, s18  }
0x6: {  	[smem:$0x3FC6] =	sst s2  }
0x7: {  	_ = 	snop  }
0x8: {  	(tm) =	ssettm $0x1  }
0x9: {  	s19 =	sld [smem:$0x3FFB];
	_ =	sdelay $0x3  }
0xa: {  	_ =	strace s19  }
0xb: {  	s2 =	sld [smem:$0x3FFC];
	_ =	sdelay $0x3  }
0xc: {  	_ =	strace s2  }
0xd: {  	s2 =	sld [smem:$0x3FFD];
	_ =	sdelay $0x3  }
0xe: {  	_ =	strace s2  }
0xf: {  	_ =	strace $0x8FFFFFFF  }
0x10: {  	s20 =	sld [smem:$0x3FDB];
	_ =	sdelay $0x1  }
0x11: {  	s21 =	simm.s32 $_scs_section_size  }
0x12: {  	s4 =	simm.s32 $_size__tile_overlayer_lowered;
	s5 =	simm.s32 $_tile_overlayer_lowered  }
0x13: {  	s6 =	simm.s32 $0x1BFF;
	s22 =	sshll.u32 s5, $0x1;
	s3 =	sadd.s32 s21, s20  }
0x14: {  	s23 =	simm.s32 $0x0;
	s4 =	sshll.u32 s4, $0x1;
	s5 =	sadd.s32 s22, s3  }
0x15: {  	[timem:s23], [sflag:s6] =	dma.local [hbm:s5], s4  }
0x16: {  	_ =	swait.ge [sflag:s6], s4  }
0x17: {  	s4 =	ssub.s32 $0x0, s4;
	[sflag:s6] =	ssyncset.done $0x0  }
0x18: {  	[sflag:s6] =	ssyncadd.s32 s4;
	_ =	sdelay $0x1  }
0x19: {  	s24 =	simm.s32 $0x1B8B  }
0x1a: {  	_ =	swait.ge [sflag:s24], $0x1  }
0x1b: {  	[sflag:s24] =	ssyncset.done $0x0  }
0x1c: {  	[sflag:s24] =	ssyncadd.s32 $0xFFFFFFFF  }
0x1d: {  	s4 =	sld [smem:$0x0]  }
0x1e: {  	s5 =	sand.u32 $0xFFFFFFFE, s1  }
0x1f: {  	p0 =	sne.s32 s1, s5  }
0x20: {  	s5 =	sshll.u32 @p0 s5, $0xE  }
0x21: {  	s5 =	sadd.s32 @p0 $0x11B8D, s5;
	s6 =	sshll.u32 @p0 s4, $0x11  }
0x22: {  	s5 =	sor.u32 @p0 s6, s5  }
0x23: {  	[sflag:s5] =	ssyncadd.remote.s32 @p0 $0x1;
	_ =	sdelay $0x1  }
0x24: {  	s5 =	simm.s32 @p0 $0x1B8D  }
0x25: {  	_ =	swait.eq @p0 [sflag:s5], $0x1  }
0x26: {  	[sflag:s5] =	ssyncadd.s32 @p0 $0xFFFFFFFF  }
0x27: {  	s6 =	sshll.u32 @!p0 s1, $0xE  }
0x28: {  	s6 =	sor.u32 @!p0 $0x4000, s6;
	s5 =	simm.s32 @!p0 $0x1B8D  }
0x29: {  	s4 =	sshll.u32 @!p0 s4, $0x11;
	s6 =	sadd.s32 @!p0 $0x11B8D, s6;
	_ =	swait.eq @!p0 [sflag:s5], $0x1  }
0x2a: {  	s4 =	sor.u32 @!p0 s4, s6;
	[sflag:s5] =	ssyncadd.s32 @!p0 $0xFFFFFFFF  }
0x2b: {  	s26 =	simm.s32 $0x1B8E;
	s25 =	sld [smem:$0x3FFE];
	[sflag:s4] =	ssyncadd.remote.s32 @!p0 $0x1  }
0x2c: {  	s27 =	simm.s32 $execute0_lowered;
	[smem:$0x3FD2] =	sst s26  }
0x2d: {  	s5 =	sshll.u32 s27, $0x1;
	_ =	strace $0x8000005A;
	[dreg:$0x1] =	wrdreg $0xFFFFFFFF  }
0x2e: {  	s28 =	simm.s32 $_size_execute0_lowered;
	s3 =	sadd.s32 s3, s5;
	[dreg:$0x0] =	wrdreg $0x0  }
0x2f: {  	s5 =	sshll.u32 s28, $0x1;
	[dreg:$0x2] =	wrdreg s3  }
0x30: {  	[dreg:$0x3] =	wrdreg s5  }
0x31: {  	[dreg:$0x4] =	wrdreg $0xC0  }
0x32: {  	_ =	task [dreg:s23], $0x5FFFF  }
0x33: {  	[dreg:$0x1] =	wrdreg $0xFFFFFFFF  }
0x34: {  	[dreg:$0x0] =	wrdreg $0x60  }
0x35: {  	[dreg:$0x2] =	wrdreg s25  }
0x36: {  	[dreg:$0x3] =	wrdreg $0x9  }
0x37: {  	_ =	task.clear_ibuf [dreg:s23], $0x4FFFF;
	_ =	strace $0x9000005A  }
0x38: {  	s29 =	simm.s32 $0x9;
	_ =	strace $0x8000005C  }
0x39: {  	_ =	swait.ge [sflag:s29], $0x1  }
0x3a: {  	[sflag:s29] =	ssyncadd.s32 $0xFFFFFFFF  }
0x3b: {  	_ =	strace $0x9000005C  }
0x3c: {  	_ =	sfence  }
0x3d: {  	s30 =	sld [smem:$0x0];
	_ =	sdelay $0x2  }
0x3e: {  	s31 =	sshll.u32 s1, $0xD;
	s1 =	sshrl.u32 s1, $0x2  }
0x3f: {  	s4 =	sand.u32 $0x4000, s31;
	s1 =	sadd.s32 s1, s30  }
0x40: {  	s0 =	sor.u32 s4, s0;
	s1 =	sshll.u32 s1, $0x11  }
0x41: {  	s0 =	sor.u32 s1, s0  }
0x42: {  	s0 =	sadd.s32 $0x8F2B, s0  }
0x43: {  	[sflag:s0] =	ssyncadd.remote.s32 $0x1  }
0x44: {  	_ =	sfence.sel $0xFFFF  }
0x45: {  	[dreg:$0x0] =	wrdreg $0xFFFFFFFF;
	(pc) =	sbr.abs _section_cstart, $3  }
0x46: {  	[dreg:$0x1] =	wrdreg $0xFFFFFFFF  }
0x47: {  	_ =	task.clear_ibuf [dreg:s23], $0x2FFFF;
	_ =	strace $0x9FFFFFFF  }
0x48: {  	(tm) =	ssettm $0x7FFFFFFF  }
0x49: {  	_ =	shalt  }
tec
execute0_lowered:
.L_overlay_start_1:
0x0: {  	(tag) =	ssettag $0x1  }
0x1: {  	s0 =	srdreg.scid  }
0x2: {  	s4 =	rddreg [dreg:$0x0];
	s7 =	simm.s32 $0x2;
	s1 =	sshll.u32 s0, $0x4  }
0x3: {  	s15 =	simm.s32 $0x0;
	s0 =	stileid.u32;
	s1 =	sand.u32 $0x10, s1  }
0x4: {  	s11 =	simm.s32 $0x400;
	s12 =	simm.s32 $0x8000;
	s3 =	sor.u32 s0, s1  }
0x5: {  	s16 =	simm.s32 $0x0;
	s13 =	simm.s32 $0x0;
	s2 =	sshll.u32 s3, $0x7  }
0x6: {  	s14 =	simm.s32 $0x0;
	s1 =	rddreg [dreg:$0x1];
	s5 =	ssub.s32 $0x1000, s2  }
0x7: {  	_ =	strace $0x8000005B;
	s3 =	sshll.u32 s3, $0xB;
	s6 =	sand.u32 $0xF80, s5  }
0x8: {  	s9 =	sadd.s32 s3, s4;
	p0 =	sne.s32 s6, $0x0;
	s6 =	simm.s32 $0x1  }
.Ltmp0:
0x9: {  	s5 =	sshrl.u32 s5, $0xC;
	s6 =	simm.s32 @!p0 $0x0;
	(pc) =	sbr.rel .LBB1_1-.Ltmp0, $4  }
0xa: {  	s3 =	simm.s32 $0x1;
	s4 =	sadd.s32 $0x1A400, s4;
	s5 =	sadd.s32 s6, s5  }
0xb: {  	[sflag:s3] =	ssyncpa.u1 $0x0;
	s8 =	sadd.s32 $0x1CA400, s9;
	s5 =	smul.u32 $0x19, s5  }
0xc: {  	[sflag:s7] =	ssyncpa.u1 $0x0;
	s7 =	sadd.s32 $0x1BA400, s9;
	p0 =	por $0x0, $0x0  }
0xd: {  	s6 =	sadd.s32 $0x1AA400, s9;
	s9 =	sadd.s32 $0x1DA400, s9;
	s10 =	sadd.s32 $0x1, s5  }
.LBB1_7:
0xe: {  	s17 =	sadd.s32 $0x4, s13  }
0xf: {  	p2 =	sgt.s32 s17, $0x63  }
0x10: {  	s17 =	simm.s32 @p2 $0x0;
	p2 =	sne.s32 s14, s10  }
.Ltmp1:
0x11: {  	p1 =	slt.u32 s14, $0x2;
	(pc) =	sbr.rel @!p2 .LBB1_8-.Ltmp1, $4  }
0x12: {  	s15 =	simm.s32 @!p1 $0x2  }
0x13: {  	s18 =	sadd.s32 $0x1, s14;
	s16 =	smov.u32 s13;
	_ =	swait.ge @!p1 [sflag:s15], $0x4000  }
0x14: {  	p0 =	por !p0, !p0;
	s14 =	smov.u32 s18;
	[sflag:s15] =	ssyncset.done @!p1 $0x0  }
0x15: {  	s13 =	smov.u32 s17;
	[sflag:s15] =	ssyncadd.s32 @!p1 $0xFFFFC000;
	s15 =	smov.u32 s2  }
.LBB1_1:
0x16: {  	p1 =	sge.u32 s14, s5  }
0x17: {  	s17 =	sxor.u32 @!p1 $0xFFFFFFFF, s14  }
0x18: {  	s18 =	sshll.u32 @!p1 s13, $0x10;
	s20 =	simm.s32 @!p1 $0x20;
	s17 =	sshll.u32 @!p1 s17, $0xE  }
0x19: {  	s21 =	simm.s32 @!p1 $0x80;
	s19 =	sadd.s32 @!p1 s18, s6;
	s17 =	sand.u32 @!p1 $0x4000, s17  }
0x1a: {  	[tilespmem:s17], [sflag:$0x1] =	stream.strided.gather @!p1 [hbm4b:s19+s20], $0x1000, s21, s20, $0x38;
	[tilespmem:$0x10100] =	vst v63  }
0x1b: {  	s19 =	sadd.s32 @!p1 s18, s7;
	s22 =	sor.u32 @!p1 $0x1000, s17  }
0x1c: {  	[tilespmem:s22], [sflag:$0x1] =	stream.strided.gather @!p1 [hbm4b:s19+s20], $0x1000, s21, s20, $0x38;
	[tilespmem:$0x10100] =	vst v63  }
0x1d: {  	s19 =	sadd.s32 @!p1 s18, s8;
	s22 =	sor.u32 @!p1 $0x2000, s17  }
0x1e: {  	[tilespmem:s22], [sflag:$0x1] =	stream.strided.gather @!p1 [hbm4b:s19+s20], $0x1000, s21, s20, $0x38;
	[tilespmem:$0x10100] =	vst v63  }
0x1f: {  	s31 =	sadd.s32 $0xFFFFFFFF, s14;
	s18 =	sadd.s32 @!p1 s18, s9;
	s17 =	sor.u32 @!p1 $0x3000, s17  }
0x20: {  	[tilespmem:s17], [sflag:$0x1] =	stream.strided.gather @!p1 [hbm4b:s18+s20], $0x1000, s21, s20, $0x38;
	[tilespmem:$0x10100] =	vst v63  }
0x21: {  	p1 =	sge.u32 s31, s5  }
.Ltmp2:
0x22: {  	_ = 	snop;
	(pc) =	sbr.rel @p1 .LBB1_7-.Ltmp2, $1  }
0x23: {  	_ =	sdelay $0x3  }
0x24: {  	s18 =	simm.s32 $0x1;
	s19 =	sand.u32 $0x1, s14  }
0x25: {  	_ =	swait.ge [sflag:s3], $0x4000;
	s18 =	simm.s32 @!p0 $0x0;
	s20 =	smul.u32 $0x10200, s19  }
0x26: {  	[sflag:s3] =	ssyncset.done $0x0;
	s17 =	smul.u32 $0x10200, s18  }
0x27: {  	s18 =	sshll.u32 s18, $0xE;
	[sflag:s3] =	ssyncadd.s32 $0xFFFFC000  }
0x28: {  	s19 =	sor.u32 $0x10, s18;
	s31 =	sshrl.u32 s20, $0x2;
	s17 =	sshrl.u32 s17, $0x2  }
0x29: {  	s20 =	simm.s32 $0x0;
	s18 =	sor.u32 $0x8000, s31;
	s17 =	sor.u32 $0x8000, s17  }
.LBB1_3:
0x2a: {  	v1 =	vld [tilespmem:s19+$0x0]  }
0x2b: {  	v0 =	vld [tilespmem:s19+$0xFFFFFFF0];
	_ =	sdelay $0x2  }
0x2c: {  	s23 =	sadd.s32 $0x0, s17  }
0x2d: {  	s21 =	simm.s32 $0x4;
	s22 =	sadd.s32 $0x20, s19;
	[tilespmem:s23+$0x810 ss:$0x81] =	vst.msk $0xffff, v1  }
.LBB1_4:
0x2e: {  	v1 =	vld [tilespmem:s22+$0x0];
	p1 =	sne.s32 s21, $0x1FC;
	[tilespmem:s23+$0x0 ss:$0x81] =	vst.msk $0xffff, v0;
	s23 =	smov.u32 s21;
	s21 =	sadd.s32 $0x4, s21  }
.Ltmp3:
0x2f: {  	v0 =	vld [tilespmem:s22+$0xFFFFFFF0];
	(pc) =	sbr.rel @p1 .LBB1_4-.Ltmp3, $4  }
0x30: {  	_ = 	snop  }
0x31: {  	s23 =	sshra.s32 s23, $0x2  }
0x32: {  	s23 =	sadd.s32 s23, s17  }
0x33: {  	s22 =	sadd.s32 $0x20, s22;
	[tilespmem:s23+$0x810 ss:$0x81] =	vst.msk $0xffff, v1  }
0x34: {  	s20 =	sadd.s32 $0x1, s20  }
0x35: {  	p1 =	sne.s32 s20, $0x4  }
.Ltmp4:
0x36: {  	_ = 	snop;
	(pc) =	sbr.rel @p1 .LBB1_3-.Ltmp4, $2  }
0x37: {  	_ =	sdelay $0x2  }
0x38: {  	[tilespmem:s23+$0x0 ss:$0x81] =	vst.msk $0xffff, v0;
	s17 =	sadd.s32 $0x1020, s17;
	s19 =	sadd.s32 $0x1000, s19  }
.Ltmp5:
0x39: {  	(pc) =	sbr.rel .LBB1_7-.Ltmp5, $4  }
0x3a: {  	s16 =	sshll.u32 s16, $0xE  }
0x3b: {  	s16 =	sadd.s32 s4, s16  }
0x3c: {  	s15 =	sadd.s32 s15, s16  }
0x3d: {  	[hbm4b:s15+s11] =	stream.strided.scatter [tilespmem:s18], [sflag:$0x2], $0x4000, s12, s11, $0x20;
	[tilespmem:$0x10100] =	vst v63  }
.LBB1_8:
0x3e: {  	_ =	sfence.sel $0x180000  }
0x3f: {  	s2 =	simm.s32 $0x1;
	[bflag:$0x0] =	sbarrier.arrive $0xFFFF  }
0x40: {  	s31 =	simm.s32 $0x2;
	[sflag:s2] =	ssyncpa.u1 $0x1  }
0x41: {  	[sflag:s31] =	ssyncpa.u1 $0x1  }
0x42: {  	p0 =	sne.s32 s0, $0x0;
	_ =	strace $0x9000005B  }
0x43: {  	s0 =	sadd.s32 @!p0 $0x100000, s1;
	[bflag:$0x2] =	sbarrier.arrive $0xFFFF  }
0x44: {  	[sflag:s0] =	ssyncadd.tile.s32 @!p0 $0x1;
	_ =	shalt  }
.Lfunc_end1:
_tile_overlayer_lowered:
.L_overlay_start_2:
0x45: {  	(tag) =	ssettag $0x2  }
0x46: {  	s0 =	rddreg [dreg:$0x0];
	s2 =	stileid.u32  }
0x47: {  	s1 =	rddreg [dreg:$0x1];
	p0 =	sne.s32 s2, $0x0  }
0x48: {  	s3 =	rddreg [dreg:$0x2];
	[bflag:$0x3] =	sbarrier.arrive $0xFFFF;
	s2 =	simm.s32 @!p0 $0x1C01  }
0x49: {  	[timem:s3], [sflag:s2] =	dma.local @!p0 [hbm:s0], s1  }
0x4a: {  	s0 =	simm.s32 @!p0 $0x1  }
0x4b: {  	_ =	swait.ge @!p0 [sflag:s0], s1  }
0x4c: {  	s1 =	ssub.s32 @!p0 $0x0, s1;
	[sflag:s0] =	ssyncset.done @!p0 $0x0  }
0x4d: {  	[sflag:s0] =	ssyncadd.s32 @!p0 s1  }
0x4e: {  	[bflag:$0x3] =	sbarrier.arrive $0xFFFF  }
0x4f: {  	_ =	shalt  }

// kernel: sparse-core-data-format-call.cloned.1.call-start
scs
called_computation_lowered:
.L_overlay_start_0:
0x0: {  	s2 =	sld [smem:$0x3FD9]  }
0x1: {  	s3 =	sld [smem:$0x3FFE];
	_ =	sdelay $0x1  }
0x2: {  	s1 =	srdreg.scid  }
0x3: {  	s0 =	sand.u32 $0x1, s1  }
0x4: {  	s18 =	sshll.u32 s0, $0xA;
	s2 =	sadd.s32 s3, s2  }
0x5: {  	s2 =	sadd.s32 s2, s18  }
0x6: {  	[smem:$0x3FC6] =	sst s2  }
0x7: {  	_ = 	snop  }
0x8: {  	(tm) =	ssettm $0x1  }
0x9: {  	s19 =	sld [smem:$0x3FFB];
	_ =	sdelay $0x3  }
0xa: {  	_ =	strace s19  }
0xb: {  	s2 =	sld [smem:$0x3FFC];
	_ =	sdelay $0x3  }
0xc: {  	_ =	strace s2  }
0xd: {  	s2 =	sld [smem:$0x3FFD];
	_ =	sdelay $0x3  }
0xe: {  	_ =	strace s2  }
0xf: {  	_ =	strace $0x8FFFFFFF  }
0x10: {  	s20 =	sld [smem:$0x3FDB];
	_ =	sdelay $0x1  }
0x11: {  	s21 =	simm.s32 $_scs_section_size  }
0x12: {  	s4 =	simm.s32 $_size__tile_overlayer_lowered;
	s5 =	simm.s32 $_tile_overlayer_lowered  }
0x13: {  	s6 =	simm.s32 $0x1BFF;
	s22 =	sshll.u32 s5, $0x1;
	s3 =	sadd.s32 s21, s20  }
0x14: {  	s23 =	simm.s32 $0x0;
	s4 =	sshll.u32 s4, $0x1;
	s5 =	sadd.s32 s22, s3  }
0x15: {  	[timem:s23], [sflag:s6] =	dma.local [hbm:s5], s4  }
0x16: {  	_ =	swait.ge [sflag:s6], s4  }
0x17: {  	s4 =	ssub.s32 $0x0, s4;
	[sflag:s6] =	ssyncset.done $0x0  }
0x18: {  	[sflag:s6] =	ssyncadd.s32 s4;
	_ =	sdelay $0x1  }
0x19: {  	s24 =	simm.s32 $0x1B8B  }
0x1a: {  	_ =	swait.ge [sflag:s24], $0x1  }
0x1b: {  	[sflag:s24] =	ssyncset.done $0x0  }
0x1c: {  	[sflag:s24] =	ssyncadd.s32 $0xFFFFFFFF  }
0x1d: {  	s4 =	sld [smem:$0x0]  }
0x1e: {  	s5 =	sand.u32 $0xFFFFFFFE, s1  }
0x1f: {  	p0 =	sne.s32 s1, s5  }
0x20: {  	s5 =	sshll.u32 @p0 s5, $0xE  }
0x21: {  	s5 =	sadd.s32 @p0 $0x11B8D, s5;
	s6 =	sshll.u32 @p0 s4, $0x11  }
0x22: {  	s5 =	sor.u32 @p0 s6, s5  }
0x23: {  	[sflag:s5] =	ssyncadd.remote.s32 @p0 $0x1;
	_ =	sdelay $0x1  }
0x24: {  	s5 =	simm.s32 @p0 $0x1B8D  }
0x25: {  	_ =	swait.eq @p0 [sflag:s5], $0x1  }
0x26: {  	[sflag:s5] =	ssyncadd.s32 @p0 $0xFFFFFFFF  }
0x27: {  	s6 =	sshll.u32 @!p0 s1, $0xE  }
0x28: {  	s6 =	sor.u32 @!p0 $0x4000, s6;
	s5 =	simm.s32 @!p0 $0x1B8D  }
0x29: {  	s4 =	sshll.u32 @!p0 s4, $0x11;
	s6 =	sadd.s32 @!p0 $0x11B8D, s6;
	_ =	swait.eq @!p0 [sflag:s5], $0x1  }
0x2a: {  	s4 =	sor.u32 @!p0 s4, s6;
	[sflag:s5] =	ssyncadd.s32 @!p0 $0xFFFFFFFF  }
0x2b: {  	s26 =	simm.s32 $0x1B8E;
	s25 =	sld [smem:$0x3FFE];
	[sflag:s4] =	ssyncadd.remote.s32 @!p0 $0x1  }
0x2c: {  	s27 =	simm.s32 $execute0_lowered;
	[smem:$0x3FD2] =	sst s26  }
0x2d: {  	s5 =	sshll.u32 s27, $0x1;
	_ =	strace $0x8000005D;
	[dreg:$0x1] =	wrdreg $0xFFFFFFFF  }
0x2e: {  	s28 =	simm.s32 $_size_execute0_lowered;
	s3 =	sadd.s32 s3, s5;
	[dreg:$0x0] =	wrdreg $0x0  }
0x2f: {  	s5 =	sshll.u32 s28, $0x1;
	[dreg:$0x2] =	wrdreg s3  }
0x30: {  	[dreg:$0x3] =	wrdreg s5  }
0x31: {  	[dreg:$0x4] =	wrdreg $0xC0  }
0x32: {  	_ =	task [dreg:s23], $0x5FFFF  }
0x33: {  	[dreg:$0x1] =	wrdreg $0xFFFFFFFF  }
0x34: {  	[dreg:$0x0] =	wrdreg $0x60  }
0x35: {  	[dreg:$0x2] =	wrdreg s25  }
0x36: {  	[dreg:$0x3] =	wrdreg $0xA  }
0x37: {  	_ =	task.clear_ibuf [dreg:s23], $0x4FFFF;
	_ =	strace $0x9000005D  }
0x38: {  	s29 =	simm.s32 $0xA;
	_ =	strace $0x8000005F  }
0x39: {  	_ =	swait.ge [sflag:s29], $0x1  }
0x3a: {  	[sflag:s29] =	ssyncadd.s32 $0xFFFFFFFF  }
0x3b: {  	_ =	strace $0x9000005F  }
0x3c: {  	_ =	sfence  }
0x3d: {  	s30 =	sld [smem:$0x0];
	_ =	sdelay $0x2  }
0x3e: {  	s31 =	sshll.u32 s1, $0xD;
	s1 =	sshrl.u32 s1, $0x2  }
0x3f: {  	s4 =	sand.u32 $0x4000, s31;
	s1 =	sadd.s32 s1, s30  }
0x40: {  	s0 =	sor.u32 s4, s0;
	s1 =	sshll.u32 s1, $0x11  }
0x41: {  	s0 =	sor.u32 s1, s0  }
0x42: {  	s0 =	sadd.s32 $0x8F2B, s0  }
0x43: {  	[sflag:s0] =	ssyncadd.remote.s32 $0x1  }
0x44: {  	_ =	sfence.sel $0xFFFF  }
0x45: {  	[dreg:$0x0] =	wrdreg $0xFFFFFFFF;
	(pc) =	sbr.abs _section_cstart, $3  }
0x46: {  	[dreg:$0x1] =	wrdreg $0xFFFFFFFF  }
0x47: {  	_ =	task.clear_ibuf [dreg:s23], $0x2FFFF;
	_ =	strace $0x9FFFFFFF  }
0x48: {  	(tm) =	ssettm $0x7FFFFFFF  }
0x49: {  	_ =	shalt  }
tec
execute0_lowered:
.L_overlay_start_1:
0x0: {  	(tag) =	ssettag $0x1  }
0x1: {  	s0 =	srdreg.scid  }
0x2: {  	s4 =	rddreg [dreg:$0x0];
	s7 =	simm.s32 $0x2;
	s1 =	sshll.u32 s0, $0x4  }
0x3: {  	s15 =	simm.s32 $0x0;
	s0 =	stileid.u32;
	s1 =	sand.u32 $0x10, s1  }
0x4: {  	s11 =	simm.s32 $0x400;
	s12 =	simm.s32 $0x8000;
	s3 =	sor.u32 s0, s1  }
0x5: {  	s16 =	simm.s32 $0x0;
	s13 =	simm.s32 $0x0;
	s2 =	sshll.u32 s3, $0x7  }
0x6: {  	s14 =	simm.s32 $0x0;
	s1 =	rddreg [dreg:$0x1];
	s5 =	ssub.s32 $0x1000, s2  }
0x7: {  	_ =	strace $0x8000005E;
	s3 =	sshll.u32 s3, $0xB;
	s6 =	sand.u32 $0xF80, s5  }
0x8: {  	s9 =	sadd.s32 s3, s4;
	p0 =	sne.s32 s6, $0x0;
	s6 =	simm.s32 $0x1  }
.Ltmp0:
0x9: {  	s5 =	sshrl.u32 s5, $0xC;
	s6 =	simm.s32 @!p0 $0x0;
	(pc) =	sbr.rel .LBB1_1-.Ltmp0, $4  }
0xa: {  	s3 =	simm.s32 $0x1;
	s4 =	sadd.s32 $0xE2A400, s4;
	s5 =	sadd.s32 s6, s5  }
0xb: {  	[sflag:s3] =	ssyncpa.u1 $0x0;
	s8 =	sadd.s32 $0x80A400, s9;
	s5 =	smul.u32 $0x19, s5  }
0xc: {  	[sflag:s7] =	ssyncpa.u1 $0x0;
	s7 =	sadd.s32 $0x7FA400, s9;
	p0 =	por $0x0, $0x0  }
0xd: {  	s6 =	sadd.s32 $0x7EA400, s9;
	s9 =	sadd.s32 $0x81A400, s9;
	s10 =	sadd.s32 $0x1, s5  }
.LBB1_7:
0xe: {  	s17 =	sadd.s32 $0x4, s13  }
0xf: {  	p2 =	sgt.s32 s17, $0x63  }
0x10: {  	s17 =	simm.s32 @p2 $0x0;
	p2 =	sne.s32 s14, s10  }
.Ltmp1:
0x11: {  	p1 =	slt.u32 s14, $0x2;
	(pc) =	sbr.rel @!p2 .LBB1_8-.Ltmp1, $4  }
0x12: {  	s15 =	simm.s32 @!p1 $0x2  }
0x13: {  	s18 =	sadd.s32 $0x1, s14;
	s16 =	smov.u32 s13;
	_ =	swait.ge @!p1 [sflag:s15], $0x4000  }
0x14: {  	p0 =	por !p0, !p0;
	s14 =	smov.u32 s18;
	[sflag:s15] =	ssyncset.done @!p1 $0x0  }
0x15: {  	s13 =	smov.u32 s17;
	[sflag:s15] =	ssyncadd.s32 @!p1 $0xFFFFC000;
	s15 =	smov.u32 s2  }
.LBB1_1:
0x16: {  	p1 =	sge.u32 s14, s5  }
0x17: {  	s17 =	sxor.u32 @!p1 $0xFFFFFFFF, s14  }
0x18: {  	s18 =	sshll.u32 @!p1 s13, $0x10;
	s20 =	simm.s32 @!p1 $0x20;
	s17 =	sshll.u32 @!p1 s17, $0xE  }
0x19: {  	s21 =	simm.s32 @!p1 $0x80;
	s19 =	sadd.s32 @!p1 s18, s6;
	s17 =	sand.u32 @!p1 $0x4000, s17  }
0x1a: {  	[tilespmem:s17], [sflag:$0x1] =	stream.strided.gather @!p1 [hbm4b:s19+s20], $0x1000, s21, s20, $0x38;
	[tilespmem:$0x10100] =	vst v63  }
0x1b: {  	s19 =	sadd.s32 @!p1 s18, s7;
	s22 =	sor.u32 @!p1 $0x1000, s17  }
0x1c: {  	[tilespmem:s22], [sflag:$0x1] =	stream.strided.gather @!p1 [hbm4b:s19+s20], $0x1000, s21, s20, $0x38;
	[tilespmem:$0x10100] =	vst v63  }
0x1d: {  	s19 =	sadd.s32 @!p1 s18, s8;
	s22 =	sor.u32 @!p1 $0x2000, s17  }
0x1e: {  	[tilespmem:s22], [sflag:$0x1] =	stream.strided.gather @!p1 [hbm4b:s19+s20], $0x1000, s21, s20, $0x38;
	[tilespmem:$0x10100] =	vst v63  }
0x1f: {  	s31 =	sadd.s32 $0xFFFFFFFF, s14;
	s18 =	sadd.s32 @!p1 s18, s9;
	s17 =	sor.u32 @!p1 $0x3000, s17  }
0x20: {  	[tilespmem:s17], [sflag:$0x1] =	stream.strided.gather @!p1 [hbm4b:s18+s20], $0x1000, s21, s20, $0x38;
	[tilespmem:$0x10100] =	vst v63  }
0x21: {  	p1 =	sge.u32 s31, s5  }
.Ltmp2:
0x22: {  	_ = 	snop;
	(pc) =	sbr.rel @p1 .LBB1_7-.Ltmp2, $1  }
0x23: {  	_ =	sdelay $0x3  }
0x24: {  	s18 =	simm.s32 $0x1;
	s19 =	sand.u32 $0x1, s14  }
0x25: {  	_ =	swait.ge [sflag:s3], $0x4000;
	s18 =	simm.s32 @!p0 $0x0;
	s20 =	smul.u32 $0x10200, s19  }
0x26: {  	[sflag:s3] =	ssyncset.done $0x0;
	s17 =	smul.u32 $0x10200, s18  }
0x27: {  	s18 =	sshll.u32 s18, $0xE;
	[sflag:s3] =	ssyncadd.s32 $0xFFFFC000  }
0x28: {  	s19 =	sor.u32 $0x10, s18;
	s31 =	sshrl.u32 s20, $0x2;
	s17 =	sshrl.u32 s17, $0x2  }
0x29: {  	s20 =	simm.s32 $0x0;
	s18 =	sor.u32 $0x8000, s31;
	s17 =	sor.u32 $0x8000, s17  }
.LBB1_3:
0x2a: {  	v1 =	vld [tilespmem:s19+$0x0]  }
0x2b: {  	v0 =	vld [tilespmem:s19+$0xFFFFFFF0];
	_ =	sdelay $0x2  }
0x2c: {  	s23 =	sadd.s32 $0x0, s17  }
0x2d: {  	s21 =	simm.s32 $0x4;
	s22 =	sadd.s32 $0x20, s19;
	[tilespmem:s23+$0x810 ss:$0x81] =	vst.msk $0xffff, v1  }
.LBB1_4:
0x2e: {  	v1 =	vld [tilespmem:s22+$0x0];
	p1 =	sne.s32 s21, $0x1FC;
	[tilespmem:s23+$0x0 ss:$0x81] =	vst.msk $0xffff, v0;
	s23 =	smov.u32 s21;
	s21 =	sadd.s32 $0x4, s21  }
.Ltmp3:
0x2f: {  	v0 =	vld [tilespmem:s22+$0xFFFFFFF0];
	(pc) =	sbr.rel @p1 .LBB1_4-.Ltmp3, $4  }
0x30: {  	_ = 	snop  }
0x31: {  	s23 =	sshra.s32 s23, $0x2  }
0x32: {  	s23 =	sadd.s32 s23, s17  }
0x33: {  	s22 =	sadd.s32 $0x20, s22;
	[tilespmem:s23+$0x810 ss:$0x81] =	vst.msk $0xffff, v1  }
0x34: {  	s20 =	sadd.s32 $0x1, s20  }
0x35: {  	p1 =	sne.s32 s20, $0x4  }
.Ltmp4:
0x36: {  	_ = 	snop;
	(pc) =	sbr.rel @p1 .LBB1_3-.Ltmp4, $2  }
0x37: {  	_ =	sdelay $0x2  }
0x38: {  	[tilespmem:s23+$0x0 ss:$0x81] =	vst.msk $0xffff, v0;
	s17 =	sadd.s32 $0x1020, s17;
	s19 =	sadd.s32 $0x1000, s19  }
.Ltmp5:
0x39: {  	(pc) =	sbr.rel .LBB1_7-.Ltmp5, $4  }
0x3a: {  	s16 =	sshll.u32 s16, $0xE  }
0x3b: {  	s16 =	sadd.s32 s4, s16  }
0x3c: {  	s15 =	sadd.s32 s15, s16  }
0x3d: {  	[hbm4b:s15+s11] =	stream.strided.scatter [tilespmem:s18], [sflag:$0x2], $0x4000, s12, s11, $0x20;
	[tilespmem:$0x10100] =	vst v63  }
.LBB1_8:
0x3e: {  	_ =	sfence.sel $0x180000  }
0x3f: {  	s2 =	simm.s32 $0x1;
	[bflag:$0x0] =	sbarrier.arrive $0xFFFF  }
0x40: {  	s31 =	simm.s32 $0x2;
	[sflag:s2] =	ssyncpa.u1 $0x1  }
0x41: {  	[sflag:s31] =	ssyncpa.u1 $0x1  }
0x42: {  	p0 =	sne.s32 s0, $0x0;
	_ =	strace $0x9000005E  }
0x43: {  	s0 =	sadd.s32 @!p0 $0x100000, s1;
	[bflag:$0x2] =	sbarrier.arrive $0xFFFF  }
0x44: {  	[sflag:s0] =	ssyncadd.tile.s32 @!p0 $0x1;
	_ =	shalt  }
.Lfunc_end1:
_tile_overlayer_lowered:
.L_overlay_start_2:
0x45: {  	(tag) =	ssettag $0x2  }
0x46: {  	s0 =	rddreg [dreg:$0x0];
	s2 =	stileid.u32  }
0x47: {  	s1 =	rddreg [dreg:$0x1];
	p0 =	sne.s32 s2, $0x0  }
0x48: {  	s3 =	rddreg [dreg:$0x2];
	[bflag:$0x3] =	sbarrier.arrive $0xFFFF;
	s2 =	simm.s32 @!p0 $0x1C01  }
0x49: {  	[timem:s3], [sflag:s2] =	dma.local @!p0 [hbm:s0], s1  }
0x4a: {  	s0 =	simm.s32 @!p0 $0x1  }
0x4b: {  	_ =	swait.ge @!p0 [sflag:s0], s1  }
0x4c: {  	s1 =	ssub.s32 @!p0 $0x0, s1;
	[sflag:s0] =	ssyncset.done @!p0 $0x0  }
0x4d: {  	[sflag:s0] =	ssyncadd.s32 @!p0 s1  }
0x4e: {  	[bflag:$0x3] =	sbarrier.arrive $0xFFFF  }
0x4f: {  	_ =	shalt  }

</sc_bundles>
